<compile_context>
chip_gen: v7x
topology: tpu7x:2x2x1
jax: 0.10.2.dev20260603
libtpu: 0.0.44.dev20260713+nightly
codegen_flags: <defaults>
</compile_context>

<pallas_src>
import functools

import jax
import jax.numpy as jnp
from jax import lax
from jax.experimental import pallas as pl
from jax.experimental.pallas import tpu as pltpu
from jax.experimental.pallas import tpu_sc as plsc

_N_POS = 128
_N_NEG = 384
_S = _N_POS + _N_NEG
_LN2 = 0.6931471805599453


def _match_body(G, p_ref, gt_ref, out_ref):
    x1 = p_ref[0, 0]
    y1 = p_ref[0, 1]
    x2 = p_ref[0, 2]
    y2 = p_ref[0, 3]
    area_b = (x2 - x1) * (y2 - y1)
    best = jnp.full(x1.shape, -1.0, jnp.float32)
    bidx = jnp.zeros(x1.shape, jnp.int32)
    for g in range(G):
        ax1 = gt_ref[0, 0, g]
        ay1 = gt_ref[0, 1, g]
        ax2 = gt_ref[0, 2, g]
        ay2 = gt_ref[0, 3, g]
        area_a = (ax2 - ax1) * (ay2 - ay1)
        w = jnp.maximum(jnp.minimum(ax2, x2) - jnp.maximum(ax1, x1), 0.0)
        h = jnp.maximum(jnp.minimum(ay2, y2) - jnp.maximum(ay1, y1), 0.0)
        inter = w * h
        iou = inter / (area_a + area_b - inter + 1e-9)
        upd = iou > best
        best = jnp.where(upd, iou, best)
        bidx = jnp.where(upd, g, bidx)
    out_ref[0, 0] = lax.bitcast_convert_type(best, jnp.int32)
    out_ref[0, 1] = bidx


def _ln(t):
    i32 = jnp.int32
    f32 = jnp.float32
    bits = plsc.bitcast(t, i32)
    e = ((bits >> 23) - 127).astype(f32)
    m = plsc.bitcast((bits & 0x007FFFFF) | 0x3F800000, f32)
    z = (m - 1.0) / (m + 1.0)
    z2 = z * z
    p = 1.0 / 9.0
    p = p * z2 + 1.0 / 7.0
    p = p * z2 + 1.0 / 5.0
    p = p * z2 + 1.0 / 3.0
    p = p * z2 + 1.0
    return e * _LN2 + 2.0 * (z * p)


def kernel(features, proposals, image_shapes, gt_boxes, gt_labels):
    del features, image_shapes
    i32 = jnp.int32
    f32 = jnp.float32
    B, N, _ = proposals.shape
    G = gt_boxes.shape[1]
    NP = N + G
    NPAD = -(-NP // 128) * 128
    NCH = -(-NP // 16)

    props_tp = jnp.pad(
        jnp.transpose(jnp.concatenate([proposals, gt_boxes], axis=1),
                      (0, 2, 1)).astype(f32),
        ((0, 0), (0, 0), (0, NPAD - NP)))
    gt_t = jnp.transpose(gt_boxes, (0, 2, 1)).astype(f32)

    perm = jnp.stack([
        jnp.argsort(
            -jax.random.uniform(jax.random.fold_in(jax.random.key(42), i), (NP,)),
            stable=True,
        ).astype(i32)
        for i in range(B)
    ])
    perm_p = jnp.pad(perm, ((0, 0), (0, NPAD - NP)))

    R = 8
    C = NPAD // R
    mvmi = pl.pallas_call(
        functools.partial(_match_body, G),
        grid=(B,),
        in_specs=[
            pl.BlockSpec((1, 4, R, C), lambda i: (i, 0, 0, 0)),
            pl.BlockSpec((1, 4, G), lambda i: (i, 0, 0), memory_space=pltpu.SMEM),
        ],
        out_specs=pl.BlockSpec((1, 2, R, C), lambda i: (i, 0, 0, 0)),
        out_shape=jax.ShapeDtypeStruct((B, 2, R, C), i32),
    )(props_tp.reshape(B, 4, R, C), gt_t)
    mvmi = mvmi.reshape(B, 2 * NPAD)

    info = plsc.get_sparse_core_info()
    NC = info.num_cores
    mesh = plsc.VectorSubcoreMesh(core_axis_name="c", subcore_axis_name="s")

    def _sc_body(vmi_h, pe_h, pp_h, gt_h, osp_h, olb_h, org_h,
                 vmi_v, pe_v, pv, gv, sa_v, op_v, or_v, ol_v, sem):
        wid = lax.axis_index("s") * NC + lax.axis_index("c")

        @pl.when(wid < B)
        def _():
            img = wid
            h1 = pltpu.async_copy(vmi_h.at[img], vmi_v, sem)
            h2 = pltpu.async_copy(pe_h.at[img], pe_v, sem)
            h3 = pltpu.async_copy(pp_h.at[img], pv, sem)
            h4 = pltpu.async_copy(gt_h.at[img], gv, sem)
            h1.wait()
            h2.wait()

            iota16 = lax.iota(i32, 16)

            def pass1(t, carry):
                def do_chunk(carry):
                    cp, cn = carry
                    base = t * 16
                    idx = pe_v[pl.ds(base, 16)]
                    valid = (base + iota16) < NP
                    hit = plsc.bitcast(plsc.load_gather(vmi_v, [idx]), f32) >= 0.5
                    posm = hit & valid
                    negm = (~hit) & valid
                    pi = posm.astype(i32)
                    ni = negm.astype(i32)
                    gp = cp + plsc.cumsum(pi) - pi
                    gn = cn + plsc.cumsum(ni) - ni
                    plsc.store_scatter(sa_v, [gp], idx,
                                       mask=posm & (gp < _N_POS))
                    plsc.store_scatter(sa_v, [gn + _N_POS], idx,
                                       mask=negm & (gn < _N_NEG))
                    return cp + jnp.sum(pi), cn + jnp.sum(ni)

                cp, cn = carry
                return lax.cond((cp < _N_POS) | (cn < _N_NEG), do_chunk,
                                lambda c: c, carry)

            tp, tn = lax.fori_loop(0, NCH, pass1, (i32(0), i32(0)))

            @pl.when((tp < _N_POS) | (tn < _N_NEG))
            def _fill():
                def fill_body(t, carry):
                    cz, cf = carry
                    base = t * 16
                    lanes = base + iota16
                    valid = lanes < NP
                    hit = plsc.bitcast(vmi_v[pl.ds(base, 16)], f32) >= 0.5
                    zm = (~hit) & valid
                    pm = hit & valid
                    zi = zm.astype(i32)
                    fi = pm.astype(i32)
                    s1 = tp + cz + plsc.cumsum(zi) - zi
                    s2 = _N_POS + tn + cf + plsc.cumsum(fi) - fi
                    plsc.store_scatter(sa_v, [s1], lanes,
                                       mask=zm & (s1 < _N_POS))
                    plsc.store_scatter(sa_v, [s2], lanes,
                                       mask=pm & (s2 < _S))
                    return cz + jnp.sum(zi), cf + jnp.sum(fi)

                lax.fori_loop(0, NCH, fill_body, (i32(0), i32(0)))

            h3.wait()
            h4.wait()

            def pass3(k, _):
                base = k * 16
                rows4 = (base + iota16) * 4
                s = sa_v[pl.ds(base, 16)]
                m = plsc.load_gather(vmi_v, [NPAD + s])
                hit = plsc.bitcast(plsc.load_gather(vmi_v, [s]), f32) >= 0.5
                gl = plsc.load_gather(gv, [4 * G + m])
                ol_v[pl.ds(base, 16)] = jnp.where(hit, gl, 0)
                pb = []
                gb = []
                for c in range(4):
                    pc = plsc.load_gather(pv, [c * NPAD + s])
                    gc = plsc.bitcast(plsc.load_gather(gv, [c * G + m]), f32)
                    plsc.store_scatter(op_v, [rows4 + c], pc)
                    pb.append(pc)
                    gb.append(gc)
                px1, py1, px2, py2 = pb
                gx1, gy1, gx2, gy2 = gb
                pw = px2 - px1
                ph = py2 - py1
                pxc = px1 + 0.5 * pw
                pyc = py1 + 0.5 * ph
                gw = gx2 - gx1
                gh = gy2 - gy1
                gxc = gx1 + 0.5 * gw
                gyc = gy1 + 0.5 * gh
                enc = (10.0 * (gxc - pxc) / pw,
                       10.0 * (gyc - pyc) / ph,
                       5.0 * _ln(gw / pw),
                       5.0 * _ln(gh / ph))
                for c in range(4):
                    plsc.store_scatter(or_v, [rows4 + c], enc[c])
                return 0

            lax.fori_loop(0, _S // 16, pass3, 0)

            o1 = pltpu.async_copy(op_v, osp_h.at[img], sem)
            o2 = pltpu.async_copy(ol_v, olb_h.at[img], sem)
            o3 = pltpu.async_copy(or_v, org_h.at[img], sem)
            o1.wait()
            o2.wait()
            o3.wait()

    sc_call = pl.kernel(
        _sc_body,
        out_type=(
            jax.ShapeDtypeStruct((B, 4 * _S), f32),
            jax.ShapeDtypeStruct((B, _S), i32),
            jax.ShapeDtypeStruct((B, 4 * _S), f32),
        ),
        mesh=mesh,
        compiler_params=pltpu.CompilerParams(needs_layout_passes=False),
        scratch_types=[
            pltpu.VMEM((2 * NPAD,), i32),
            pltpu.VMEM((NPAD,), i32),
            pltpu.VMEM((4 * NPAD,), f32),
            pltpu.VMEM((5 * G,), i32),
            pltpu.VMEM((_S,), i32),
            pltpu.VMEM((4 * _S,), f32),
            pltpu.VMEM((4 * _S,), f32),
            pltpu.VMEM((_S,), i32),
            pltpu.SemaphoreType.DMA,
        ],
    )
    gt_f = jnp.concatenate(
        [lax.bitcast_convert_type(gt_t, i32),
         gt_labels.astype(i32)[:, None]], axis=1)
    osp, olb, org = sc_call(mvmi, perm_p, props_tp.reshape(B, 4 * NPAD),
                            gt_f.reshape(B, 5 * G))
    return (osp.reshape(B, _S, 4), olb, org.reshape(B, _S, 4))

# --- scband reference (transcript-rebuilt; emitter-appended) ---
"""Pipeline reference for scband-roiheads-74809740362210 (READ-ONLY COPY).

The authoritative reference and input builder live on the scoring server;
editing this copy changes nothing except your own understanding.
"""

import jax, jax.numpy as jnp
import numpy as np


def _boxes(key, shape, scale=600.0):
    k1, k2 = jax.random.split(key)
    xy = jax.random.uniform(k1, shape[:-1] + (2,)) * scale
    wh = jax.random.uniform(k2, shape[:-1] + (2,)) * 200.0 + 8.0
    return jnp.concatenate([xy, xy + wh], axis=-1).astype(jnp.float32)


def setup_inputs(seed: int = 0):
    key = jax.random.key(seed)
    ks = jax.random.split(key, 4)
    B, N, G = 2, 5000, 64
    features = jax.random.normal(ks[0], (B, 256, 50, 50), dtype=jnp.float32)
    proposals = _boxes(ks[1], (B, N, 4))
    gt_boxes = _boxes(ks[2], (B, G, 4))
    gt_labels = jax.random.randint(ks[3], (B, G), 1, 81)
    image_shapes = jnp.array([[800, 800]] * B, dtype=jnp.int32)
    return {"features": features, "proposals": proposals, "image_shapes": image_shapes, "gt_boxes": gt_boxes, "gt_labels": gt_labels}


def _box_iou(a, b):
    area_a = (a[:, 2] - a[:, 0]) * (a[:, 3] - a[:, 1])
    area_b = (b[:, 2] - b[:, 0]) * (b[:, 3] - b[:, 1])
    lt = jnp.maximum(a[:, None, :2], b[None, :, :2])
    rb = jnp.minimum(a[:, None, 2:], b[None, :, 2:])
    wh = jnp.clip(rb - lt, 0.0)
    inter = wh[..., 0] * wh[..., 1]
    return inter / (area_a[:, None] + area_b[None, :] - inter + 1e-9)


def _encode(p, g):
    wx, wy, ww, wh = 10.0, 10.0, 5.0, 5.0
    pw = p[:, 2] - p[:, 0]
    ph = p[:, 3] - p[:, 1]
    px = p[:, 0] + 0.5 * pw
    py = p[:, 1] + 0.5 * ph
    gw = g[:, 2] - g[:, 0]
    gh = g[:, 3] - g[:, 1]
    gx = g[:, 0] + 0.5 * gw
    gy = g[:, 1] + 0.5 * gh
    dx = wx * (gx - px) / pw
    dy = wy * (gy - py) / ph
    dw = ww * jnp.log(gw / pw)
    dh = wh * jnp.log(gh / ph)
    return jnp.stack([dx, dy, dw, dh], axis=1)


def _roi_one(props_i, gt_b, gt_l, i, batch_size_per_image=512, positive_fraction=0.25):
    # add_gt_boxes
    props = jnp.concatenate([props_i, gt_b], axis=0)
    # assign_targets_to_proposals (Matcher with low=high=0.5)
    iou = _box_iou(gt_b, props)
    matched_vals = jnp.max(iou, axis=0)
    matches = jnp.argmax(iou, axis=0)
    labels = gt_l[matches]
    labels = jnp.where(matched_vals < 0.5, 0, labels)
    # BalancedPositiveNegativeSampler (fixed-size 128 pos / 384 neg slots)
    n_pos = int(batch_size_per_image * positive_fraction)
    n_neg = batch_size_per_image - n_pos
    key = jax.random.fold_in(jax.random.key(42), i)
    r = jax.random.uniform(key, (props.shape[0],))
    _, pos_idx = jax.lax.top_k(jnp.where(labels >= 1, r + 1.0, 0.0), n_pos)
    _, neg_idx = jax.lax.top_k(jnp.where(labels == 0, r + 1.0, 0.0), n_neg)
    samp = jnp.concatenate([pos_idx, neg_idx])
    s_props = props[samp]
    s_labels = labels[samp]
    m_gt = gt_b[matches[samp]]
    reg = _encode(s_props, m_gt)
    return s_props, s_labels, reg


def reference(features, proposals, image_shapes, gt_boxes, gt_labels):
    B = proposals.shape[0]
    outs = [_roi_one(proposals[i], gt_boxes[i], gt_labels[i], i) for i in range(B)]
    s_props = jnp.stack([o[0] for o in outs])
    s_labels = jnp.stack([o[1] for o in outs])
    reg = jnp.stack([o[2] for o in outs])
    return (s_props, s_labels, reg)

if __name__ == "__main__":
    import jax
    _d = setup_inputs()
    print(jax.jit(kernel)(*tuple(_d.values())))

</pallas_src>

<mosaic_0001>
#map = affine_map<(d0, d1) -> (0, 0)>
module attributes {stable_mosaic.version = 14 : i64} {
  func.func @_sc_body(%arg0: i32, %arg1: i32, %arg2: memref<2x10240xi32, #tpu.memory_space<hbm>>, %arg3: memref<2x5120xi32, #tpu.memory_space<hbm>>, %arg4: memref<2x20480xf32, #tpu.memory_space<hbm>>, %arg5: memref<2x320xi32, #tpu.memory_space<hbm>>, %arg6: memref<2x2048xf32, #tpu.memory_space<hbm>>, %arg7: memref<2x512xi32, #tpu.memory_space<hbm>>, %arg8: memref<2x2048xf32, #tpu.memory_space<hbm>>, %arg9: memref<10240xi32, #tpu.memory_space<vmem>>, %arg10: memref<5120xi32, #tpu.memory_space<vmem>>, %arg11: memref<20480xf32, #tpu.memory_space<vmem>>, %arg12: memref<320xi32, #tpu.memory_space<vmem>>, %arg13: memref<512xi32, #tpu.memory_space<vmem>>, %arg14: memref<2048xf32, #tpu.memory_space<vmem>>, %arg15: memref<2048xf32, #tpu.memory_space<vmem>>, %arg16: memref<512xi32, #tpu.memory_space<vmem>>, %arg17: memref<!tpu.dma_semaphore, #tpu.memory_space<semaphore_mem>>) attributes {dimension_semantics = [#tpu.dimension_semantics<core_parallel>, #tpu.dimension_semantics<subcore_parallel>], iteration_bounds = array<i64: 2, 16>, scalar_prefetch = 0 : i64, scratch_operands = 9 : i64, tpu.core_type = #tpu.core_type<sc_vector_subcore>, window_params = [{transform_indices = #map}, {transform_indices = #map}, {transform_indices = #map}, {transform_indices = #map}, {transform_indices = #map}, {transform_indices = #map}, {transform_indices = #map}]} {
    %mul3A = arith.constant 2 : i32
    %mul3A_0 = arith.muli %arg1, %mul3A : i32
    %add3A = arith.addi %mul3A_0, %arg0 : i32
    %lt3A = arith.constant 2 : i32
    %lt3A_1 = arith.cmpi slt, %add3A, %lt3A : i32
    %convert_element_type3A = arith.extui %lt3A_1 : i1 to i32
    %cond3A = arith.constant 0 : i32
    %cond3A_2 = arith.cmpi ne, %convert_element_type3A, %cond3A : i32
    scf.if %cond3A_2 {
      %dma_start3A = arith.constant 0 : i32
      %dma_start3A_3 = tpu.memref_slice %arg2[%add3A, %dma_start3A] : memref<2x10240xi32, #tpu.memory_space<hbm>> -> memref<1x10240xi32, #tpu.memory_space<hbm>>
      %dma_start3A_4 = tpu.memref_squeeze %dma_start3A_3 : memref<1x10240xi32, #tpu.memory_space<hbm>> -> memref<10240xi32, #tpu.memory_space<hbm>>
      %dma_start3A_5 = arith.constant 0 : i32
      %dma_start3A_6 = tpu.memref_slice %arg2[%add3A, %dma_start3A_5] : memref<2x10240xi32, #tpu.memory_space<hbm>> -> memref<1x10240xi32, #tpu.memory_space<hbm>>
      %dma_start3A_7 = tpu.memref_squeeze %dma_start3A_6 : memref<1x10240xi32, #tpu.memory_space<hbm>> -> memref<10240xi32, #tpu.memory_space<hbm>>
      tpu.enqueue_dma source(%dma_start3A_7 : memref<10240xi32, #tpu.memory_space<hbm>>) target(%arg9 : memref<10240xi32, #tpu.memory_space<vmem>>) target_semaphore(%arg17 : memref<!tpu.dma_semaphore, #tpu.memory_space<semaphore_mem>>)
      %dma_start3A_8 = arith.constant 0 : i32
      %dma_start3A_9 = tpu.memref_slice %arg3[%add3A, %dma_start3A_8] : memref<2x5120xi32, #tpu.memory_space<hbm>> -> memref<1x5120xi32, #tpu.memory_space<hbm>>
      %dma_start3A_10 = tpu.memref_squeeze %dma_start3A_9 : memref<1x5120xi32, #tpu.memory_space<hbm>> -> memref<5120xi32, #tpu.memory_space<hbm>>
      %dma_start3A_11 = arith.constant 0 : i32
      %dma_start3A_12 = tpu.memref_slice %arg3[%add3A, %dma_start3A_11] : memref<2x5120xi32, #tpu.memory_space<hbm>> -> memref<1x5120xi32, #tpu.memory_space<hbm>>
      %dma_start3A_13 = tpu.memref_squeeze %dma_start3A_12 : memref<1x5120xi32, #tpu.memory_space<hbm>> -> memref<5120xi32, #tpu.memory_space<hbm>>
      tpu.enqueue_dma source(%dma_start3A_13 : memref<5120xi32, #tpu.memory_space<hbm>>) target(%arg10 : memref<5120xi32, #tpu.memory_space<vmem>>) target_semaphore(%arg17 : memref<!tpu.dma_semaphore, #tpu.memory_space<semaphore_mem>>)
      %dma_start3A_14 = arith.constant 0 : i32
      %dma_start3A_15 = tpu.memref_slice %arg4[%add3A, %dma_start3A_14] : memref<2x20480xf32, #tpu.memory_space<hbm>> -> memref<1x20480xf32, #tpu.memory_space<hbm>>
      %dma_start3A_16 = tpu.memref_squeeze %dma_start3A_15 : memref<1x20480xf32, #tpu.memory_space<hbm>> -> memref<20480xf32, #tpu.memory_space<hbm>>
      %dma_start3A_17 = arith.constant 0 : i32
      %dma_start3A_18 = tpu.memref_slice %arg4[%add3A, %dma_start3A_17] : memref<2x20480xf32, #tpu.memory_space<hbm>> -> memref<1x20480xf32, #tpu.memory_space<hbm>>
      %dma_start3A_19 = tpu.memref_squeeze %dma_start3A_18 : memref<1x20480xf32, #tpu.memory_space<hbm>> -> memref<20480xf32, #tpu.memory_space<hbm>>
      tpu.enqueue_dma source(%dma_start3A_19 : memref<20480xf32, #tpu.memory_space<hbm>>) target(%arg11 : memref<20480xf32, #tpu.memory_space<vmem>>) target_semaphore(%arg17 : memref<!tpu.dma_semaphore, #tpu.memory_space<semaphore_mem>>)
      %dma_start3A_20 = arith.constant 0 : i32
      %dma_start3A_21 = tpu.memref_slice %arg5[%add3A, %dma_start3A_20] : memref<2x320xi32, #tpu.memory_space<hbm>> -> memref<1x320xi32, #tpu.memory_space<hbm>>
      %dma_start3A_22 = tpu.memref_squeeze %dma_start3A_21 : memref<1x320xi32, #tpu.memory_space<hbm>> -> memref<320xi32, #tpu.memory_space<hbm>>
      %dma_start3A_23 = arith.constant 0 : i32
      %dma_start3A_24 = tpu.memref_slice %arg5[%add3A, %dma_start3A_23] : memref<2x320xi32, #tpu.memory_space<hbm>> -> memref<1x320xi32, #tpu.memory_space<hbm>>
      %dma_start3A_25 = tpu.memref_squeeze %dma_start3A_24 : memref<1x320xi32, #tpu.memory_space<hbm>> -> memref<320xi32, #tpu.memory_space<hbm>>
      tpu.enqueue_dma source(%dma_start3A_25 : memref<320xi32, #tpu.memory_space<hbm>>) target(%arg12 : memref<320xi32, #tpu.memory_space<vmem>>) target_semaphore(%arg17 : memref<!tpu.dma_semaphore, #tpu.memory_space<semaphore_mem>>)
      %dma_wait3A = arith.constant 0 : i32
      %dma_wait3A_26 = tpu.memref_slice %arg2[%add3A, %dma_wait3A] : memref<2x10240xi32, #tpu.memory_space<hbm>> -> memref<1x10240xi32, #tpu.memory_space<hbm>>
      %dma_wait3A_27 = tpu.memref_squeeze %dma_wait3A_26 : memref<1x10240xi32, #tpu.memory_space<hbm>> -> memref<10240xi32, #tpu.memory_space<hbm>>
      %dma_wait3A_28 = arith.constant 0 : i32
      %dma_wait3A_29 = tpu.memref_slice %arg2[%add3A, %dma_wait3A_28] : memref<2x10240xi32, #tpu.memory_space<hbm>> -> memref<1x10240xi32, #tpu.memory_space<hbm>>
      %dma_wait3A_30 = tpu.memref_squeeze %dma_wait3A_29 : memref<1x10240xi32, #tpu.memory_space<hbm>> -> memref<10240xi32, #tpu.memory_space<hbm>>
      tpu.wait_dma2 semaphore(%arg17 : memref<!tpu.dma_semaphore, #tpu.memory_space<semaphore_mem>>) src(%dma_wait3A_30 : memref<10240xi32, #tpu.memory_space<hbm>>) dst(%arg9 : memref<10240xi32, #tpu.memory_space<vmem>>)
      %dma_wait3A_31 = arith.constant 0 : i32
      %dma_wait3A_32 = tpu.memref_slice %arg3[%add3A, %dma_wait3A_31] : memref<2x5120xi32, #tpu.memory_space<hbm>> -> memref<1x5120xi32, #tpu.memory_space<hbm>>
      %dma_wait3A_33 = tpu.memref_squeeze %dma_wait3A_32 : memref<1x5120xi32, #tpu.memory_space<hbm>> -> memref<5120xi32, #tpu.memory_space<hbm>>
      %dma_wait3A_34 = arith.constant 0 : i32
      %dma_wait3A_35 = tpu.memref_slice %arg3[%add3A, %dma_wait3A_34] : memref<2x5120xi32, #tpu.memory_space<hbm>> -> memref<1x5120xi32, #tpu.memory_space<hbm>>
      %dma_wait3A_36 = tpu.memref_squeeze %dma_wait3A_35 : memref<1x5120xi32, #tpu.memory_space<hbm>> -> memref<5120xi32, #tpu.memory_space<hbm>>
      tpu.wait_dma2 semaphore(%arg17 : memref<!tpu.dma_semaphore, #tpu.memory_space<semaphore_mem>>) src(%dma_wait3A_36 : memref<5120xi32, #tpu.memory_space<hbm>>) dst(%arg10 : memref<5120xi32, #tpu.memory_space<vmem>>)
      %iota3A = tpu.iota {dimensions = array<i32: 0>} : vector<16xi32>
      %scan3A = arith.constant 0 : i32
      %scan3A_37 = arith.constant 0 : i32
      %scan3A_38 = arith.constant 0 : i32
      %scan3A_39 = arith.constant 317 : i32
      %scan3A_40 = arith.addi %scan3A_38, %scan3A_39 : i32
      %scan3A_41 = arith.constant 1 : i32
      %scan3A_42:2 = scf.for %scan3A_106 = %scan3A_38 to %scan3A_40 step %scan3A_41 iter_args(%scan3A_107 = %scan3A, %scan3A_108 = %scan3A_37) -> (i32, i32)  : i32 {
        %lt3A_109 = arith.constant 128 : i32
        %lt3A_110 = arith.cmpi slt, %scan3A_107, %lt3A_109 : i32
        %lt3A_111 = arith.constant 384 : i32
        %lt3A_112 = arith.cmpi slt, %scan3A_108, %lt3A_111 : i32
        %or3A_113 = arith.ori %lt3A_110, %lt3A_112 : i1
        %convert_element_type3A_114 = arith.extui %or3A_113 : i1 to i32
        %cond3A_115 = arith.constant 0 : i32
        %cond3A_116 = arith.cmpi ne, %convert_element_type3A_114, %cond3A_115 : i32
        %cond3A_117:2 = scf.if %cond3A_116 -> (i32, i32) {
          %mul3A_118 = arith.constant 16 : i32
          %mul3A_119 = arith.muli %scan3A_106, %mul3A_118 : i32
          %get3A = arith.index_cast %mul3A_119 : i32 to index
          %get3A_120 = tpu.vector_load %arg10[%get3A] {strides = array<i32>} : memref<5120xi32, #tpu.memory_space<vmem>>, vector<16xi32>,
          %add3A_121 = vector.broadcast %mul3A_119 : i32 to vector<16xi32>
          %add3A_122 = arith.addi %add3A_121, %iota3A : vector<16xi32>
          %lt3A_123 = arith.constant 5064 : i32
          %lt3A_124 = vector.broadcast %lt3A_123 : i32 to vector<16xi32>
          %lt3A_125 = arith.cmpi slt, %add3A_122, %lt3A_124 : vector<16xi32>
          %gather3A = tpu.vector_load_idx %arg9[%get3A_120] : memref<10240xi32, #tpu.memory_space<vmem>>[vector<16xi32>], vector<16xi32>,
          %bitcast3A = vector.bitcast %gather3A : vector<16xi32> to vector<16xf32>
          %ge3A = arith.constant 5.000000e-01 : f32
          %ge3A_126 = vector.broadcast %ge3A : f32 to vector<16xf32>
          %ge3A_127 = arith.cmpf oge, %bitcast3A, %ge3A_126 : vector<16xf32>
          %and3A = arith.andi %ge3A_127, %lt3A_125 : vector<16xi1>
          %not3A = arith.constant dense<true> : vector<16xi1>
          %not3A_128 = arith.xori %ge3A_127, %not3A : vector<16xi1>
          %and3A_129 = arith.andi %not3A_128, %lt3A_125 : vector<16xi1>
          %convert_element_type3A_130 = arith.extui %and3A : vector<16xi1> to vector<16xi32>
          %convert_element_type3A_131 = arith.extui %and3A_129 : vector<16xi1> to vector<16xi32>
          %broadcast_in_dim3A = arith.constant true
          %broadcast_in_dim3A_132 = vector.broadcast %broadcast_in_dim3A : i1 to vector<16xi1>
          %masked_cumsum3A = tpu.scan <sum>, %convert_element_type3A_130 masked %broadcast_in_dim3A_132 : vector<16xi32>, vector<16xi1> -> vector<16xi32>
          %add3A_133 = vector.broadcast %scan3A_107 : i32 to vector<16xi32>
          %add3A_134 = arith.addi %add3A_133, %masked_cumsum3A : vector<16xi32>
          %sub3A = arith.subi %add3A_134, %convert_element_type3A_130 : vector<16xi32>
          %broadcast_in_dim3A_135 = arith.constant true
          %broadcast_in_dim3A_136 = vector.broadcast %broadcast_in_dim3A_135 : i1 to vector<16xi1>
          %masked_cumsum3A_137 = tpu.scan <sum>, %convert_element_type3A_131 masked %broadcast_in_dim3A_136 : vector<16xi32>, vector<16xi1> -> vector<16xi32>
          %add3A_138 = vector.broadcast %scan3A_108 : i32 to vector<16xi32>
          %add3A_139 = arith.addi %add3A_138, %masked_cumsum3A_137 : vector<16xi32>
          %sub3A_140 = arith.subi %add3A_139, %convert_element_type3A_131 : vector<16xi32>
          %lt3A_141 = arith.constant 128 : i32
          %lt3A_142 = vector.broadcast %lt3A_141 : i32 to vector<16xi32>
          %lt3A_143 = arith.cmpi slt, %sub3A, %lt3A_142 : vector<16xi32>
          %and3A_144 = arith.andi %and3A, %lt3A_143 : vector<16xi1>
          tpu.vector_store_idx %arg13[%sub3A], %get3A_120 masked %and3A_144 : memref<512xi32, #tpu.memory_space<vmem>>[vector<16xi32>], vector<16xi32>, vector<16xi1>
          %add3A_145 = arith.constant 128 : i32
          %add3A_146 = vector.broadcast %add3A_145 : i32 to vector<16xi32>
          %add3A_147 = arith.addi %sub3A_140, %add3A_146 : vector<16xi32>
          %lt3A_148 = arith.constant 384 : i32
          %lt3A_149 = vector.broadcast %lt3A_148 : i32 to vector<16xi32>
          %lt3A_150 = arith.cmpi slt, %sub3A_140, %lt3A_149 : vector<16xi32>
          %and3A_151 = arith.andi %and3A_129, %lt3A_150 : vector<16xi1>
          tpu.vector_store_idx %arg13[%add3A_147], %get3A_120 masked %and3A_151 : memref<512xi32, #tpu.memory_space<vmem>>[vector<16xi32>], vector<16xi32>, vector<16xi1>
          %reduce_sum3A = arith.constant true
          %reduce_sum3A_152 = vector.broadcast %reduce_sum3A : i1 to vector<16xi1>
          %reduce_sum3A_153 = tpu.scan <sum>, %convert_element_type3A_130 masked %reduce_sum3A_152 : vector<16xi32>, vector<16xi1> -> vector<16xi32>
          %reduce_sum3A_154 = vector.extract %reduce_sum3A_153[15] : i32 from vector<16xi32>
          %add3A_155 = arith.addi %scan3A_107, %reduce_sum3A_154 : i32
          %reduce_sum3A_156 = arith.constant true
          %reduce_sum3A_157 = vector.broadcast %reduce_sum3A_156 : i1 to vector<16xi1>
          %reduce_sum3A_158 = tpu.scan <sum>, %convert_element_type3A_131 masked %reduce_sum3A_157 : vector<16xi32>, vector<16xi1> -> vector<16xi32>
          %reduce_sum3A_159 = vector.extract %reduce_sum3A_158[15] : i32 from vector<16xi32>
          %add3A_160 = arith.addi %scan3A_108, %reduce_sum3A_159 : i32
          scf.yield %add3A_155, %add3A_160 : i32, i32
        } else {
          scf.yield %scan3A_107, %scan3A_108 : i32, i32
        }
        scf.yield %cond3A_117#0, %cond3A_117#1 : i32, i32
      }
      %scan3A_43 = arith.constant 317 : i32
      %lt3A_44 = arith.constant 128 : i32
      %lt3A_45 = arith.cmpi slt, %scan3A_42#0, %lt3A_44 : i32
      %lt3A_46 = arith.constant 384 : i32
      %lt3A_47 = arith.cmpi slt, %scan3A_42#1, %lt3A_46 : i32
      %or3A = arith.ori %lt3A_45, %lt3A_47 : i1
      %convert_element_type3A_48 = arith.extui %or3A : i1 to i32
      %cond3A_49 = arith.constant 0 : i32
      %cond3A_50 = arith.cmpi ne, %convert_element_type3A_48, %cond3A_49 : i32
      scf.if %cond3A_50 {
        %scan3A_106 = arith.constant 0 : i32
        %scan3A_107 = arith.constant 0 : i32
        %scan3A_108 = arith.constant 0 : i32
        %scan3A_109 = arith.constant 317 : i32
        %scan3A_110 = arith.addi %scan3A_108, %scan3A_109 : i32
        %scan3A_111 = arith.constant 1 : i32
        %scan3A_112:2 = scf.for %scan3A_114 = %scan3A_108 to %scan3A_110 step %scan3A_111 iter_args(%scan3A_115 = %scan3A_106, %scan3A_116 = %scan3A_107) -> (i32, i32)  : i32 {
          %mul3A_117 = arith.constant 16 : i32
          %mul3A_118 = arith.muli %scan3A_114, %mul3A_117 : i32
          %add3A_119 = vector.broadcast %mul3A_118 : i32 to vector<16xi32>
          %add3A_120 = arith.addi %add3A_119, %iota3A : vector<16xi32>
          %lt3A_121 = arith.constant 5064 : i32
          %lt3A_122 = vector.broadcast %lt3A_121 : i32 to vector<16xi32>
          %lt3A_123 = arith.cmpi slt, %add3A_120, %lt3A_122 : vector<16xi32>
          %get3A = arith.index_cast %mul3A_118 : i32 to index
          %get3A_124 = tpu.vector_load %arg9[%get3A] {strides = array<i32>} : memref<10240xi32, #tpu.memory_space<vmem>>, vector<16xi32>,
          %bitcast3A = vector.bitcast %get3A_124 : vector<16xi32> to vector<16xf32>
          %ge3A = arith.constant 5.000000e-01 : f32
          %ge3A_125 = vector.broadcast %ge3A : f32 to vector<16xf32>
          %ge3A_126 = arith.cmpf oge, %bitcast3A, %ge3A_125 : vector<16xf32>
          %not3A = arith.constant dense<true> : vector<16xi1>
          %not3A_127 = arith.xori %ge3A_126, %not3A : vector<16xi1>
          %and3A = arith.andi %not3A_127, %lt3A_123 : vector<16xi1>
          %and3A_128 = arith.andi %ge3A_126, %lt3A_123 : vector<16xi1>
          %convert_element_type3A_129 = arith.extui %and3A : vector<16xi1> to vector<16xi32>
          %convert_element_type3A_130 = arith.extui %and3A_128 : vector<16xi1> to vector<16xi32>
          %add3A_131 = arith.addi %scan3A_42#0, %scan3A_115 : i32
          %broadcast_in_dim3A = arith.constant true
          %broadcast_in_dim3A_132 = vector.broadcast %broadcast_in_dim3A : i1 to vector<16xi1>
          %masked_cumsum3A = tpu.scan <sum>, %convert_element_type3A_129 masked %broadcast_in_dim3A_132 : vector<16xi32>, vector<16xi1> -> vector<16xi32>
          %add3A_133 = vector.broadcast %add3A_131 : i32 to vector<16xi32>
          %add3A_134 = arith.addi %add3A_133, %masked_cumsum3A : vector<16xi32>
          %sub3A = arith.subi %add3A_134, %convert_element_type3A_129 : vector<16xi32>
          %add3A_135 = arith.constant 128 : i32
          %add3A_136 = arith.addi %add3A_135, %scan3A_42#1 : i32
          %add3A_137 = arith.addi %add3A_136, %scan3A_116 : i32
          %broadcast_in_dim3A_138 = arith.constant true
          %broadcast_in_dim3A_139 = vector.broadcast %broadcast_in_dim3A_138 : i1 to vector<16xi1>
          %masked_cumsum3A_140 = tpu.scan <sum>, %convert_element_type3A_130 masked %broadcast_in_dim3A_139 : vector<16xi32>, vector<16xi1> -> vector<16xi32>
          %add3A_141 = vector.broadcast %add3A_137 : i32 to vector<16xi32>
          %add3A_142 = arith.addi %add3A_141, %masked_cumsum3A_140 : vector<16xi32>
          %sub3A_143 = arith.subi %add3A_142, %convert_element_type3A_130 : vector<16xi32>
          %lt3A_144 = arith.constant 128 : i32
          %lt3A_145 = vector.broadcast %lt3A_144 : i32 to vector<16xi32>
          %lt3A_146 = arith.cmpi slt, %sub3A, %lt3A_145 : vector<16xi32>
          %and3A_147 = arith.andi %and3A, %lt3A_146 : vector<16xi1>
          tpu.vector_store_idx %arg13[%sub3A], %add3A_120 masked %and3A_147 : memref<512xi32, #tpu.memory_space<vmem>>[vector<16xi32>], vector<16xi32>, vector<16xi1>
          %lt3A_148 = arith.constant 512 : i32
          %lt3A_149 = vector.broadcast %lt3A_148 : i32 to vector<16xi32>
          %lt3A_150 = arith.cmpi slt, %sub3A_143, %lt3A_149 : vector<16xi32>
          %and3A_151 = arith.andi %and3A_128, %lt3A_150 : vector<16xi1>
          tpu.vector_store_idx %arg13[%sub3A_143], %add3A_120 masked %and3A_151 : memref<512xi32, #tpu.memory_space<vmem>>[vector<16xi32>], vector<16xi32>, vector<16xi1>
          %reduce_sum3A = arith.constant true
          %reduce_sum3A_152 = vector.broadcast %reduce_sum3A : i1 to vector<16xi1>
          %reduce_sum3A_153 = tpu.scan <sum>, %convert_element_type3A_129 masked %reduce_sum3A_152 : vector<16xi32>, vector<16xi1> -> vector<16xi32>
          %reduce_sum3A_154 = vector.extract %reduce_sum3A_153[15] : i32 from vector<16xi32>
          %add3A_155 = arith.addi %scan3A_115, %reduce_sum3A_154 : i32
          %reduce_sum3A_156 = arith.constant true
          %reduce_sum3A_157 = vector.broadcast %reduce_sum3A_156 : i1 to vector<16xi1>
          %reduce_sum3A_158 = tpu.scan <sum>, %convert_element_type3A_130 masked %reduce_sum3A_157 : vector<16xi32>, vector<16xi1> -> vector<16xi32>
          %reduce_sum3A_159 = vector.extract %reduce_sum3A_158[15] : i32 from vector<16xi32>
          %add3A_160 = arith.addi %scan3A_116, %reduce_sum3A_159 : i32
          scf.yield %add3A_155, %add3A_160 : i32, i32
        }
        %scan3A_113 = arith.constant 317 : i32
      } else {
      }
      %dma_wait3A_51 = arith.constant 0 : i32
      %dma_wait3A_52 = tpu.memref_slice %arg4[%add3A, %dma_wait3A_51] : memref<2x20480xf32, #tpu.memory_space<hbm>> -> memref<1x20480xf32, #tpu.memory_space<hbm>>
      %dma_wait3A_53 = tpu.memref_squeeze %dma_wait3A_52 : memref<1x20480xf32, #tpu.memory_space<hbm>> -> memref<20480xf32, #tpu.memory_space<hbm>>
      %dma_wait3A_54 = arith.constant 0 : i32
      %dma_wait3A_55 = tpu.memref_slice %arg4[%add3A, %dma_wait3A_54] : memref<2x20480xf32, #tpu.memory_space<hbm>> -> memref<1x20480xf32, #tpu.memory_space<hbm>>
      %dma_wait3A_56 = tpu.memref_squeeze %dma_wait3A_55 : memref<1x20480xf32, #tpu.memory_space<hbm>> -> memref<20480xf32, #tpu.memory_space<hbm>>
      tpu.wait_dma2 semaphore(%arg17 : memref<!tpu.dma_semaphore, #tpu.memory_space<semaphore_mem>>) src(%dma_wait3A_56 : memref<20480xf32, #tpu.memory_space<hbm>>) dst(%arg11 : memref<20480xf32, #tpu.memory_space<vmem>>)
      %dma_wait3A_57 = arith.constant 0 : i32
      %dma_wait3A_58 = tpu.memref_slice %arg5[%add3A, %dma_wait3A_57] : memref<2x320xi32, #tpu.memory_space<hbm>> -> memref<1x320xi32, #tpu.memory_space<hbm>>
      %dma_wait3A_59 = tpu.memref_squeeze %dma_wait3A_58 : memref<1x320xi32, #tpu.memory_space<hbm>> -> memref<320xi32, #tpu.memory_space<hbm>>
      %dma_wait3A_60 = arith.constant 0 : i32
      %dma_wait3A_61 = tpu.memref_slice %arg5[%add3A, %dma_wait3A_60] : memref<2x320xi32, #tpu.memory_space<hbm>> -> memref<1x320xi32, #tpu.memory_space<hbm>>
      %dma_wait3A_62 = tpu.memref_squeeze %dma_wait3A_61 : memref<1x320xi32, #tpu.memory_space<hbm>> -> memref<320xi32, #tpu.memory_space<hbm>>
      tpu.wait_dma2 semaphore(%arg17 : memref<!tpu.dma_semaphore, #tpu.memory_space<semaphore_mem>>) src(%dma_wait3A_62 : memref<320xi32, #tpu.memory_space<hbm>>) dst(%arg12 : memref<320xi32, #tpu.memory_space<vmem>>)
      %scan3A_63 = arith.constant 0 : i32
      %scan3A_64 = arith.constant 0 : i32
      %scan3A_65 = arith.constant 32 : i32
      %scan3A_66 = arith.addi %scan3A_64, %scan3A_65 : i32
      %scan3A_67 = arith.constant 1 : i32
      %scan3A_68 = scf.for %scan3A_106 = %scan3A_64 to %scan3A_66 step %scan3A_67 iter_args(%scan3A_107 = %scan3A_63) -> (i32)  : i32 {
        %mul3A_108 = arith.constant 16 : i32
        %mul3A_109 = arith.muli %scan3A_106, %mul3A_108 : i32
        %add3A_110 = vector.broadcast %mul3A_109 : i32 to vector<16xi32>
        %add3A_111 = arith.addi %add3A_110, %iota3A : vector<16xi32>
        %mul3A_112 = arith.constant 4 : i32
        %mul3A_113 = vector.broadcast %mul3A_112 : i32 to vector<16xi32>
        %mul3A_114 = arith.muli %add3A_111, %mul3A_113 : vector<16xi32>
        %get3A = arith.index_cast %mul3A_109 : i32 to index
        %get3A_115 = tpu.vector_load %arg13[%get3A] {strides = array<i32>} : memref<512xi32, #tpu.memory_space<vmem>>, vector<16xi32>,
        %add3A_116 = arith.constant 5120 : i32
        %add3A_117 = vector.broadcast %add3A_116 : i32 to vector<16xi32>
        %add3A_118 = arith.addi %add3A_117, %get3A_115 : vector<16xi32>
        %gather3A = tpu.vector_load_idx %arg9[%add3A_118] : memref<10240xi32, #tpu.memory_space<vmem>>[vector<16xi32>], vector<16xi32>,
        %gather3A_119 = tpu.vector_load_idx %arg9[%get3A_115] : memref<10240xi32, #tpu.memory_space<vmem>>[vector<16xi32>], vector<16xi32>,
        %bitcast3A = vector.bitcast %gather3A_119 : vector<16xi32> to vector<16xf32>
        %ge3A = arith.constant 5.000000e-01 : f32
        %ge3A_120 = vector.broadcast %ge3A : f32 to vector<16xf32>
        %ge3A_121 = arith.cmpf oge, %bitcast3A, %ge3A_120 : vector<16xf32>
        %add3A_122 = arith.constant 256 : i32
        %add3A_123 = vector.broadcast %add3A_122 : i32 to vector<16xi32>
        %add3A_124 = arith.addi %add3A_123, %gather3A : vector<16xi32>
        %gather3A_125 = tpu.vector_load_idx %arg12[%add3A_124] : memref<320xi32, #tpu.memory_space<vmem>>[vector<16xi32>], vector<16xi32>,
        %jit3A = arith.constant 0 : i32
        %broadcast_in_dim3A = vector.broadcast %jit3A : i32 to vector<16xi32>
        %select_n3A = arith.select %ge3A_121, %gather3A_125, %broadcast_in_dim3A : vector<16xi1>, vector<16xi32>
        %swap3A = arith.index_cast %mul3A_109 : i32 to index
        %swap3A_126 = tpu.vector_load %arg16[%swap3A] {strides = array<i32>} : memref<512xi32, #tpu.memory_space<vmem>>, vector<16xi32>,
        tpu.vector_store %arg16[%swap3A], %select_n3A {strides = array<i32>} : memref<512xi32, #tpu.memory_space<vmem>>, vector<16xi32>,
        %add3A_127 = arith.constant 0 : i32
        %add3A_128 = vector.broadcast %add3A_127 : i32 to vector<16xi32>
        %add3A_129 = arith.addi %add3A_128, %get3A_115 : vector<16xi32>
        %gather3A_130 = tpu.vector_load_idx %arg11[%add3A_129] : memref<20480xf32, #tpu.memory_space<vmem>>[vector<16xi32>], vector<16xf32>,
        %add3A_131 = arith.constant 0 : i32
        %add3A_132 = vector.broadcast %add3A_131 : i32 to vector<16xi32>
        %add3A_133 = arith.addi %add3A_132, %gather3A : vector<16xi32>
        %gather3A_134 = tpu.vector_load_idx %arg12[%add3A_133] : memref<320xi32, #tpu.memory_space<vmem>>[vector<16xi32>], vector<16xi32>,
        %bitcast3A_135 = vector.bitcast %gather3A_134 : vector<16xi32> to vector<16xf32>
        %add3A_136 = arith.constant 0 : i32
        %add3A_137 = vector.broadcast %add3A_136 : i32 to vector<16xi32>
        %add3A_138 = arith.addi %mul3A_114, %add3A_137 : vector<16xi32>
        tpu.vector_store_idx %arg14[%add3A_138], %gather3A_130 : memref<2048xf32, #tpu.memory_space<vmem>>[vector<16xi32>], vector<16xf32>,
        %add3A_139 = arith.constant 5120 : i32
        %add3A_140 = vector.broadcast %add3A_139 : i32 to vector<16xi32>
        %add3A_141 = arith.addi %add3A_140, %get3A_115 : vector<16xi32>
        %gather3A_142 = tpu.vector_load_idx %arg11[%add3A_141] : memref<20480xf32, #tpu.memory_space<vmem>>[vector<16xi32>], vector<16xf32>,
        %add3A_143 = arith.constant 64 : i32
        %add3A_144 = vector.broadcast %add3A_143 : i32 to vector<16xi32>
        %add3A_145 = arith.addi %add3A_144, %gather3A : vector<16xi32>
        %gather3A_146 = tpu.vector_load_idx %arg12[%add3A_145] : memref<320xi32, #tpu.memory_space<vmem>>[vector<16xi32>], vector<16xi32>,
        %bitcast3A_147 = vector.bitcast %gather3A_146 : vector<16xi32> to vector<16xf32>
        %add3A_148 = arith.constant 1 : i32
        %add3A_149 = vector.broadcast %add3A_148 : i32 to vector<16xi32>
        %add3A_150 = arith.addi %mul3A_114, %add3A_149 : vector<16xi32>
        tpu.vector_store_idx %arg14[%add3A_150], %gather3A_142 : memref<2048xf32, #tpu.memory_space<vmem>>[vector<16xi32>], vector<16xf32>,
        %add3A_151 = arith.constant 10240 : i32
        %add3A_152 = vector.broadcast %add3A_151 : i32 to vector<16xi32>
        %add3A_153 = arith.addi %add3A_152, %get3A_115 : vector<16xi32>
        %gather3A_154 = tpu.vector_load_idx %arg11[%add3A_153] : memref<20480xf32, #tpu.memory_space<vmem>>[vector<16xi32>], vector<16xf32>,
        %add3A_155 = arith.constant 128 : i32
        %add3A_156 = vector.broadcast %add3A_155 : i32 to vector<16xi32>
        %add3A_157 = arith.addi %add3A_156, %gather3A : vector<16xi32>
        %gather3A_158 = tpu.vector_load_idx %arg12[%add3A_157] : memref<320xi32, #tpu.memory_space<vmem>>[vector<16xi32>], vector<16xi32>,
        %bitcast3A_159 = vector.bitcast %gather3A_158 : vector<16xi32> to vector<16xf32>
        %add3A_160 = arith.constant 2 : i32
        %add3A_161 = vector.broadcast %add3A_160 : i32 to vector<16xi32>
        %add3A_162 = arith.addi %mul3A_114, %add3A_161 : vector<16xi32>
        tpu.vector_store_idx %arg14[%add3A_162], %gather3A_154 : memref<2048xf32, #tpu.memory_space<vmem>>[vector<16xi32>], vector<16xf32>,
        %add3A_163 = arith.constant 15360 : i32
        %add3A_164 = vector.broadcast %add3A_163 : i32 to vector<16xi32>
        %add3A_165 = arith.addi %add3A_164, %get3A_115 : vector<16xi32>
        %gather3A_166 = tpu.vector_load_idx %arg11[%add3A_165] : memref<20480xf32, #tpu.memory_space<vmem>>[vector<16xi32>], vector<16xf32>,
        %add3A_167 = arith.constant 192 : i32
        %add3A_168 = vector.broadcast %add3A_167 : i32 to vector<16xi32>
        %add3A_169 = arith.addi %add3A_168, %gather3A : vector<16xi32>
        %gather3A_170 = tpu.vector_load_idx %arg12[%add3A_169] : memref<320xi32, #tpu.memory_space<vmem>>[vector<16xi32>], vector<16xi32>,
        %bitcast3A_171 = vector.bitcast %gather3A_170 : vector<16xi32> to vector<16xf32>
        %add3A_172 = arith.constant 3 : i32
        %add3A_173 = vector.broadcast %add3A_172 : i32 to vector<16xi32>
        %add3A_174 = arith.addi %mul3A_114, %add3A_173 : vector<16xi32>
        tpu.vector_store_idx %arg14[%add3A_174], %gather3A_166 : memref<2048xf32, #tpu.memory_space<vmem>>[vector<16xi32>], vector<16xf32>,
        %sub3A = arith.subf %gather3A_154, %gather3A_130 : vector<16xf32>
        %sub3A_175 = arith.subf %gather3A_166, %gather3A_142 : vector<16xf32>
        %mul3A_176 = arith.constant 5.000000e-01 : f32
        %mul3A_177 = vector.broadcast %mul3A_176 : f32 to vector<16xf32>
        %mul3A_178 = arith.mulf %mul3A_177, %sub3A : vector<16xf32>
        %add3A_179 = arith.addf %gather3A_130, %mul3A_178 : vector<16xf32>
        %mul3A_180 = arith.constant 5.000000e-01 : f32
        %mul3A_181 = vector.broadcast %mul3A_180 : f32 to vector<16xf32>
        %mul3A_182 = arith.mulf %mul3A_181, %sub3A_175 : vector<16xf32>
        %add3A_183 = arith.addf %gather3A_142, %mul3A_182 : vector<16xf32>
        %sub3A_184 = arith.subf %bitcast3A_159, %bitcast3A_135 : vector<16xf32>
        %sub3A_185 = arith.subf %bitcast3A_171, %bitcast3A_147 : vector<16xf32>
        %mul3A_186 = arith.constant 5.000000e-01 : f32
        %mul3A_187 = vector.broadcast %mul3A_186 : f32 to vector<16xf32>
        %mul3A_188 = arith.mulf %mul3A_187, %sub3A_184 : vector<16xf32>
        %add3A_189 = arith.addf %bitcast3A_135, %mul3A_188 : vector<16xf32>
        %mul3A_190 = arith.constant 5.000000e-01 : f32
        %mul3A_191 = vector.broadcast %mul3A_190 : f32 to vector<16xf32>
        %mul3A_192 = arith.mulf %mul3A_191, %sub3A_185 : vector<16xf32>
        %add3A_193 = arith.addf %bitcast3A_147, %mul3A_192 : vector<16xf32>
        %sub3A_194 = arith.subf %add3A_189, %add3A_179 : vector<16xf32>
        %mul3A_195 = arith.constant 1.000000e+01 : f32
        %mul3A_196 = vector.broadcast %mul3A_195 : f32 to vector<16xf32>
        %mul3A_197 = arith.mulf %mul3A_196, %sub3A_194 : vector<16xf32>
        %div3A = arith.divf %mul3A_197, %sub3A : vector<16xf32>
        %sub3A_198 = arith.subf %add3A_193, %add3A_183 : vector<16xf32>
        %mul3A_199 = arith.constant 1.000000e+01 : f32
        %mul3A_200 = vector.broadcast %mul3A_199 : f32 to vector<16xf32>
        %mul3A_201 = arith.mulf %mul3A_200, %sub3A_198 : vector<16xf32>
        %div3A_202 = arith.divf %mul3A_201, %sub3A_175 : vector<16xf32>
        %div3A_203 = arith.divf %sub3A_184, %sub3A : vector<16xf32>
        %bitcast3A_204 = vector.bitcast %div3A_203 : vector<16xf32> to vector<16xi32>
        %shift_right_arithmetic3A = arith.constant 23 : i32
        %shift_right_arithmetic3A_205 = vector.broadcast %shift_right_arithmetic3A : i32 to vector<16xi32>
        %shift_right_arithmetic3A_206 = arith.shrsi %bitcast3A_204, %shift_right_arithmetic3A_205 : vector<16xi32>
        %sub3A_207 = arith.constant 127 : i32
        %sub3A_208 = vector.broadcast %sub3A_207 : i32 to vector<16xi32>
        %sub3A_209 = arith.subi %shift_right_arithmetic3A_206, %sub3A_208 : vector<16xi32>
        %convert_element_type3A_210 = arith.sitofp %sub3A_209 : vector<16xi32> to vector<16xf32>
        %and3A = arith.constant 8388607 : i32
        %and3A_211 = vector.broadcast %and3A : i32 to vector<16xi32>
        %and3A_212 = arith.andi %bitcast3A_204, %and3A_211 : vector<16xi32>
        %or3A_213 = arith.constant 1065353216 : i32
        %or3A_214 = vector.broadcast %or3A_213 : i32 to vector<16xi32>
        %or3A_215 = arith.ori %and3A_212, %or3A_214 : vector<16xi32>
        %bitcast3A_216 = vector.bitcast %or3A_215 : vector<16xi32> to vector<16xf32>
        %sub3A_217 = arith.constant 1.000000e+00 : f32
        %sub3A_218 = vector.broadcast %sub3A_217 : f32 to vector<16xf32>
        %sub3A_219 = arith.subf %bitcast3A_216, %sub3A_218 : vector<16xf32>
        %add3A_220 = arith.constant 1.000000e+00 : f32
        %add3A_221 = vector.broadcast %add3A_220 : f32 to vector<16xf32>
        %add3A_222 = arith.addf %bitcast3A_216, %add3A_221 : vector<16xf32>
        %div3A_223 = arith.divf %sub3A_219, %add3A_222 : vector<16xf32>
        %mul3A_224 = arith.mulf %div3A_223, %div3A_223 : vector<16xf32>
        %mul3A_225 = arith.constant 0.111111112 : f32
        %mul3A_226 = vector.broadcast %mul3A_225 : f32 to vector<16xf32>
        %mul3A_227 = arith.mulf %mul3A_226, %mul3A_224 : vector<16xf32>
        %add3A_228 = arith.constant 0.142857149 : f32
        %add3A_229 = vector.broadcast %add3A_228 : f32 to vector<16xf32>
        %add3A_230 = arith.addf %mul3A_227, %add3A_229 : vector<16xf32>
        %mul3A_231 = arith.mulf %add3A_230, %mul3A_224 : vector<16xf32>
        %add3A_232 = arith.constant 2.000000e-01 : f32
        %add3A_233 = vector.broadcast %add3A_232 : f32 to vector<16xf32>
        %add3A_234 = arith.addf %mul3A_231, %add3A_233 : vector<16xf32>
        %mul3A_235 = arith.mulf %add3A_234, %mul3A_224 : vector<16xf32>
        %add3A_236 = arith.constant 0.333333343 : f32
        %add3A_237 = vector.broadcast %add3A_236 : f32 to vector<16xf32>
        %add3A_238 = arith.addf %mul3A_235, %add3A_237 : vector<16xf32>
        %mul3A_239 = arith.mulf %add3A_238, %mul3A_224 : vector<16xf32>
        %add3A_240 = arith.constant 1.000000e+00 : f32
        %add3A_241 = vector.broadcast %add3A_240 : f32 to vector<16xf32>
        %add3A_242 = arith.addf %mul3A_239, %add3A_241 : vector<16xf32>
        %mul3A_243 = arith.constant 0.693147182 : f32
        %mul3A_244 = vector.broadcast %mul3A_243 : f32 to vector<16xf32>
        %mul3A_245 = arith.mulf %convert_element_type3A_210, %mul3A_244 : vector<16xf32>
        %mul3A_246 = arith.mulf %div3A_223, %add3A_242 : vector<16xf32>
        %mul3A_247 = arith.constant 2.000000e+00 : f32
        %mul3A_248 = vector.broadcast %mul3A_247 : f32 to vector<16xf32>
        %mul3A_249 = arith.mulf %mul3A_248, %mul3A_246 : vector<16xf32>
        %add3A_250 = arith.addf %mul3A_245, %mul3A_249 : vector<16xf32>
        %mul3A_251 = arith.constant 5.000000e+00 : f32
        %mul3A_252 = vector.broadcast %mul3A_251 : f32 to vector<16xf32>
        %mul3A_253 = arith.mulf %mul3A_252, %add3A_250 : vector<16xf32>
        %div3A_254 = arith.divf %sub3A_185, %sub3A_175 : vector<16xf32>
        %bitcast3A_255 = vector.bitcast %div3A_254 : vector<16xf32> to vector<16xi32>
        %shift_right_arithmetic3A_256 = arith.constant 23 : i32
        %shift_right_arithmetic3A_257 = vector.broadcast %shift_right_arithmetic3A_256 : i32 to vector<16xi32>
        %shift_right_arithmetic3A_258 = arith.shrsi %bitcast3A_255, %shift_right_arithmetic3A_257 : vector<16xi32>
        %sub3A_259 = arith.constant 127 : i32
        %sub3A_260 = vector.broadcast %sub3A_259 : i32 to vector<16xi32>
        %sub3A_261 = arith.subi %shift_right_arithmetic3A_258, %sub3A_260 : vector<16xi32>
        %convert_element_type3A_262 = arith.sitofp %sub3A_261 : vector<16xi32> to vector<16xf32>
        %and3A_263 = arith.constant 8388607 : i32
        %and3A_264 = vector.broadcast %and3A_263 : i32 to vector<16xi32>
        %and3A_265 = arith.andi %bitcast3A_255, %and3A_264 : vector<16xi32>
        %or3A_266 = arith.constant 1065353216 : i32
        %or3A_267 = vector.broadcast %or3A_266 : i32 to vector<16xi32>
        %or3A_268 = arith.ori %and3A_265, %or3A_267 : vector<16xi32>
        %bitcast3A_269 = vector.bitcast %or3A_268 : vector<16xi32> to vector<16xf32>
        %sub3A_270 = arith.constant 1.000000e+00 : f32
        %sub3A_271 = vector.broadcast %sub3A_270 : f32 to vector<16xf32>
        %sub3A_272 = arith.subf %bitcast3A_269, %sub3A_271 : vector<16xf32>
        %add3A_273 = arith.constant 1.000000e+00 : f32
        %add3A_274 = vector.broadcast %add3A_273 : f32 to vector<16xf32>
        %add3A_275 = arith.addf %bitcast3A_269, %add3A_274 : vector<16xf32>
        %div3A_276 = arith.divf %sub3A_272, %add3A_275 : vector<16xf32>
        %mul3A_277 = arith.mulf %div3A_276, %div3A_276 : vector<16xf32>
        %mul3A_278 = arith.constant 0.111111112 : f32
        %mul3A_279 = vector.broadcast %mul3A_278 : f32 to vector<16xf32>
        %mul3A_280 = arith.mulf %mul3A_279, %mul3A_277 : vector<16xf32>
        %add3A_281 = arith.constant 0.142857149 : f32
        %add3A_282 = vector.broadcast %add3A_281 : f32 to vector<16xf32>
        %add3A_283 = arith.addf %mul3A_280, %add3A_282 : vector<16xf32>
        %mul3A_284 = arith.mulf %add3A_283, %mul3A_277 : vector<16xf32>
        %add3A_285 = arith.constant 2.000000e-01 : f32
        %add3A_286 = vector.broadcast %add3A_285 : f32 to vector<16xf32>
        %add3A_287 = arith.addf %mul3A_284, %add3A_286 : vector<16xf32>
        %mul3A_288 = arith.mulf %add3A_287, %mul3A_277 : vector<16xf32>
        %add3A_289 = arith.constant 0.333333343 : f32
        %add3A_290 = vector.broadcast %add3A_289 : f32 to vector<16xf32>
        %add3A_291 = arith.addf %mul3A_288, %add3A_290 : vector<16xf32>
        %mul3A_292 = arith.mulf %add3A_291, %mul3A_277 : vector<16xf32>
        %add3A_293 = arith.constant 1.000000e+00 : f32
        %add3A_294 = vector.broadcast %add3A_293 : f32 to vector<16xf32>
        %add3A_295 = arith.addf %mul3A_292, %add3A_294 : vector<16xf32>
        %mul3A_296 = arith.constant 0.693147182 : f32
        %mul3A_297 = vector.broadcast %mul3A_296 : f32 to vector<16xf32>
        %mul3A_298 = arith.mulf %convert_element_type3A_262, %mul3A_297 : vector<16xf32>
        %mul3A_299 = arith.mulf %div3A_276, %add3A_295 : vector<16xf32>
        %mul3A_300 = arith.constant 2.000000e+00 : f32
        %mul3A_301 = vector.broadcast %mul3A_300 : f32 to vector<16xf32>
        %mul3A_302 = arith.mulf %mul3A_301, %mul3A_299 : vector<16xf32>
        %add3A_303 = arith.addf %mul3A_298, %mul3A_302 : vector<16xf32>
        %mul3A_304 = arith.constant 5.000000e+00 : f32
        %mul3A_305 = vector.broadcast %mul3A_304 : f32 to vector<16xf32>
        %mul3A_306 = arith.mulf %mul3A_305, %add3A_303 : vector<16xf32>
        %add3A_307 = arith.constant 0 : i32
        %add3A_308 = vector.broadcast %add3A_307 : i32 to vector<16xi32>
        %add3A_309 = arith.addi %mul3A_114, %add3A_308 : vector<16xi32>
        tpu.vector_store_idx %arg15[%add3A_309], %div3A : memref<2048xf32, #tpu.memory_space<vmem>>[vector<16xi32>], vector<16xf32>,
        %add3A_310 = arith.constant 1 : i32
        %add3A_311 = vector.broadcast %add3A_310 : i32 to vector<16xi32>
        %add3A_312 = arith.addi %mul3A_114, %add3A_311 : vector<16xi32>
        tpu.vector_store_idx %arg15[%add3A_312], %div3A_202 : memref<2048xf32, #tpu.memory_space<vmem>>[vector<16xi32>], vector<16xf32>,
        %add3A_313 = arith.constant 2 : i32
        %add3A_314 = vector.broadcast %add3A_313 : i32 to vector<16xi32>
        %add3A_315 = arith.addi %mul3A_114, %add3A_314 : vector<16xi32>
        tpu.vector_store_idx %arg15[%add3A_315], %mul3A_253 : memref<2048xf32, #tpu.memory_space<vmem>>[vector<16xi32>], vector<16xf32>,
        %add3A_316 = arith.constant 3 : i32
        %add3A_317 = vector.broadcast %add3A_316 : i32 to vector<16xi32>
        %add3A_318 = arith.addi %mul3A_114, %add3A_317 : vector<16xi32>
        tpu.vector_store_idx %arg15[%add3A_318], %mul3A_306 : memref<2048xf32, #tpu.memory_space<vmem>>[vector<16xi32>], vector<16xf32>,
        %scan3A_319 = arith.constant 0 : i32
        scf.yield %scan3A_319 : i32
      }
      %scan3A_69 = arith.constant 32 : i32
      %dma_start3A_70 = arith.constant 0 : i32
      %dma_start3A_71 = tpu.memref_slice %arg6[%add3A, %dma_start3A_70] : memref<2x2048xf32, #tpu.memory_space<hbm>> -> memref<1x2048xf32, #tpu.memory_space<hbm>>
      %dma_start3A_72 = tpu.memref_squeeze %dma_start3A_71 : memref<1x2048xf32, #tpu.memory_space<hbm>> -> memref<2048xf32, #tpu.memory_space<hbm>>
      %dma_start3A_73 = arith.constant 0 : i32
      %dma_start3A_74 = tpu.memref_slice %arg6[%add3A, %dma_start3A_73] : memref<2x2048xf32, #tpu.memory_space<hbm>> -> memref<1x2048xf32, #tpu.memory_space<hbm>>
      %dma_start3A_75 = tpu.memref_squeeze %dma_start3A_74 : memref<1x2048xf32, #tpu.memory_space<hbm>> -> memref<2048xf32, #tpu.memory_space<hbm>>
      tpu.enqueue_dma source(%arg14 : memref<2048xf32, #tpu.memory_space<vmem>>) target(%dma_start3A_75 : memref<2048xf32, #tpu.memory_space<hbm>>) target_semaphore(%arg17 : memref<!tpu.dma_semaphore, #tpu.memory_space<semaphore_mem>>)
      %dma_start3A_76 = arith.constant 0 : i32
      %dma_start3A_77 = tpu.memref_slice %arg7[%add3A, %dma_start3A_76] : memref<2x512xi32, #tpu.memory_space<hbm>> -> memref<1x512xi32, #tpu.memory_space<hbm>>
      %dma_start3A_78 = tpu.memref_squeeze %dma_start3A_77 : memref<1x512xi32, #tpu.memory_space<hbm>> -> memref<512xi32, #tpu.memory_space<hbm>>
      %dma_start3A_79 = arith.constant 0 : i32
      %dma_start3A_80 = tpu.memref_slice %arg7[%add3A, %dma_start3A_79] : memref<2x512xi32, #tpu.memory_space<hbm>> -> memref<1x512xi32, #tpu.memory_space<hbm>>
      %dma_start3A_81 = tpu.memref_squeeze %dma_start3A_80 : memref<1x512xi32, #tpu.memory_space<hbm>> -> memref<512xi32, #tpu.memory_space<hbm>>
      tpu.enqueue_dma source(%arg16 : memref<512xi32, #tpu.memory_space<vmem>>) target(%dma_start3A_81 : memref<512xi32, #tpu.memory_space<hbm>>) target_semaphore(%arg17 : memref<!tpu.dma_semaphore, #tpu.memory_space<semaphore_mem>>)
      %dma_start3A_82 = arith.constant 0 : i32
      %dma_start3A_83 = tpu.memref_slice %arg8[%add3A, %dma_start3A_82] : memref<2x2048xf32, #tpu.memory_space<hbm>> -> memref<1x2048xf32, #tpu.memory_space<hbm>>
      %dma_start3A_84 = tpu.memref_squeeze %dma_start3A_83 : memref<1x2048xf32, #tpu.memory_space<hbm>> -> memref<2048xf32, #tpu.memory_space<hbm>>
      %dma_start3A_85 = arith.constant 0 : i32
      %dma_start3A_86 = tpu.memref_slice %arg8[%add3A, %dma_start3A_85] : memref<2x2048xf32, #tpu.memory_space<hbm>> -> memref<1x2048xf32, #tpu.memory_space<hbm>>
      %dma_start3A_87 = tpu.memref_squeeze %dma_start3A_86 : memref<1x2048xf32, #tpu.memory_space<hbm>> -> memref<2048xf32, #tpu.memory_space<hbm>>
      tpu.enqueue_dma source(%arg15 : memref<2048xf32, #tpu.memory_space<vmem>>) target(%dma_start3A_87 : memref<2048xf32, #tpu.memory_space<hbm>>) target_semaphore(%arg17 : memref<!tpu.dma_semaphore, #tpu.memory_space<semaphore_mem>>)
      %dma_wait3A_88 = arith.constant 0 : i32
      %dma_wait3A_89 = tpu.memref_slice %arg6[%add3A, %dma_wait3A_88] : memref<2x2048xf32, #tpu.memory_space<hbm>> -> memref<1x2048xf32, #tpu.memory_space<hbm>>
      %dma_wait3A_90 = tpu.memref_squeeze %dma_wait3A_89 : memref<1x2048xf32, #tpu.memory_space<hbm>> -> memref<2048xf32, #tpu.memory_space<hbm>>
      %dma_wait3A_91 = arith.constant 0 : i32
      %dma_wait3A_92 = tpu.memref_slice %arg6[%add3A, %dma_wait3A_91] : memref<2x2048xf32, #tpu.memory_space<hbm>> -> memref<1x2048xf32, #tpu.memory_space<hbm>>
      %dma_wait3A_93 = tpu.memref_squeeze %dma_wait3A_92 : memref<1x2048xf32, #tpu.memory_space<hbm>> -> memref<2048xf32, #tpu.memory_space<hbm>>
      tpu.wait_dma2 semaphore(%arg17 : memref<!tpu.dma_semaphore, #tpu.memory_space<semaphore_mem>>) src(%arg14 : memref<2048xf32, #tpu.memory_space<vmem>>) dst(%dma_wait3A_93 : memref<2048xf32, #tpu.memory_space<hbm>>)
      %dma_wait3A_94 = arith.constant 0 : i32
      %dma_wait3A_95 = tpu.memref_slice %arg7[%add3A, %dma_wait3A_94] : memref<2x512xi32, #tpu.memory_space<hbm>> -> memref<1x512xi32, #tpu.memory_space<hbm>>
      %dma_wait3A_96 = tpu.memref_squeeze %dma_wait3A_95 : memref<1x512xi32, #tpu.memory_space<hbm>> -> memref<512xi32, #tpu.memory_space<hbm>>
      %dma_wait3A_97 = arith.constant 0 : i32
      %dma_wait3A_98 = tpu.memref_slice %arg7[%add3A, %dma_wait3A_97] : memref<2x512xi32, #tpu.memory_space<hbm>> -> memref<1x512xi32, #tpu.memory_space<hbm>>
      %dma_wait3A_99 = tpu.memref_squeeze %dma_wait3A_98 : memref<1x512xi32, #tpu.memory_space<hbm>> -> memref<512xi32, #tpu.memory_space<hbm>>
      tpu.wait_dma2 semaphore(%arg17 : memref<!tpu.dma_semaphore, #tpu.memory_space<semaphore_mem>>) src(%arg16 : memref<512xi32, #tpu.memory_space<vmem>>) dst(%dma_wait3A_99 : memref<512xi32, #tpu.memory_space<hbm>>)
      %dma_wait3A_100 = arith.constant 0 : i32
      %dma_wait3A_101 = tpu.memref_slice %arg8[%add3A, %dma_wait3A_100] : memref<2x2048xf32, #tpu.memory_space<hbm>> -> memref<1x2048xf32, #tpu.memory_space<hbm>>
      %dma_wait3A_102 = tpu.memref_squeeze %dma_wait3A_101 : memref<1x2048xf32, #tpu.memory_space<hbm>> -> memref<2048xf32, #tpu.memory_space<hbm>>
      %dma_wait3A_103 = arith.constant 0 : i32
      %dma_wait3A_104 = tpu.memref_slice %arg8[%add3A, %dma_wait3A_103] : memref<2x2048xf32, #tpu.memory_space<hbm>> -> memref<1x2048xf32, #tpu.memory_space<hbm>>
      %dma_wait3A_105 = tpu.memref_squeeze %dma_wait3A_104 : memref<1x2048xf32, #tpu.memory_space<hbm>> -> memref<2048xf32, #tpu.memory_space<hbm>>
      tpu.wait_dma2 semaphore(%arg17 : memref<!tpu.dma_semaphore, #tpu.memory_space<semaphore_mem>>) src(%arg15 : memref<2048xf32, #tpu.memory_space<vmem>>) dst(%dma_wait3A_105 : memref<2048xf32, #tpu.memory_space<hbm>>)
    } else {
    }
    return
  }
}

module attributes {stable_mosaic.version = 14 : i64} {
  func.func @_match_body(%arg0: i32, %arg1: memref<1x4x8x640xf32, #tpu.memory_space<vmem>>, %arg2: memref<1x4x64xf32, #tpu.memory_space<smem>>, %arg3: memref<1x2x8x640xi32, #tpu.memory_space<vmem>>) attributes {dimension_semantics = [#tpu.dimension_semantics<arbitrary>], iteration_bounds = array<i64: 2>, scalar_prefetch = 0 : i64, scratch_operands = 0 : i64, tpu.core_type = #tpu.core_type<tc>, window_params = [{transform_indices = @transform_0, window_bounds = array<i64: 1, 4, 8, 640>}, {transform_indices = @transform_1, window_bounds = array<i64: 1, 4, 64>}, {transform_indices = @transform_2, window_bounds = array<i64: 1, 2, 8, 640>}]} {
    %get3A = arith.constant 0 : index
    %get3A_0 = arith.constant 0 : index
    %get3A_1 = arith.constant 0 : index
    %get3A_2 = arith.constant 0 : index
    %get3A_3 = vector.load %arg1[%get3A, %get3A_0, %get3A_1, %get3A_2] : memref<1x4x8x640xf32, #tpu.memory_space<vmem>>, vector<1x1x8x640xf32>
    %get3A_4 = vector.shape_cast %get3A_3 : vector<1x1x8x640xf32> to vector<8x640xf32>
    %get3A_5 = arith.constant 0 : index
    %get3A_6 = arith.constant 1 : index
    %get3A_7 = arith.constant 0 : index
    %get3A_8 = arith.constant 0 : index
    %get3A_9 = vector.load %arg1[%get3A_5, %get3A_6, %get3A_7, %get3A_8] : memref<1x4x8x640xf32, #tpu.memory_space<vmem>>, vector<1x1x8x640xf32>
    %get3A_10 = vector.shape_cast %get3A_9 : vector<1x1x8x640xf32> to vector<8x640xf32>
    %get3A_11 = arith.constant 0 : index
    %get3A_12 = arith.constant 2 : index
    %get3A_13 = arith.constant 0 : index
    %get3A_14 = arith.constant 0 : index
    %get3A_15 = vector.load %arg1[%get3A_11, %get3A_12, %get3A_13, %get3A_14] : memref<1x4x8x640xf32, #tpu.memory_space<vmem>>, vector<1x1x8x640xf32>
    %get3A_16 = vector.shape_cast %get3A_15 : vector<1x1x8x640xf32> to vector<8x640xf32>
    %get3A_17 = arith.constant 0 : index
    %get3A_18 = arith.constant 3 : index
    %get3A_19 = arith.constant 0 : index
    %get3A_20 = arith.constant 0 : index
    %get3A_21 = vector.load %arg1[%get3A_17, %get3A_18, %get3A_19, %get3A_20] : memref<1x4x8x640xf32, #tpu.memory_space<vmem>>, vector<1x1x8x640xf32>
    %get3A_22 = vector.shape_cast %get3A_21 : vector<1x1x8x640xf32> to vector<8x640xf32>
    %sub3A = arith.subf %get3A_16, %get3A_4 : vector<8x640xf32>
    %sub3A_23 = arith.subf %get3A_22, %get3A_10 : vector<8x640xf32>
    %mul3A = arith.mulf %sub3A, %sub3A_23 : vector<8x640xf32>
    %broadcast_in_dim3A = arith.constant -1.000000e+00 : f32
    %broadcast_in_dim3A_24 = vector.broadcast %broadcast_in_dim3A : f32 to vector<8x640xf32>
    %broadcast_in_dim3A_25 = arith.constant 0 : i32
    %broadcast_in_dim3A_26 = vector.broadcast %broadcast_in_dim3A_25 : i32 to vector<8x640xi32>
    %get3A_27 = arith.constant 0 : index
    %get3A_28 = arith.constant 0 : index
    %get3A_29 = arith.constant 0 : index
    %get3A_30 = memref.load %arg2[%get3A_27, %get3A_28, %get3A_29] : memref<1x4x64xf32, #tpu.memory_space<smem>>
    %get3A_31 = arith.constant 0 : index
    %get3A_32 = arith.constant 1 : index
    %get3A_33 = arith.constant 0 : index
    %get3A_34 = memref.load %arg2[%get3A_31, %get3A_32, %get3A_33] : memref<1x4x64xf32, #tpu.memory_space<smem>>
    %get3A_35 = arith.constant 0 : index
    %get3A_36 = arith.constant 2 : index
    %get3A_37 = arith.constant 0 : index
    %get3A_38 = memref.load %arg2[%get3A_35, %get3A_36, %get3A_37] : memref<1x4x64xf32, #tpu.memory_space<smem>>
    %get3A_39 = arith.constant 0 : index
    %get3A_40 = arith.constant 3 : index
    %get3A_41 = arith.constant 0 : index
    %get3A_42 = memref.load %arg2[%get3A_39, %get3A_40, %get3A_41] : memref<1x4x64xf32, #tpu.memory_space<smem>>
    %sub3A_43 = arith.subf %get3A_38, %get3A_30 : f32
    %sub3A_44 = arith.subf %get3A_42, %get3A_34 : f32
    %mul3A_45 = arith.mulf %sub3A_43, %sub3A_44 : f32
    %min3A = vector.broadcast %get3A_38 : f32 to vector<8x640xf32>
    %min3A_46 = arith.minimumf %min3A, %get3A_16 : vector<8x640xf32>
    %max3A = vector.broadcast %get3A_30 : f32 to vector<8x640xf32>
    %max3A_47 = arith.maximumf %max3A, %get3A_4 : vector<8x640xf32>
    %sub3A_48 = arith.subf %min3A_46, %max3A_47 : vector<8x640xf32>
    %max3A_49 = arith.constant 0.000000e+00 : f32
    %max3A_50 = vector.broadcast %max3A_49 : f32 to vector<8x640xf32>
    %max3A_51 = arith.maximumf %sub3A_48, %max3A_50 : vector<8x640xf32>
    %min3A_52 = vector.broadcast %get3A_42 : f32 to vector<8x640xf32>
    %min3A_53 = arith.minimumf %min3A_52, %get3A_22 : vector<8x640xf32>
    %max3A_54 = vector.broadcast %get3A_34 : f32 to vector<8x640xf32>
    %max3A_55 = arith.maximumf %max3A_54, %get3A_10 : vector<8x640xf32>
    %sub3A_56 = arith.subf %min3A_53, %max3A_55 : vector<8x640xf32>
    %max3A_57 = arith.constant 0.000000e+00 : f32
    %max3A_58 = vector.broadcast %max3A_57 : f32 to vector<8x640xf32>
    %max3A_59 = arith.maximumf %sub3A_56, %max3A_58 : vector<8x640xf32>
    %mul3A_60 = arith.mulf %max3A_51, %max3A_59 : vector<8x640xf32>
    %add3A = vector.broadcast %mul3A_45 : f32 to vector<8x640xf32>
    %add3A_61 = arith.addf %add3A, %mul3A : vector<8x640xf32>
    %sub3A_62 = arith.subf %add3A_61, %mul3A_60 : vector<8x640xf32>
    %add3A_63 = arith.constant 9.99999971E-10 : f32
    %add3A_64 = vector.broadcast %add3A_63 : f32 to vector<8x640xf32>
    %add3A_65 = arith.addf %sub3A_62, %add3A_64 : vector<8x640xf32>
    %div3A = arith.divf %mul3A_60, %add3A_65 : vector<8x640xf32>
    %gt3A = arith.cmpf ogt, %div3A, %broadcast_in_dim3A_24 : vector<8x640xf32>
    %select_n3A = arith.select %gt3A, %div3A, %broadcast_in_dim3A_24 : vector<8x640xi1>, vector<8x640xf32>
    %jit3A = arith.constant 0 : i32
    %broadcast_in_dim3A_66 = vector.broadcast %jit3A : i32 to vector<8x640xi32>
    %select_n3A_67 = arith.select %gt3A, %broadcast_in_dim3A_66, %broadcast_in_dim3A_26 : vector<8x640xi1>, vector<8x640xi32>
    %get3A_68 = arith.constant 0 : index
    %get3A_69 = arith.constant 0 : index
    %get3A_70 = arith.constant 1 : index
    %get3A_71 = memref.load %arg2[%get3A_68, %get3A_69, %get3A_70] : memref<1x4x64xf32, #tpu.memory_space<smem>>
    %get3A_72 = arith.constant 0 : index
    %get3A_73 = arith.constant 1 : index
    %get3A_74 = arith.constant 1 : index
    %get3A_75 = memref.load %arg2[%get3A_72, %get3A_73, %get3A_74] : memref<1x4x64xf32, #tpu.memory_space<smem>>
    %get3A_76 = arith.constant 0 : index
    %get3A_77 = arith.constant 2 : index
    %get3A_78 = arith.constant 1 : index
    %get3A_79 = memref.load %arg2[%get3A_76, %get3A_77, %get3A_78] : memref<1x4x64xf32, #tpu.memory_space<smem>>
    %get3A_80 = arith.constant 0 : index
    %get3A_81 = arith.constant 3 : index
    %get3A_82 = arith.constant 1 : index
    %get3A_83 = memref.load %arg2[%get3A_80, %get3A_81, %get3A_82] : memref<1x4x64xf32, #tpu.memory_space<smem>>
    %sub3A_84 = arith.subf %get3A_79, %get3A_71 : f32
    %sub3A_85 = arith.subf %get3A_83, %get3A_75 : f32
    %mul3A_86 = arith.mulf %sub3A_84, %sub3A_85 : f32
    %min3A_87 = vector.broadcast %get3A_79 : f32 to vector<8x640xf32>
    %min3A_88 = arith.minimumf %min3A_87, %get3A_16 : vector<8x640xf32>
    %max3A_89 = vector.broadcast %get3A_71 : f32 to vector<8x640xf32>
    %max3A_90 = arith.maximumf %max3A_89, %get3A_4 : vector<8x640xf32>
    %sub3A_91 = arith.subf %min3A_88, %max3A_90 : vector<8x640xf32>
    %max3A_92 = arith.constant 0.000000e+00 : f32
    %max3A_93 = vector.broadcast %max3A_92 : f32 to vector<8x640xf32>
    %max3A_94 = arith.maximumf %sub3A_91, %max3A_93 : vector<8x640xf32>
    %min3A_95 = vector.broadcast %get3A_83 : f32 to vector<8x640xf32>
    %min3A_96 = arith.minimumf %min3A_95, %get3A_22 : vector<8x640xf32>
    %max3A_97 = vector.broadcast %get3A_75 : f32 to vector<8x640xf32>
    %max3A_98 = arith.maximumf %max3A_97, %get3A_10 : vector<8x640xf32>
    %sub3A_99 = arith.subf %min3A_96, %max3A_98 : vector<8x640xf32>
    %max3A_100 = arith.constant 0.000000e+00 : f32
    %max3A_101 = vector.broadcast %max3A_100 : f32 to vector<8x640xf32>
    %max3A_102 = arith.maximumf %sub3A_99, %max3A_101 : vector<8x640xf32>
    %mul3A_103 = arith.mulf %max3A_94, %max3A_102 : vector<8x640xf32>
    %add3A_104 = vector.broadcast %mul3A_86 : f32 to vector<8x640xf32>
    %add3A_105 = arith.addf %add3A_104, %mul3A : vector<8x640xf32>
    %sub3A_106 = arith.subf %add3A_105, %mul3A_103 : vector<8x640xf32>
    %add3A_107 = arith.constant 9.99999971E-10 : f32
    %add3A_108 = vector.broadcast %add3A_107 : f32 to vector<8x640xf32>
    %add3A_109 = arith.addf %sub3A_106, %add3A_108 : vector<8x640xf32>
    %div3A_110 = arith.divf %mul3A_103, %add3A_109 : vector<8x640xf32>
    %gt3A_111 = arith.cmpf ogt, %div3A_110, %select_n3A : vector<8x640xf32>
    %select_n3A_112 = arith.select %gt3A_111, %div3A_110, %select_n3A : vector<8x640xi1>, vector<8x640xf32>
    %jit3A_113 = arith.constant 1 : i32
    %broadcast_in_dim3A_114 = vector.broadcast %jit3A_113 : i32 to vector<8x640xi32>
    %select_n3A_115 = arith.select %gt3A_111, %broadcast_in_dim3A_114, %select_n3A_67 : vector<8x640xi1>, vector<8x640xi32>
    %get3A_116 = arith.constant 0 : index
    %get3A_117 = arith.constant 0 : index
    %get3A_118 = arith.constant 2 : index
    %get3A_119 = memref.load %arg2[%get3A_116, %get3A_117, %get3A_118] : memref<1x4x64xf32, #tpu.memory_space<smem>>
    %get3A_120 = arith.constant 0 : index
    %get3A_121 = arith.constant 1 : index
    %get3A_122 = arith.constant 2 : index
    %get3A_123 = memref.load %arg2[%get3A_120, %get3A_121, %get3A_122] : memref<1x4x64xf32, #tpu.memory_space<smem>>
    %get3A_124 = arith.constant 0 : index
    %get3A_125 = arith.constant 2 : index
    %get3A_126 = arith.constant 2 : index
    %get3A_127 = memref.load %arg2[%get3A_124, %get3A_125, %get3A_126] : memref<1x4x64xf32, #tpu.memory_space<smem>>
    %get3A_128 = arith.constant 0 : index
    %get3A_129 = arith.constant 3 : index
    %get3A_130 = arith.constant 2 : index
    %get3A_131 = memref.load %arg2[%get3A_128, %get3A_129, %get3A_130] : memref<1x4x64xf32, #tpu.memory_space<smem>>
    %sub3A_132 = arith.subf %get3A_127, %get3A_119 : f32
    %sub3A_133 = arith.subf %get3A_131, %get3A_123 : f32
    %mul3A_134 = arith.mulf %sub3A_132, %sub3A_133 : f32
    %min3A_135 = vector.broadcast %get3A_127 : f32 to vector<8x640xf32>
    %min3A_136 = arith.minimumf %min3A_135, %get3A_16 : vector<8x640xf32>
    %max3A_137 = vector.broadcast %get3A_119 : f32 to vector<8x640xf32>
    %max3A_138 = arith.maximumf %max3A_137, %get3A_4 : vector<8x640xf32>
    %sub3A_139 = arith.subf %min3A_136, %max3A_138 : vector<8x640xf32>
    %max3A_140 = arith.constant 0.000000e+00 : f32
    %max3A_141 = vector.broadcast %max3A_140 : f32 to vector<8x640xf32>
    %max3A_142 = arith.maximumf %sub3A_139, %max3A_141 : vector<8x640xf32>
    %min3A_143 = vector.broadcast %get3A_131 : f32 to vector<8x640xf32>
    %min3A_144 = arith.minimumf %min3A_143, %get3A_22 : vector<8x640xf32>
    %max3A_145 = vector.broadcast %get3A_123 : f32 to vector<8x640xf32>
    %max3A_146 = arith.maximumf %max3A_145, %get3A_10 : vector<8x640xf32>
    %sub3A_147 = arith.subf %min3A_144, %max3A_146 : vector<8x640xf32>
    %max3A_148 = arith.constant 0.000000e+00 : f32
    %max3A_149 = vector.broadcast %max3A_148 : f32 to vector<8x640xf32>
    %max3A_150 = arith.maximumf %sub3A_147, %max3A_149 : vector<8x640xf32>
    %mul3A_151 = arith.mulf %max3A_142, %max3A_150 : vector<8x640xf32>
    %add3A_152 = vector.broadcast %mul3A_134 : f32 to vector<8x640xf32>
    %add3A_153 = arith.addf %add3A_152, %mul3A : vector<8x640xf32>
    %sub3A_154 = arith.subf %add3A_153, %mul3A_151 : vector<8x640xf32>
    %add3A_155 = arith.constant 9.99999971E-10 : f32
    %add3A_156 = vector.broadcast %add3A_155 : f32 to vector<8x640xf32>
    %add3A_157 = arith.addf %sub3A_154, %add3A_156 : vector<8x640xf32>
    %div3A_158 = arith.divf %mul3A_151, %add3A_157 : vector<8x640xf32>
    %gt3A_159 = arith.cmpf ogt, %div3A_158, %select_n3A_112 : vector<8x640xf32>
    %select_n3A_160 = arith.select %gt3A_159, %div3A_158, %select_n3A_112 : vector<8x640xi1>, vector<8x640xf32>
    %jit3A_161 = arith.constant 2 : i32
    %broadcast_in_dim3A_162 = vector.broadcast %jit3A_161 : i32 to vector<8x640xi32>
    %select_n3A_163 = arith.select %gt3A_159, %broadcast_in_dim3A_162, %select_n3A_115 : vector<8x640xi1>, vector<8x640xi32>
    %get3A_164 = arith.constant 0 : index
    %get3A_165 = arith.constant 0 : index
    %get3A_166 = arith.constant 3 : index
    %get3A_167 = memref.load %arg2[%get3A_164, %get3A_165, %get3A_166] : memref<1x4x64xf32, #tpu.memory_space<smem>>
    %get3A_168 = arith.constant 0 : index
    %get3A_169 = arith.constant 1 : index
    %get3A_170 = arith.constant 3 : index
    %get3A_171 = memref.load %arg2[%get3A_168, %get3A_169, %get3A_170] : memref<1x4x64xf32, #tpu.memory_space<smem>>
    %get3A_172 = arith.constant 0 : index
    %get3A_173 = arith.constant 2 : index
    %get3A_174 = arith.constant 3 : index
    %get3A_175 = memref.load %arg2[%get3A_172, %get3A_173, %get3A_174] : memref<1x4x64xf32, #tpu.memory_space<smem>>
    %get3A_176 = arith.constant 0 : index
    %get3A_177 = arith.constant 3 : index
    %get3A_178 = arith.constant 3 : index
    %get3A_179 = memref.load %arg2[%get3A_176, %get3A_177, %get3A_178] : memref<1x4x64xf32, #tpu.memory_space<smem>>
    %sub3A_180 = arith.subf %get3A_175, %get3A_167 : f32
    %sub3A_181 = arith.subf %get3A_179, %get3A_171 : f32
    %mul3A_182 = arith.mulf %sub3A_180, %sub3A_181 : f32
    %min3A_183 = vector.broadcast %get3A_175 : f32 to vector<8x640xf32>
    %min3A_184 = arith.minimumf %min3A_183, %get3A_16 : vector<8x640xf32>
    %max3A_185 = vector.broadcast %get3A_167 : f32 to vector<8x640xf32>
    %max3A_186 = arith.maximumf %max3A_185, %get3A_4 : vector<8x640xf32>
    %sub3A_187 = arith.subf %min3A_184, %max3A_186 : vector<8x640xf32>
    %max3A_188 = arith.constant 0.000000e+00 : f32
    %max3A_189 = vector.broadcast %max3A_188 : f32 to vector<8x640xf32>
    %max3A_190 = arith.maximumf %sub3A_187, %max3A_189 : vector<8x640xf32>
    %min3A_191 = vector.broadcast %get3A_179 : f32 to vector<8x640xf32>
    %min3A_192 = arith.minimumf %min3A_191, %get3A_22 : vector<8x640xf32>
    %max3A_193 = vector.broadcast %get3A_171 : f32 to vector<8x640xf32>
    %max3A_194 = arith.maximumf %max3A_193, %get3A_10 : vector<8x640xf32>
    %sub3A_195 = arith.subf %min3A_192, %max3A_194 : vector<8x640xf32>
    %max3A_196 = arith.constant 0.000000e+00 : f32
    %max3A_197 = vector.broadcast %max3A_196 : f32 to vector<8x640xf32>
    %max3A_198 = arith.maximumf %sub3A_195, %max3A_197 : vector<8x640xf32>
    %mul3A_199 = arith.mulf %max3A_190, %max3A_198 : vector<8x640xf32>
    %add3A_200 = vector.broadcast %mul3A_182 : f32 to vector<8x640xf32>
    %add3A_201 = arith.addf %add3A_200, %mul3A : vector<8x640xf32>
    %sub3A_202 = arith.subf %add3A_201, %mul3A_199 : vector<8x640xf32>
    %add3A_203 = arith.constant 9.99999971E-10 : f32
    %add3A_204 = vector.broadcast %add3A_203 : f32 to vector<8x640xf32>
    %add3A_205 = arith.addf %sub3A_202, %add3A_204 : vector<8x640xf32>
    %div3A_206 = arith.divf %mul3A_199, %add3A_205 : vector<8x640xf32>
    %gt3A_207 = arith.cmpf ogt, %div3A_206, %select_n3A_160 : vector<8x640xf32>
    %select_n3A_208 = arith.select %gt3A_207, %div3A_206, %select_n3A_160 : vector<8x640xi1>, vector<8x640xf32>
    %jit3A_209 = arith.constant 3 : i32
    %broadcast_in_dim3A_210 = vector.broadcast %jit3A_209 : i32 to vector<8x640xi32>
    %select_n3A_211 = arith.select %gt3A_207, %broadcast_in_dim3A_210, %select_n3A_163 : vector<8x640xi1>, vector<8x640xi32>
    %get3A_212 = arith.constant 0 : index
    %get3A_213 = arith.constant 0 : index
    %get3A_214 = arith.constant 4 : index
    %get3A_215 = memref.load %arg2[%get3A_212, %get3A_213, %get3A_214] : memref<1x4x64xf32, #tpu.memory_space<smem>>
    %get3A_216 = arith.constant 0 : index
    %get3A_217 = arith.constant 1 : index
    %get3A_218 = arith.constant 4 : index
    %get3A_219 = memref.load %arg2[%get3A_216, %get3A_217, %get3A_218] : memref<1x4x64xf32, #tpu.memory_space<smem>>
    %get3A_220 = arith.constant 0 : index
    %get3A_221 = arith.constant 2 : index
    %get3A_222 = arith.constant 4 : index
    %get3A_223 = memref.load %arg2[%get3A_220, %get3A_221, %get3A_222] : memref<1x4x64xf32, #tpu.memory_space<smem>>
    %get3A_224 = arith.constant 0 : index
    %get3A_225 = arith.constant 3 : index
    %get3A_226 = arith.constant 4 : index
    %get3A_227 = memref.load %arg2[%get3A_224, %get3A_225, %get3A_226] : memref<1x4x64xf32, #tpu.memory_space<smem>>
    %sub3A_228 = arith.subf %get3A_223, %get3A_215 : f32
    %sub3A_229 = arith.subf %get3A_227, %get3A_219 : f32
    %mul3A_230 = arith.mulf %sub3A_228, %sub3A_229 : f32
    %min3A_231 = vector.broadcast %get3A_223 : f32 to vector<8x640xf32>
    %min3A_232 = arith.minimumf %min3A_231, %get3A_16 : vector<8x640xf32>
    %max3A_233 = vector.broadcast %get3A_215 : f32 to vector<8x640xf32>
    %max3A_234 = arith.maximumf %max3A_233, %get3A_4 : vector<8x640xf32>
    %sub3A_235 = arith.subf %min3A_232, %max3A_234 : vector<8x640xf32>
    %max3A_236 = arith.constant 0.000000e+00 : f32
    %max3A_237 = vector.broadcast %max3A_236 : f32 to vector<8x640xf32>
    %max3A_238 = arith.maximumf %sub3A_235, %max3A_237 : vector<8x640xf32>
    %min3A_239 = vector.broadcast %get3A_227 : f32 to vector<8x640xf32>
    %min3A_240 = arith.minimumf %min3A_239, %get3A_22 : vector<8x640xf32>
    %max3A_241 = vector.broadcast %get3A_219 : f32 to vector<8x640xf32>
    %max3A_242 = arith.maximumf %max3A_241, %get3A_10 : vector<8x640xf32>
    %sub3A_243 = arith.subf %min3A_240, %max3A_242 : vector<8x640xf32>
    %max3A_244 = arith.constant 0.000000e+00 : f32
    %max3A_245 = vector.broadcast %max3A_244 : f32 to vector<8x640xf32>
    %max3A_246 = arith.maximumf %sub3A_243, %max3A_245 : vector<8x640xf32>
    %mul3A_247 = arith.mulf %max3A_238, %max3A_246 : vector<8x640xf32>
    %add3A_248 = vector.broadcast %mul3A_230 : f32 to vector<8x640xf32>
    %add3A_249 = arith.addf %add3A_248, %mul3A : vector<8x640xf32>
    %sub3A_250 = arith.subf %add3A_249, %mul3A_247 : vector<8x640xf32>
    %add3A_251 = arith.constant 9.99999971E-10 : f32
    %add3A_252 = vector.broadcast %add3A_251 : f32 to vector<8x640xf32>
    %add3A_253 = arith.addf %sub3A_250, %add3A_252 : vector<8x640xf32>
    %div3A_254 = arith.divf %mul3A_247, %add3A_253 : vector<8x640xf32>
    %gt3A_255 = arith.cmpf ogt, %div3A_254, %select_n3A_208 : vector<8x640xf32>
    %select_n3A_256 = arith.select %gt3A_255, %div3A_254, %select_n3A_208 : vector<8x640xi1>, vector<8x640xf32>
    %jit3A_257 = arith.constant 4 : i32
    %broadcast_in_dim3A_258 = vector.broadcast %jit3A_257 : i32 to vector<8x640xi32>
    %select_n3A_259 = arith.select %gt3A_255, %broadcast_in_dim3A_258, %select_n3A_211 : vector<8x640xi1>, vector<8x640xi32>
    %get3A_260 = arith.constant 0 : index
    %get3A_261 = arith.constant 0 : index
    %get3A_262 = arith.constant 5 : index
    %get3A_263 = memref.load %arg2[%get3A_260, %get3A_261, %get3A_262] : memref<1x4x64xf32, #tpu.memory_space<smem>>
    %get3A_264 = arith.constant 0 : index
    %get3A_265 = arith.constant 1 : index
    %get3A_266 = arith.constant 5 : index
    %get3A_267 = memref.load %arg2[%get3A_264, %get3A_265, %get3A_266] : memref<1x4x64xf32, #tpu.memory_space<smem>>
    %get3A_268 = arith.constant 0 : index
    %get3A_269 = arith.constant 2 : index
    %get3A_270 = arith.constant 5 : index
    %get3A_271 = memref.load %arg2[%get3A_268, %get3A_269, %get3A_270] : memref<1x4x64xf32, #tpu.memory_space<smem>>
    %get3A_272 = arith.constant 0 : index
    %get3A_273 = arith.constant 3 : index
    %get3A_274 = arith.constant 5 : index
    %get3A_275 = memref.load %arg2[%get3A_272, %get3A_273, %get3A_274] : memref<1x4x64xf32, #tpu.memory_space<smem>>
    %sub3A_276 = arith.subf %get3A_271, %get3A_263 : f32
    %sub3A_277 = arith.subf %get3A_275, %get3A_267 : f32
    %mul3A_278 = arith.mulf %sub3A_276, %sub3A_277 : f32
    %min3A_279 = vector.broadcast %get3A_271 : f32 to vector<8x640xf32>
    %min3A_280 = arith.minimumf %min3A_279, %get3A_16 : vector<8x640xf32>
    %max3A_281 = vector.broadcast %get3A_263 : f32 to vector<8x640xf32>
    %max3A_282 = arith.maximumf %max3A_281, %get3A_4 : vector<8x640xf32>
    %sub3A_283 = arith.subf %min3A_280, %max3A_282 : vector<8x640xf32>
    %max3A_284 = arith.constant 0.000000e+00 : f32
    %max3A_285 = vector.broadcast %max3A_284 : f32 to vector<8x640xf32>
    %max3A_286 = arith.maximumf %sub3A_283, %max3A_285 : vector<8x640xf32>
    %min3A_287 = vector.broadcast %get3A_275 : f32 to vector<8x640xf32>
    %min3A_288 = arith.minimumf %min3A_287, %get3A_22 : vector<8x640xf32>
    %max3A_289 = vector.broadcast %get3A_267 : f32 to vector<8x640xf32>
    %max3A_290 = arith.maximumf %max3A_289, %get3A_10 : vector<8x640xf32>
    %sub3A_291 = arith.subf %min3A_288, %max3A_290 : vector<8x640xf32>
    %max3A_292 = arith.constant 0.000000e+00 : f32
    %max3A_293 = vector.broadcast %max3A_292 : f32 to vector<8x640xf32>
    %max3A_294 = arith.maximumf %sub3A_291, %max3A_293 : vector<8x640xf32>
    %mul3A_295 = arith.mulf %max3A_286, %max3A_294 : vector<8x640xf32>
    %add3A_296 = vector.broadcast %mul3A_278 : f32 to vector<8x640xf32>
    %add3A_297 = arith.addf %add3A_296, %mul3A : vector<8x640xf32>
    %sub3A_298 = arith.subf %add3A_297, %mul3A_295 : vector<8x640xf32>
    %add3A_299 = arith.constant 9.99999971E-10 : f32
    %add3A_300 = vector.broadcast %add3A_299 : f32 to vector<8x640xf32>
    %add3A_301 = arith.addf %sub3A_298, %add3A_300 : vector<8x640xf32>
    %div3A_302 = arith.divf %mul3A_295, %add3A_301 : vector<8x640xf32>
    %gt3A_303 = arith.cmpf ogt, %div3A_302, %select_n3A_256 : vector<8x640xf32>
    %select_n3A_304 = arith.select %gt3A_303, %div3A_302, %select_n3A_256 : vector<8x640xi1>, vector<8x640xf32>
    %jit3A_305 = arith.constant 5 : i32
    %broadcast_in_dim3A_306 = vector.broadcast %jit3A_305 : i32 to vector<8x640xi32>
    %select_n3A_307 = arith.select %gt3A_303, %broadcast_in_dim3A_306, %select_n3A_259 : vector<8x640xi1>, vector<8x640xi32>
    %get3A_308 = arith.constant 0 : index
    %get3A_309 = arith.constant 0 : index
    %get3A_310 = arith.constant 6 : index
    %get3A_311 = memref.load %arg2[%get3A_308, %get3A_309, %get3A_310] : memref<1x4x64xf32, #tpu.memory_space<smem>>
    %get3A_312 = arith.constant 0 : index
    %get3A_313 = arith.constant 1 : index
    %get3A_314 = arith.constant 6 : index
    %get3A_315 = memref.load %arg2[%get3A_312, %get3A_313, %get3A_314] : memref<1x4x64xf32, #tpu.memory_space<smem>>
    %get3A_316 = arith.constant 0 : index
    %get3A_317 = arith.constant 2 : index
    %get3A_318 = arith.constant 6 : index
    %get3A_319 = memref.load %arg2[%get3A_316, %get3A_317, %get3A_318] : memref<1x4x64xf32, #tpu.memory_space<smem>>
    %get3A_320 = arith.constant 0 : index
    %get3A_321 = arith.constant 3 : index
    %get3A_322 = arith.constant 6 : index
    %get3A_323 = memref.load %arg2[%get3A_320, %get3A_321, %get3A_322] : memref<1x4x64xf32, #tpu.memory_space<smem>>
    %sub3A_324 = arith.subf %get3A_319, %get3A_311 : f32
    %sub3A_325 = arith.subf %get3A_323, %get3A_315 : f32
    %mul3A_326 = arith.mulf %sub3A_324, %sub3A_325 : f32
    %min3A_327 = vector.broadcast %get3A_319 : f32 to vector<8x640xf32>
    %min3A_328 = arith.minimumf %min3A_327, %get3A_16 : vector<8x640xf32>
    %max3A_329 = vector.broadcast %get3A_311 : f32 to vector<8x640xf32>
    %max3A_330 = arith.maximumf %max3A_329, %get3A_4 : vector<8x640xf32>
    %sub3A_331 = arith.subf %min3A_328, %max3A_330 : vector<8x640xf32>
    %max3A_332 = arith.constant 0.000000e+00 : f32
    %max3A_333 = vector.broadcast %max3A_332 : f32 to vector<8x640xf32>
    %max3A_334 = arith.maximumf %sub3A_331, %max3A_333 : vector<8x640xf32>
    %min3A_335 = vector.broadcast %get3A_323 : f32 to vector<8x640xf32>
    %min3A_336 = arith.minimumf %min3A_335, %get3A_22 : vector<8x640xf32>
    %max3A_337 = vector.broadcast %get3A_315 : f32 to vector<8x640xf32>
    %max3A_338 = arith.maximumf %max3A_337, %get3A_10 : vector<8x640xf32>
    %sub3A_339 = arith.subf %min3A_336, %max3A_338 : vector<8x640xf32>
    %max3A_340 = arith.constant 0.000000e+00 : f32
    %max3A_341 = vector.broadcast %max3A_340 : f32 to vector<8x640xf32>
    %max3A_342 = arith.maximumf %sub3A_339, %max3A_341 : vector<8x640xf32>
    %mul3A_343 = arith.mulf %max3A_334, %max3A_342 : vector<8x640xf32>
    %add3A_344 = vector.broadcast %mul3A_326 : f32 to vector<8x640xf32>
    %add3A_345 = arith.addf %add3A_344, %mul3A : vector<8x640xf32>
    %sub3A_346 = arith.subf %add3A_345, %mul3A_343 : vector<8x640xf32>
    %add3A_347 = arith.constant 9.99999971E-10 : f32
    %add3A_348 = vector.broadcast %add3A_347 : f32 to vector<8x640xf32>
    %add3A_349 = arith.addf %sub3A_346, %add3A_348 : vector<8x640xf32>
    %div3A_350 = arith.divf %mul3A_343, %add3A_349 : vector<8x640xf32>
    %gt3A_351 = arith.cmpf ogt, %div3A_350, %select_n3A_304 : vector<8x640xf32>
    %select_n3A_352 = arith.select %gt3A_351, %div3A_350, %select_n3A_304 : vector<8x640xi1>, vector<8x640xf32>
    %jit3A_353 = arith.constant 6 : i32
    %broadcast_in_dim3A_354 = vector.broadcast %jit3A_353 : i32 to vector<8x640xi32>
    %select_n3A_355 = arith.select %gt3A_351, %broadcast_in_dim3A_354, %select_n3A_307 : vector<8x640xi1>, vector<8x640xi32>
    %get3A_356 = arith.constant 0 : index
    %get3A_357 = arith.constant 0 : index
    %get3A_358 = arith.constant 7 : index
    %get3A_359 = memref.load %arg2[%get3A_356, %get3A_357, %get3A_358] : memref<1x4x64xf32, #tpu.memory_space<smem>>
    %get3A_360 = arith.constant 0 : index
    %get3A_361 = arith.constant 1 : index
    %get3A_362 = arith.constant 7 : index
    %get3A_363 = memref.load %arg2[%get3A_360, %get3A_361, %get3A_362] : memref<1x4x64xf32, #tpu.memory_space<smem>>
    %get3A_364 = arith.constant 0 : index
    %get3A_365 = arith.constant 2 : index
    %get3A_366 = arith.constant 7 : index
    %get3A_367 = memref.load %arg2[%get3A_364, %get3A_365, %get3A_366] : memref<1x4x64xf32, #tpu.memory_space<smem>>
    %get3A_368 = arith.constant 0 : index
    %get3A_369 = arith.constant 3 : index
    %get3A_370 = arith.constant 7 : index
    %get3A_371 = memref.load %arg2[%get3A_368, %get3A_369, %get3A_370] : memref<1x4x64xf32, #tpu.memory_space<smem>>
    %sub3A_372 = arith.subf %get3A_367, %get3A_359 : f32
    %sub3A_373 = arith.subf %get3A_371, %get3A_363 : f32
    %mul3A_374 = arith.mulf %sub3A_372, %sub3A_373 : f32
    %min3A_375 = vector.broadcast %get3A_367 : f32 to vector<8x640xf32>
    %min3A_376 = arith.minimumf %min3A_375, %get3A_16 : vector<8x640xf32>
    %max3A_377 = vector.broadcast %get3A_359 : f32 to vector<8x640xf32>
    %max3A_378 = arith.maximumf %max3A_377, %get3A_4 : vector<8x640xf32>
    %sub3A_379 = arith.subf %min3A_376, %max3A_378 : vector<8x640xf32>
    %max3A_380 = arith.constant 0.000000e+00 : f32
    %max3A_381 = vector.broadcast %max3A_380 : f32 to vector<8x640xf32>
    %max3A_382 = arith.maximumf %sub3A_379, %max3A_381 : vector<8x640xf32>
    %min3A_383 = vector.broadcast %get3A_371 : f32 to vector<8x640xf32>
    %min3A_384 = arith.minimumf %min3A_383, %get3A_22 : vector<8x640xf32>
    %max3A_385 = vector.broadcast %get3A_363 : f32 to vector<8x640xf32>
    %max3A_386 = arith.maximumf %max3A_385, %get3A_10 : vector<8x640xf32>
    %sub3A_387 = arith.subf %min3A_384, %max3A_386 : vector<8x640xf32>
    %max3A_388 = arith.constant 0.000000e+00 : f32
    %max3A_389 = vector.broadcast %max3A_388 : f32 to vector<8x640xf32>
    %max3A_390 = arith.maximumf %sub3A_387, %max3A_389 : vector<8x640xf32>
    %mul3A_391 = arith.mulf %max3A_382, %max3A_390 : vector<8x640xf32>
    %add3A_392 = vector.broadcast %mul3A_374 : f32 to vector<8x640xf32>
    %add3A_393 = arith.addf %add3A_392, %mul3A : vector<8x640xf32>
    %sub3A_394 = arith.subf %add3A_393, %mul3A_391 : vector<8x640xf32>
    %add3A_395 = arith.constant 9.99999971E-10 : f32
    %add3A_396 = vector.broadcast %add3A_395 : f32 to vector<8x640xf32>
    %add3A_397 = arith.addf %sub3A_394, %add3A_396 : vector<8x640xf32>
    %div3A_398 = arith.divf %mul3A_391, %add3A_397 : vector<8x640xf32>
    %gt3A_399 = arith.cmpf ogt, %div3A_398, %select_n3A_352 : vector<8x640xf32>
    %select_n3A_400 = arith.select %gt3A_399, %div3A_398, %select_n3A_352 : vector<8x640xi1>, vector<8x640xf32>
    %jit3A_401 = arith.constant 7 : i32
    %broadcast_in_dim3A_402 = vector.broadcast %jit3A_401 : i32 to vector<8x640xi32>
    %select_n3A_403 = arith.select %gt3A_399, %broadcast_in_dim3A_402, %select_n3A_355 : vector<8x640xi1>, vector<8x640xi32>
    %get3A_404 = arith.constant 0 : index
    %get3A_405 = arith.constant 0 : index
    %get3A_406 = arith.constant 8 : index
    %get3A_407 = memref.load %arg2[%get3A_404, %get3A_405, %get3A_406] : memref<1x4x64xf32, #tpu.memory_space<smem>>
    %get3A_408 = arith.constant 0 : index
    %get3A_409 = arith.constant 1 : index
    %get3A_410 = arith.constant 8 : index
    %get3A_411 = memref.load %arg2[%get3A_408, %get3A_409, %get3A_410] : memref<1x4x64xf32, #tpu.memory_space<smem>>
    %get3A_412 = arith.constant 0 : index
    %get3A_413 = arith.constant 2 : index
    %get3A_414 = arith.constant 8 : index
    %get3A_415 = memref.load %arg2[%get3A_412, %get3A_413, %get3A_414] : memref<1x4x64xf32, #tpu.memory_space<smem>>
    %get3A_416 = arith.constant 0 : index
    %get3A_417 = arith.constant 3 : index
    %get3A_418 = arith.constant 8 : index
    %get3A_419 = memref.load %arg2[%get3A_416, %get3A_417, %get3A_418] : memref<1x4x64xf32, #tpu.memory_space<smem>>
    %sub3A_420 = arith.subf %get3A_415, %get3A_407 : f32
    %sub3A_421 = arith.subf %get3A_419, %get3A_411 : f32
    %mul3A_422 = arith.mulf %sub3A_420, %sub3A_421 : f32
    %min3A_423 = vector.broadcast %get3A_415 : f32 to vector<8x640xf32>
    %min3A_424 = arith.minimumf %min3A_423, %get3A_16 : vector<8x640xf32>
    %max3A_425 = vector.broadcast %get3A_407 : f32 to vector<8x640xf32>
    %max3A_426 = arith.maximumf %max3A_425, %get3A_4 : vector<8x640xf32>
    %sub3A_427 = arith.subf %min3A_424, %max3A_426 : vector<8x640xf32>
    %max3A_428 = arith.constant 0.000000e+00 : f32
    %max3A_429 = vector.broadcast %max3A_428 : f32 to vector<8x640xf32>
    %max3A_430 = arith.maximumf %sub3A_427, %max3A_429 : vector<8x640xf32>
    %min3A_431 = vector.broadcast %get3A_419 : f32 to vector<8x640xf32>
    %min3A_432 = arith.minimumf %min3A_431, %get3A_22 : vector<8x640xf32>
    %max3A_433 = vector.broadcast %get3A_411 : f32 to vector<8x640xf32>
    %max3A_434 = arith.maximumf %max3A_433, %get3A_10 : vector<8x640xf32>
    %sub3A_435 = arith.subf %min3A_432, %max3A_434 : vector<8x640xf32>
    %max3A_436 = arith.constant 0.000000e+00 : f32
    %max3A_437 = vector.broadcast %max3A_436 : f32 to vector<8x640xf32>
    %max3A_438 = arith.maximumf %sub3A_435, %max3A_437 : vector<8x640xf32>
    %mul3A_439 = arith.mulf %max3A_430, %max3A_438 : vector<8x640xf32>
    %add3A_440 = vector.broadcast %mul3A_422 : f32 to vector<8x640xf32>
    %add3A_441 = arith.addf %add3A_440, %mul3A : vector<8x640xf32>
    %sub3A_442 = arith.subf %add3A_441, %mul3A_439 : vector<8x640xf32>
    %add3A_443 = arith.constant 9.99999971E-10 : f32
    %add3A_444 = vector.broadcast %add3A_443 : f32 to vector<8x640xf32>
    %add3A_445 = arith.addf %sub3A_442, %add3A_444 : vector<8x640xf32>
    %div3A_446 = arith.divf %mul3A_439, %add3A_445 : vector<8x640xf32>
    %gt3A_447 = arith.cmpf ogt, %div3A_446, %select_n3A_400 : vector<8x640xf32>
    %select_n3A_448 = arith.select %gt3A_447, %div3A_446, %select_n3A_400 : vector<8x640xi1>, vector<8x640xf32>
    %jit3A_449 = arith.constant 8 : i32
    %broadcast_in_dim3A_450 = vector.broadcast %jit3A_449 : i32 to vector<8x640xi32>
    %select_n3A_451 = arith.select %gt3A_447, %broadcast_in_dim3A_450, %select_n3A_403 : vector<8x640xi1>, vector<8x640xi32>
    %get3A_452 = arith.constant 0 : index
    %get3A_453 = arith.constant 0 : index
    %get3A_454 = arith.constant 9 : index
    %get3A_455 = memref.load %arg2[%get3A_452, %get3A_453, %get3A_454] : memref<1x4x64xf32, #tpu.memory_space<smem>>
    %get3A_456 = arith.constant 0 : index
    %get3A_457 = arith.constant 1 : index
    %get3A_458 = arith.constant 9 : index
    %get3A_459 = memref.load %arg2[%get3A_456, %get3A_457, %get3A_458] : memref<1x4x64xf32, #tpu.memory_space<smem>>
    %get3A_460 = arith.constant 0 : index
    %get3A_461 = arith.constant 2 : index
    %get3A_462 = arith.constant 9 : index
    %get3A_463 = memref.load %arg2[%get3A_460, %get3A_461, %get3A_462] : memref<1x4x64xf32, #tpu.memory_space<smem>>
    %get3A_464 = arith.constant 0 : index
    %get3A_465 = arith.constant 3 : index
    %get3A_466 = arith.constant 9 : index
    %get3A_467 = memref.load %arg2[%get3A_464, %get3A_465, %get3A_466] : memref<1x4x64xf32, #tpu.memory_space<smem>>
    %sub3A_468 = arith.subf %get3A_463, %get3A_455 : f32
    %sub3A_469 = arith.subf %get3A_467, %get3A_459 : f32
    %mul3A_470 = arith.mulf %sub3A_468, %sub3A_469 : f32
    %min3A_471 = vector.broadcast %get3A_463 : f32 to vector<8x640xf32>
    %min3A_472 = arith.minimumf %min3A_471, %get3A_16 : vector<8x640xf32>
    %max3A_473 = vector.broadcast %get3A_455 : f32 to vector<8x640xf32>
    %max3A_474 = arith.maximumf %max3A_473, %get3A_4 : vector<8x640xf32>
    %sub3A_475 = arith.subf %min3A_472, %max3A_474 : vector<8x640xf32>
    %max3A_476 = arith.constant 0.000000e+00 : f32
    %max3A_477 = vector.broadcast %max3A_476 : f32 to vector<8x640xf32>
    %max3A_478 = arith.maximumf %sub3A_475, %max3A_477 : vector<8x640xf32>
    %min3A_479 = vector.broadcast %get3A_467 : f32 to vector<8x640xf32>
    %min3A_480 = arith.minimumf %min3A_479, %get3A_22 : vector<8x640xf32>
    %max3A_481 = vector.broadcast %get3A_459 : f32 to vector<8x640xf32>
    %max3A_482 = arith.maximumf %max3A_481, %get3A_10 : vector<8x640xf32>
    %sub3A_483 = arith.subf %min3A_480, %max3A_482 : vector<8x640xf32>
    %max3A_484 = arith.constant 0.000000e+00 : f32
    %max3A_485 = vector.broadcast %max3A_484 : f32 to vector<8x640xf32>
    %max3A_486 = arith.maximumf %sub3A_483, %max3A_485 : vector<8x640xf32>
    %mul3A_487 = arith.mulf %max3A_478, %max3A_486 : vector<8x640xf32>
    %add3A_488 = vector.broadcast %mul3A_470 : f32 to vector<8x640xf32>
    %add3A_489 = arith.addf %add3A_488, %mul3A : vector<8x640xf32>
    %sub3A_490 = arith.subf %add3A_489, %mul3A_487 : vector<8x640xf32>
    %add3A_491 = arith.constant 9.99999971E-10 : f32
    %add3A_492 = vector.broadcast %add3A_491 : f32 to vector<8x640xf32>
    %add3A_493 = arith.addf %sub3A_490, %add3A_492 : vector<8x640xf32>
    %div3A_494 = arith.divf %mul3A_487, %add3A_493 : vector<8x640xf32>
    %gt3A_495 = arith.cmpf ogt, %div3A_494, %select_n3A_448 : vector<8x640xf32>
    %select_n3A_496 = arith.select %gt3A_495, %div3A_494, %select_n3A_448 : vector<8x640xi1>, vector<8x640xf32>
    %jit3A_497 = arith.constant 9 : i32
    %broadcast_in_dim3A_498 = vector.broadcast %jit3A_497 : i32 to vector<8x640xi32>
    %select_n3A_499 = arith.select %gt3A_495, %broadcast_in_dim3A_498, %select_n3A_451 : vector<8x640xi1>, vector<8x640xi32>
    %get3A_500 = arith.constant 0 : index
    %get3A_501 = arith.constant 0 : index
    %get3A_502 = arith.constant 10 : index
    %get3A_503 = memref.load %arg2[%get3A_500, %get3A_501, %get3A_502] : memref<1x4x64xf32, #tpu.memory_space<smem>>
    %get3A_504 = arith.constant 0 : index
    %get3A_505 = arith.constant 1 : index
    %get3A_506 = arith.constant 10 : index
    %get3A_507 = memref.load %arg2[%get3A_504, %get3A_505, %get3A_506] : memref<1x4x64xf32, #tpu.memory_space<smem>>
    %get3A_508 = arith.constant 0 : index
    %get3A_509 = arith.constant 2 : index
    %get3A_510 = arith.constant 10 : index
    %get3A_511 = memref.load %arg2[%get3A_508, %get3A_509, %get3A_510] : memref<1x4x64xf32, #tpu.memory_space<smem>>
    %get3A_512 = arith.constant 0 : index
    %get3A_513 = arith.constant 3 : index
    %get3A_514 = arith.constant 10 : index
    %get3A_515 = memref.load %arg2[%get3A_512, %get3A_513, %get3A_514] : memref<1x4x64xf32, #tpu.memory_space<smem>>
    %sub3A_516 = arith.subf %get3A_511, %get3A_503 : f32
    %sub3A_517 = arith.subf %get3A_515, %get3A_507 : f32
    %mul3A_518 = arith.mulf %sub3A_516, %sub3A_517 : f32
    %min3A_519 = vector.broadcast %get3A_511 : f32 to vector<8x640xf32>
    %min3A_520 = arith.minimumf %min3A_519, %get3A_16 : vector<8x640xf32>
    %max3A_521 = vector.broadcast %get3A_503 : f32 to vector<8x640xf32>
    %max3A_522 = arith.maximumf %max3A_521, %get3A_4 : vector<8x640xf32>
    %sub3A_523 = arith.subf %min3A_520, %max3A_522 : vector<8x640xf32>
    %max3A_524 = arith.constant 0.000000e+00 : f32
    %max3A_525 = vector.broadcast %max3A_524 : f32 to vector<8x640xf32>
    %max3A_526 = arith.maximumf %sub3A_523, %max3A_525 : vector<8x640xf32>
    %min3A_527 = vector.broadcast %get3A_515 : f32 to vector<8x640xf32>
    %min3A_528 = arith.minimumf %min3A_527, %get3A_22 : vector<8x640xf32>
    %max3A_529 = vector.broadcast %get3A_507 : f32 to vector<8x640xf32>
    %max3A_530 = arith.maximumf %max3A_529, %get3A_10 : vector<8x640xf32>
    %sub3A_531 = arith.subf %min3A_528, %max3A_530 : vector<8x640xf32>
    %max3A_532 = arith.constant 0.000000e+00 : f32
    %max3A_533 = vector.broadcast %max3A_532 : f32 to vector<8x640xf32>
    %max3A_534 = arith.maximumf %sub3A_531, %max3A_533 : vector<8x640xf32>
    %mul3A_535 = arith.mulf %max3A_526, %max3A_534 : vector<8x640xf32>
    %add3A_536 = vector.broadcast %mul3A_518 : f32 to vector<8x640xf32>
    %add3A_537 = arith.addf %add3A_536, %mul3A : vector<8x640xf32>
    %sub3A_538 = arith.subf %add3A_537, %mul3A_535 : vector<8x640xf32>
    %add3A_539 = arith.constant 9.99999971E-10 : f32
    %add3A_540 = vector.broadcast %add3A_539 : f32 to vector<8x640xf32>
    %add3A_541 = arith.addf %sub3A_538, %add3A_540 : vector<8x640xf32>
    %div3A_542 = arith.divf %mul3A_535, %add3A_541 : vector<8x640xf32>
    %gt3A_543 = arith.cmpf ogt, %div3A_542, %select_n3A_496 : vector<8x640xf32>
    %select_n3A_544 = arith.select %gt3A_543, %div3A_542, %select_n3A_496 : vector<8x640xi1>, vector<8x640xf32>
    %jit3A_545 = arith.constant 10 : i32
    %broadcast_in_dim3A_546 = vector.broadcast %jit3A_545 : i32 to vector<8x640xi32>
    %select_n3A_547 = arith.select %gt3A_543, %broadcast_in_dim3A_546, %select_n3A_499 : vector<8x640xi1>, vector<8x640xi32>
    %get3A_548 = arith.constant 0 : index
    %get3A_549 = arith.constant 0 : index
    %get3A_550 = arith.constant 11 : index
    %get3A_551 = memref.load %arg2[%get3A_548, %get3A_549, %get3A_550] : memref<1x4x64xf32, #tpu.memory_space<smem>>
    %get3A_552 = arith.constant 0 : index
    %get3A_553 = arith.constant 1 : index
    %get3A_554 = arith.constant 11 : index
    %get3A_555 = memref.load %arg2[%get3A_552, %get3A_553, %get3A_554] : memref<1x4x64xf32, #tpu.memory_space<smem>>
    %get3A_556 = arith.constant 0 : index
    %get3A_557 = arith.constant 2 : index
    %get3A_558 = arith.constant 11 : index
    %get3A_559 = memref.load %arg2[%get3A_556, %get3A_557, %get3A_558] : memref<1x4x64xf32, #tpu.memory_space<smem>>
    %get3A_560 = arith.constant 0 : index
    %get3A_561 = arith.constant 3 : index
    %get3A_562 = arith.constant 11 : index
    %get3A_563 = memref.load %arg2[%get3A_560, %get3A_561, %get3A_562] : memref<1x4x64xf32, #tpu.memory_space<smem>>
    %sub3A_564 = arith.subf %get3A_559, %get3A_551 : f32
    %sub3A_565 = arith.subf %get3A_563, %get3A_555 : f32
    %mul3A_566 = arith.mulf %sub3A_564, %sub3A_565 : f32
    %min3A_567 = vector.broadcast %get3A_559 : f32 to vector<8x640xf32>
    %min3A_568 = arith.minimumf %min3A_567, %get3A_16 : vector<8x640xf32>
    %max3A_569 = vector.broadcast %get3A_551 : f32 to vector<8x640xf32>
    %max3A_570 = arith.maximumf %max3A_569, %get3A_4 : vector<8x640xf32>
    %sub3A_571 = arith.subf %min3A_568, %max3A_570 : vector<8x640xf32>
    %max3A_572 = arith.constant 0.000000e+00 : f32
    %max3A_573 = vector.broadcast %max3A_572 : f32 to vector<8x640xf32>
    %max3A_574 = arith.maximumf %sub3A_571, %max3A_573 : vector<8x640xf32>
    %min3A_575 = vector.broadcast %get3A_563 : f32 to vector<8x640xf32>
    %min3A_576 = arith.minimumf %min3A_575, %get3A_22 : vector<8x640xf32>
    %max3A_577 = vector.broadcast %get3A_555 : f32 to vector<8x640xf32>
    %max3A_578 = arith.maximumf %max3A_577, %get3A_10 : vector<8x640xf32>
    %sub3A_579 = arith.subf %min3A_576, %max3A_578 : vector<8x640xf32>
    %max3A_580 = arith.constant 0.000000e+00 : f32
    %max3A_581 = vector.broadcast %max3A_580 : f32 to vector<8x640xf32>
    %max3A_582 = arith.maximumf %sub3A_579, %max3A_581 : vector<8x640xf32>
    %mul3A_583 = arith.mulf %max3A_574, %max3A_582 : vector<8x640xf32>
    %add3A_584 = vector.broadcast %mul3A_566 : f32 to vector<8x640xf32>
    %add3A_585 = arith.addf %add3A_584, %mul3A : vector<8x640xf32>
    %sub3A_586 = arith.subf %add3A_585, %mul3A_583 : vector<8x640xf32>
    %add3A_587 = arith.constant 9.99999971E-10 : f32
    %add3A_588 = vector.broadcast %add3A_587 : f32 to vector<8x640xf32>
    %add3A_589 = arith.addf %sub3A_586, %add3A_588 : vector<8x640xf32>
    %div3A_590 = arith.divf %mul3A_583, %add3A_589 : vector<8x640xf32>
    %gt3A_591 = arith.cmpf ogt, %div3A_590, %select_n3A_544 : vector<8x640xf32>
    %select_n3A_592 = arith.select %gt3A_591, %div3A_590, %select_n3A_544 : vector<8x640xi1>, vector<8x640xf32>
    %jit3A_593 = arith.constant 11 : i32
    %broadcast_in_dim3A_594 = vector.broadcast %jit3A_593 : i32 to vector<8x640xi32>
    %select_n3A_595 = arith.select %gt3A_591, %broadcast_in_dim3A_594, %select_n3A_547 : vector<8x640xi1>, vector<8x640xi32>
    %get3A_596 = arith.constant 0 : index
    %get3A_597 = arith.constant 0 : index
    %get3A_598 = arith.constant 12 : index
    %get3A_599 = memref.load %arg2[%get3A_596, %get3A_597, %get3A_598] : memref<1x4x64xf32, #tpu.memory_space<smem>>
    %get3A_600 = arith.constant 0 : index
    %get3A_601 = arith.constant 1 : index
    %get3A_602 = arith.constant 12 : index
    %get3A_603 = memref.load %arg2[%get3A_600, %get3A_601, %get3A_602] : memref<1x4x64xf32, #tpu.memory_space<smem>>
    %get3A_604 = arith.constant 0 : index
    %get3A_605 = arith.constant 2 : index
    %get3A_606 = arith.constant 12 : index
    %get3A_607 = memref.load %arg2[%get3A_604, %get3A_605, %get3A_606] : memref<1x4x64xf32, #tpu.memory_space<smem>>
    %get3A_608 = arith.constant 0 : index
    %get3A_609 = arith.constant 3 : index
    %get3A_610 = arith.constant 12 : index
    %get3A_611 = memref.load %arg2[%get3A_608, %get3A_609, %get3A_610] : memref<1x4x64xf32, #tpu.memory_space<smem>>
    %sub3A_612 = arith.subf %get3A_607, %get3A_599 : f32
    %sub3A_613 = arith.subf %get3A_611, %get3A_603 : f32
    %mul3A_614 = arith.mulf %sub3A_612, %sub3A_613 : f32
    %min3A_615 = vector.broadcast %get3A_607 : f32 to vector<8x640xf32>
    %min3A_616 = arith.minimumf %min3A_615, %get3A_16 : vector<8x640xf32>
    %max3A_617 = vector.broadcast %get3A_599 : f32 to vector<8x640xf32>
    %max3A_618 = arith.maximumf %max3A_617, %get3A_4 : vector<8x640xf32>
    %sub3A_619 = arith.subf %min3A_616, %max3A_618 : vector<8x640xf32>
    %max3A_620 = arith.constant 0.000000e+00 : f32
    %max3A_621 = vector.broadcast %max3A_620 : f32 to vector<8x640xf32>
    %max3A_622 = arith.maximumf %sub3A_619, %max3A_621 : vector<8x640xf32>
    %min3A_623 = vector.broadcast %get3A_611 : f32 to vector<8x640xf32>
    %min3A_624 = arith.minimumf %min3A_623, %get3A_22 : vector<8x640xf32>
    %max3A_625 = vector.broadcast %get3A_603 : f32 to vector<8x640xf32>
    %max3A_626 = arith.maximumf %max3A_625, %get3A_10 : vector<8x640xf32>
    %sub3A_627 = arith.subf %min3A_624, %max3A_626 : vector<8x640xf32>
    %max3A_628 = arith.constant 0.000000e+00 : f32
    %max3A_629 = vector.broadcast %max3A_628 : f32 to vector<8x640xf32>
    %max3A_630 = arith.maximumf %sub3A_627, %max3A_629 : vector<8x640xf32>
    %mul3A_631 = arith.mulf %max3A_622, %max3A_630 : vector<8x640xf32>
    %add3A_632 = vector.broadcast %mul3A_614 : f32 to vector<8x640xf32>
    %add3A_633 = arith.addf %add3A_632, %mul3A : vector<8x640xf32>
    %sub3A_634 = arith.subf %add3A_633, %mul3A_631 : vector<8x640xf32>
    %add3A_635 = arith.constant 9.99999971E-10 : f32
    %add3A_636 = vector.broadcast %add3A_635 : f32 to vector<8x640xf32>
    %add3A_637 = arith.addf %sub3A_634, %add3A_636 : vector<8x640xf32>
    %div3A_638 = arith.divf %mul3A_631, %add3A_637 : vector<8x640xf32>
    %gt3A_639 = arith.cmpf ogt, %div3A_638, %select_n3A_592 : vector<8x640xf32>
    %select_n3A_640 = arith.select %gt3A_639, %div3A_638, %select_n3A_592 : vector<8x640xi1>, vector<8x640xf32>
    %jit3A_641 = arith.constant 12 : i32
    %broadcast_in_dim3A_642 = vector.broadcast %jit3A_641 : i32 to vector<8x640xi32>
    %select_n3A_643 = arith.select %gt3A_639, %broadcast_in_dim3A_642, %select_n3A_595 : vector<8x640xi1>, vector<8x640xi32>
    %get3A_644 = arith.constant 0 : index
    %get3A_645 = arith.constant 0 : index
    %get3A_646 = arith.constant 13 : index
    %get3A_647 = memref.load %arg2[%get3A_644, %get3A_645, %get3A_646] : memref<1x4x64xf32, #tpu.memory_space<smem>>
    %get3A_648 = arith.constant 0 : index
    %get3A_649 = arith.constant 1 : index
    %get3A_650 = arith.constant 13 : index
    %get3A_651 = memref.load %arg2[%get3A_648, %get3A_649, %get3A_650] : memref<1x4x64xf32, #tpu.memory_space<smem>>
    %get3A_652 = arith.constant 0 : index
    %get3A_653 = arith.constant 2 : index
    %get3A_654 = arith.constant 13 : index
    %get3A_655 = memref.load %arg2[%get3A_652, %get3A_653, %get3A_654] : memref<1x4x64xf32, #tpu.memory_space<smem>>
    %get3A_656 = arith.constant 0 : index
    %get3A_657 = arith.constant 3 : index
    %get3A_658 = arith.constant 13 : index
    %get3A_659 = memref.load %arg2[%get3A_656, %get3A_657, %get3A_658] : memref<1x4x64xf32, #tpu.memory_space<smem>>
    %sub3A_660 = arith.subf %get3A_655, %get3A_647 : f32
    %sub3A_661 = arith.subf %get3A_659, %get3A_651 : f32
    %mul3A_662 = arith.mulf %sub3A_660, %sub3A_661 : f32
    %min3A_663 = vector.broadcast %get3A_655 : f32 to vector<8x640xf32>
    %min3A_664 = arith.minimumf %min3A_663, %get3A_16 : vector<8x640xf32>
    %max3A_665 = vector.broadcast %get3A_647 : f32 to vector<8x640xf32>
    %max3A_666 = arith.maximumf %max3A_665, %get3A_4 : vector<8x640xf32>
    %sub3A_667 = arith.subf %min3A_664, %max3A_666 : vector<8x640xf32>
    %max3A_668 = arith.constant 0.000000e+00 : f32
    %max3A_669 = vector.broadcast %max3A_668 : f32 to vector<8x640xf32>
    %max3A_670 = arith.maximumf %sub3A_667, %max3A_669 : vector<8x640xf32>
    %min3A_671 = vector.broadcast %get3A_659 : f32 to vector<8x640xf32>
    %min3A_672 = arith.minimumf %min3A_671, %get3A_22 : vector<8x640xf32>
    %max3A_673 = vector.broadcast %get3A_651 : f32 to vector<8x640xf32>
    %max3A_674 = arith.maximumf %max3A_673, %get3A_10 : vector<8x640xf32>
    %sub3A_675 = arith.subf %min3A_672, %max3A_674 : vector<8x640xf32>
    %max3A_676 = arith.constant 0.000000e+00 : f32
    %max3A_677 = vector.broadcast %max3A_676 : f32 to vector<8x640xf32>
    %max3A_678 = arith.maximumf %sub3A_675, %max3A_677 : vector<8x640xf32>
    %mul3A_679 = arith.mulf %max3A_670, %max3A_678 : vector<8x640xf32>
    %add3A_680 = vector.broadcast %mul3A_662 : f32 to vector<8x640xf32>
    %add3A_681 = arith.addf %add3A_680, %mul3A : vector<8x640xf32>
    %sub3A_682 = arith.subf %add3A_681, %mul3A_679 : vector<8x640xf32>
    %add3A_683 = arith.constant 9.99999971E-10 : f32
    %add3A_684 = vector.broadcast %add3A_683 : f32 to vector<8x640xf32>
    %add3A_685 = arith.addf %sub3A_682, %add3A_684 : vector<8x640xf32>
    %div3A_686 = arith.divf %mul3A_679, %add3A_685 : vector<8x640xf32>
    %gt3A_687 = arith.cmpf ogt, %div3A_686, %select_n3A_640 : vector<8x640xf32>
    %select_n3A_688 = arith.select %gt3A_687, %div3A_686, %select_n3A_640 : vector<8x640xi1>, vector<8x640xf32>
    %jit3A_689 = arith.constant 13 : i32
    %broadcast_in_dim3A_690 = vector.broadcast %jit3A_689 : i32 to vector<8x640xi32>
    %select_n3A_691 = arith.select %gt3A_687, %broadcast_in_dim3A_690, %select_n3A_643 : vector<8x640xi1>, vector<8x640xi32>
    %get3A_692 = arith.constant 0 : index
    %get3A_693 = arith.constant 0 : index
    %get3A_694 = arith.constant 14 : index
    %get3A_695 = memref.load %arg2[%get3A_692, %get3A_693, %get3A_694] : memref<1x4x64xf32, #tpu.memory_space<smem>>
    %get3A_696 = arith.constant 0 : index
    %get3A_697 = arith.constant 1 : index
    %get3A_698 = arith.constant 14 : index
    %get3A_699 = memref.load %arg2[%get3A_696, %get3A_697, %get3A_698] : memref<1x4x64xf32, #tpu.memory_space<smem>>
    %get3A_700 = arith.constant 0 : index
    %get3A_701 = arith.constant 2 : index
    %get3A_702 = arith.constant 14 : index
    %get3A_703 = memref.load %arg2[%get3A_700, %get3A_701, %get3A_702] : memref<1x4x64xf32, #tpu.memory_space<smem>>
    %get3A_704 = arith.constant 0 : index
    %get3A_705 = arith.constant 3 : index
    %get3A_706 = arith.constant 14 : index
    %get3A_707 = memref.load %arg2[%get3A_704, %get3A_705, %get3A_706] : memref<1x4x64xf32, #tpu.memory_space<smem>>
    %sub3A_708 = arith.subf %get3A_703, %get3A_695 : f32
    %sub3A_709 = arith.subf %get3A_707, %get3A_699 : f32
    %mul3A_710 = arith.mulf %sub3A_708, %sub3A_709 : f32
    %min3A_711 = vector.broadcast %get3A_703 : f32 to vector<8x640xf32>
    %min3A_712 = arith.minimumf %min3A_711, %get3A_16 : vector<8x640xf32>
    %max3A_713 = vector.broadcast %get3A_695 : f32 to vector<8x640xf32>
    %max3A_714 = arith.maximumf %max3A_713, %get3A_4 : vector<8x640xf32>
    %sub3A_715 = arith.subf %min3A_712, %max3A_714 : vector<8x640xf32>
    %max3A_716 = arith.constant 0.000000e+00 : f32
    %max3A_717 = vector.broadcast %max3A_716 : f32 to vector<8x640xf32>
    %max3A_718 = arith.maximumf %sub3A_715, %max3A_717 : vector<8x640xf32>
    %min3A_719 = vector.broadcast %get3A_707 : f32 to vector<8x640xf32>
    %min3A_720 = arith.minimumf %min3A_719, %get3A_22 : vector<8x640xf32>
    %max3A_721 = vector.broadcast %get3A_699 : f32 to vector<8x640xf32>
    %max3A_722 = arith.maximumf %max3A_721, %get3A_10 : vector<8x640xf32>
    %sub3A_723 = arith.subf %min3A_720, %max3A_722 : vector<8x640xf32>
    %max3A_724 = arith.constant 0.000000e+00 : f32
    %max3A_725 = vector.broadcast %max3A_724 : f32 to vector<8x640xf32>
    %max3A_726 = arith.maximumf %sub3A_723, %max3A_725 : vector<8x640xf32>
    %mul3A_727 = arith.mulf %max3A_718, %max3A_726 : vector<8x640xf32>
    %add3A_728 = vector.broadcast %mul3A_710 : f32 to vector<8x640xf32>
    %add3A_729 = arith.addf %add3A_728, %mul3A : vector<8x640xf32>
    %sub3A_730 = arith.subf %add3A_729, %mul3A_727 : vector<8x640xf32>
    %add3A_731 = arith.constant 9.99999971E-10 : f32
    %add3A_732 = vector.broadcast %add3A_731 : f32 to vector<8x640xf32>
    %add3A_733 = arith.addf %sub3A_730, %add3A_732 : vector<8x640xf32>
    %div3A_734 = arith.divf %mul3A_727, %add3A_733 : vector<8x640xf32>
    %gt3A_735 = arith.cmpf ogt, %div3A_734, %select_n3A_688 : vector<8x640xf32>
    %select_n3A_736 = arith.select %gt3A_735, %div3A_734, %select_n3A_688 : vector<8x640xi1>, vector<8x640xf32>
    %jit3A_737 = arith.constant 14 : i32
    %broadcast_in_dim3A_738 = vector.broadcast %jit3A_737 : i32 to vector<8x640xi32>
    %select_n3A_739 = arith.select %gt3A_735, %broadcast_in_dim3A_738, %select_n3A_691 : vector<8x640xi1>, vector<8x640xi32>
    %get3A_740 = arith.constant 0 : index
    %get3A_741 = arith.constant 0 : index
    %get3A_742 = arith.constant 15 : index
    %get3A_743 = memref.load %arg2[%get3A_740, %get3A_741, %get3A_742] : memref<1x4x64xf32, #tpu.memory_space<smem>>
    %get3A_744 = arith.constant 0 : index
    %get3A_745 = arith.constant 1 : index
    %get3A_746 = arith.constant 15 : index
    %get3A_747 = memref.load %arg2[%get3A_744, %get3A_745, %get3A_746] : memref<1x4x64xf32, #tpu.memory_space<smem>>
    %get3A_748 = arith.constant 0 : index
    %get3A_749 = arith.constant 2 : index
    %get3A_750 = arith.constant 15 : index
    %get3A_751 = memref.load %arg2[%get3A_748, %get3A_749, %get3A_750] : memref<1x4x64xf32, #tpu.memory_space<smem>>
    %get3A_752 = arith.constant 0 : index
    %get3A_753 = arith.constant 3 : index
    %get3A_754 = arith.constant 15 : index
    %get3A_755 = memref.load %arg2[%get3A_752, %get3A_753, %get3A_754] : memref<1x4x64xf32, #tpu.memory_space<smem>>
    %sub3A_756 = arith.subf %get3A_751, %get3A_743 : f32
    %sub3A_757 = arith.subf %get3A_755, %get3A_747 : f32
    %mul3A_758 = arith.mulf %sub3A_756, %sub3A_757 : f32
    %min3A_759 = vector.broadcast %get3A_751 : f32 to vector<8x640xf32>
    %min3A_760 = arith.minimumf %min3A_759, %get3A_16 : vector<8x640xf32>
    %max3A_761 = vector.broadcast %get3A_743 : f32 to vector<8x640xf32>
    %max3A_762 = arith.maximumf %max3A_761, %get3A_4 : vector<8x640xf32>
    %sub3A_763 = arith.subf %min3A_760, %max3A_762 : vector<8x640xf32>
    %max3A_764 = arith.constant 0.000000e+00 : f32
    %max3A_765 = vector.broadcast %max3A_764 : f32 to vector<8x640xf32>
    %max3A_766 = arith.maximumf %sub3A_763, %max3A_765 : vector<8x640xf32>
    %min3A_767 = vector.broadcast %get3A_755 : f32 to vector<8x640xf32>
    %min3A_768 = arith.minimumf %min3A_767, %get3A_22 : vector<8x640xf32>
    %max3A_769 = vector.broadcast %get3A_747 : f32 to vector<8x640xf32>
    %max3A_770 = arith.maximumf %max3A_769, %get3A_10 : vector<8x640xf32>
    %sub3A_771 = arith.subf %min3A_768, %max3A_770 : vector<8x640xf32>
    %max3A_772 = arith.constant 0.000000e+00 : f32
    %max3A_773 = vector.broadcast %max3A_772 : f32 to vector<8x640xf32>
    %max3A_774 = arith.maximumf %sub3A_771, %max3A_773 : vector<8x640xf32>
    %mul3A_775 = arith.mulf %max3A_766, %max3A_774 : vector<8x640xf32>
    %add3A_776 = vector.broadcast %mul3A_758 : f32 to vector<8x640xf32>
    %add3A_777 = arith.addf %add3A_776, %mul3A : vector<8x640xf32>
    %sub3A_778 = arith.subf %add3A_777, %mul3A_775 : vector<8x640xf32>
    %add3A_779 = arith.constant 9.99999971E-10 : f32
    %add3A_780 = vector.broadcast %add3A_779 : f32 to vector<8x640xf32>
    %add3A_781 = arith.addf %sub3A_778, %add3A_780 : vector<8x640xf32>
    %div3A_782 = arith.divf %mul3A_775, %add3A_781 : vector<8x640xf32>
    %gt3A_783 = arith.cmpf ogt, %div3A_782, %select_n3A_736 : vector<8x640xf32>
    %select_n3A_784 = arith.select %gt3A_783, %div3A_782, %select_n3A_736 : vector<8x640xi1>, vector<8x640xf32>
    %jit3A_785 = arith.constant 15 : i32
    %broadcast_in_dim3A_786 = vector.broadcast %jit3A_785 : i32 to vector<8x640xi32>
    %select_n3A_787 = arith.select %gt3A_783, %broadcast_in_dim3A_786, %select_n3A_739 : vector<8x640xi1>, vector<8x640xi32>
    %get3A_788 = arith.constant 0 : index
    %get3A_789 = arith.constant 0 : index
    %get3A_790 = arith.constant 16 : index
    %get3A_791 = memref.load %arg2[%get3A_788, %get3A_789, %get3A_790] : memref<1x4x64xf32, #tpu.memory_space<smem>>
    %get3A_792 = arith.constant 0 : index
    %get3A_793 = arith.constant 1 : index
    %get3A_794 = arith.constant 16 : index
    %get3A_795 = memref.load %arg2[%get3A_792, %get3A_793, %get3A_794] : memref<1x4x64xf32, #tpu.memory_space<smem>>
    %get3A_796 = arith.constant 0 : index
    %get3A_797 = arith.constant 2 : index
    %get3A_798 = arith.constant 16 : index
    %get3A_799 = memref.load %arg2[%get3A_796, %get3A_797, %get3A_798] : memref<1x4x64xf32, #tpu.memory_space<smem>>
    %get3A_800 = arith.constant 0 : index
    %get3A_801 = arith.constant 3 : index
    %get3A_802 = arith.constant 16 : index
    %get3A_803 = memref.load %arg2[%get3A_800, %get3A_801, %get3A_802] : memref<1x4x64xf32, #tpu.memory_space<smem>>
    %sub3A_804 = arith.subf %get3A_799, %get3A_791 : f32
    %sub3A_805 = arith.subf %get3A_803, %get3A_795 : f32
    %mul3A_806 = arith.mulf %sub3A_804, %sub3A_805 : f32
    %min3A_807 = vector.broadcast %get3A_799 : f32 to vector<8x640xf32>
    %min3A_808 = arith.minimumf %min3A_807, %get3A_16 : vector<8x640xf32>
    %max3A_809 = vector.broadcast %get3A_791 : f32 to vector<8x640xf32>
    %max3A_810 = arith.maximumf %max3A_809, %get3A_4 : vector<8x640xf32>
    %sub3A_811 = arith.subf %min3A_808, %max3A_810 : vector<8x640xf32>
    %max3A_812 = arith.constant 0.000000e+00 : f32
    %max3A_813 = vector.broadcast %max3A_812 : f32 to vector<8x640xf32>
    %max3A_814 = arith.maximumf %sub3A_811, %max3A_813 : vector<8x640xf32>
    %min3A_815 = vector.broadcast %get3A_803 : f32 to vector<8x640xf32>
    %min3A_816 = arith.minimumf %min3A_815, %get3A_22 : vector<8x640xf32>
    %max3A_817 = vector.broadcast %get3A_795 : f32 to vector<8x640xf32>
    %max3A_818 = arith.maximumf %max3A_817, %get3A_10 : vector<8x640xf32>
    %sub3A_819 = arith.subf %min3A_816, %max3A_818 : vector<8x640xf32>
    %max3A_820 = arith.constant 0.000000e+00 : f32
    %max3A_821 = vector.broadcast %max3A_820 : f32 to vector<8x640xf32>
    %max3A_822 = arith.maximumf %sub3A_819, %max3A_821 : vector<8x640xf32>
    %mul3A_823 = arith.mulf %max3A_814, %max3A_822 : vector<8x640xf32>
    %add3A_824 = vector.broadcast %mul3A_806 : f32 to vector<8x640xf32>
    %add3A_825 = arith.addf %add3A_824, %mul3A : vector<8x640xf32>
    %sub3A_826 = arith.subf %add3A_825, %mul3A_823 : vector<8x640xf32>
    %add3A_827 = arith.constant 9.99999971E-10 : f32
    %add3A_828 = vector.broadcast %add3A_827 : f32 to vector<8x640xf32>
    %add3A_829 = arith.addf %sub3A_826, %add3A_828 : vector<8x640xf32>
    %div3A_830 = arith.divf %mul3A_823, %add3A_829 : vector<8x640xf32>
    %gt3A_831 = arith.cmpf ogt, %div3A_830, %select_n3A_784 : vector<8x640xf32>
    %select_n3A_832 = arith.select %gt3A_831, %div3A_830, %select_n3A_784 : vector<8x640xi1>, vector<8x640xf32>
    %jit3A_833 = arith.constant 16 : i32
    %broadcast_in_dim3A_834 = vector.broadcast %jit3A_833 : i32 to vector<8x640xi32>
    %select_n3A_835 = arith.select %gt3A_831, %broadcast_in_dim3A_834, %select_n3A_787 : vector<8x640xi1>, vector<8x640xi32>
    %get3A_836 = arith.constant 0 : index
    %get3A_837 = arith.constant 0 : index
    %get3A_838 = arith.constant 17 : index
    %get3A_839 = memref.load %arg2[%get3A_836, %get3A_837, %get3A_838] : memref<1x4x64xf32, #tpu.memory_space<smem>>
    %get3A_840 = arith.constant 0 : index
    %get3A_841 = arith.constant 1 : index
    %get3A_842 = arith.constant 17 : index
    %get3A_843 = memref.load %arg2[%get3A_840, %get3A_841, %get3A_842] : memref<1x4x64xf32, #tpu.memory_space<smem>>
    %get3A_844 = arith.constant 0 : index
    %get3A_845 = arith.constant 2 : index
    %get3A_846 = arith.constant 17 : index
    %get3A_847 = memref.load %arg2[%get3A_844, %get3A_845, %get3A_846] : memref<1x4x64xf32, #tpu.memory_space<smem>>
    %get3A_848 = arith.constant 0 : index
    %get3A_849 = arith.constant 3 : index
    %get3A_850 = arith.constant 17 : index
    %get3A_851 = memref.load %arg2[%get3A_848, %get3A_849, %get3A_850] : memref<1x4x64xf32, #tpu.memory_space<smem>>
    %sub3A_852 = arith.subf %get3A_847, %get3A_839 : f32
    %sub3A_853 = arith.subf %get3A_851, %get3A_843 : f32
    %mul3A_854 = arith.mulf %sub3A_852, %sub3A_853 : f32
    %min3A_855 = vector.broadcast %get3A_847 : f32 to vector<8x640xf32>
    %min3A_856 = arith.minimumf %min3A_855, %get3A_16 : vector<8x640xf32>
    %max3A_857 = vector.broadcast %get3A_839 : f32 to vector<8x640xf32>
    %max3A_858 = arith.maximumf %max3A_857, %get3A_4 : vector<8x640xf32>
    %sub3A_859 = arith.subf %min3A_856, %max3A_858 : vector<8x640xf32>
    %max3A_860 = arith.constant 0.000000e+00 : f32
    %max3A_861 = vector.broadcast %max3A_860 : f32 to vector<8x640xf32>
    %max3A_862 = arith.maximumf %sub3A_859, %max3A_861 : vector<8x640xf32>
    %min3A_863 = vector.broadcast %get3A_851 : f32 to vector<8x640xf32>
    %min3A_864 = arith.minimumf %min3A_863, %get3A_22 : vector<8x640xf32>
    %max3A_865 = vector.broadcast %get3A_843 : f32 to vector<8x640xf32>
    %max3A_866 = arith.maximumf %max3A_865, %get3A_10 : vector<8x640xf32>
    %sub3A_867 = arith.subf %min3A_864, %max3A_866 : vector<8x640xf32>
    %max3A_868 = arith.constant 0.000000e+00 : f32
    %max3A_869 = vector.broadcast %max3A_868 : f32 to vector<8x640xf32>
    %max3A_870 = arith.maximumf %sub3A_867, %max3A_869 : vector<8x640xf32>
    %mul3A_871 = arith.mulf %max3A_862, %max3A_870 : vector<8x640xf32>
    %add3A_872 = vector.broadcast %mul3A_854 : f32 to vector<8x640xf32>
    %add3A_873 = arith.addf %add3A_872, %mul3A : vector<8x640xf32>
    %sub3A_874 = arith.subf %add3A_873, %mul3A_871 : vector<8x640xf32>
    %add3A_875 = arith.constant 9.99999971E-10 : f32
    %add3A_876 = vector.broadcast %add3A_875 : f32 to vector<8x640xf32>
    %add3A_877 = arith.addf %sub3A_874, %add3A_876 : vector<8x640xf32>
    %div3A_878 = arith.divf %mul3A_871, %add3A_877 : vector<8x640xf32>
    %gt3A_879 = arith.cmpf ogt, %div3A_878, %select_n3A_832 : vector<8x640xf32>
    %select_n3A_880 = arith.select %gt3A_879, %div3A_878, %select_n3A_832 : vector<8x640xi1>, vector<8x640xf32>
    %jit3A_881 = arith.constant 17 : i32
    %broadcast_in_dim3A_882 = vector.broadcast %jit3A_881 : i32 to vector<8x640xi32>
    %select_n3A_883 = arith.select %gt3A_879, %broadcast_in_dim3A_882, %select_n3A_835 : vector<8x640xi1>, vector<8x640xi32>
    %get3A_884 = arith.constant 0 : index
    %get3A_885 = arith.constant 0 : index
    %get3A_886 = arith.constant 18 : index
    %get3A_887 = memref.load %arg2[%get3A_884, %get3A_885, %get3A_886] : memref<1x4x64xf32, #tpu.memory_space<smem>>
    %get3A_888 = arith.constant 0 : index
    %get3A_889 = arith.constant 1 : index
    %get3A_890 = arith.constant 18 : index
    %get3A_891 = memref.load %arg2[%get3A_888, %get3A_889, %get3A_890] : memref<1x4x64xf32, #tpu.memory_space<smem>>
    %get3A_892 = arith.constant 0 : index
    %get3A_893 = arith.constant 2 : index
    %get3A_894 = arith.constant 18 : index
    %get3A_895 = memref.load %arg2[%get3A_892, %get3A_893, %get3A_894] : memref<1x4x64xf32, #tpu.memory_space<smem>>
    %get3A_896 = arith.constant 0 : index
    %get3A_897 = arith.constant 3 : index
    %get3A_898 = arith.constant 18 : index
    %get3A_899 = memref.load %arg2[%get3A_896, %get3A_897, %get3A_898] : memref<1x4x64xf32, #tpu.memory_space<smem>>
    %sub3A_900 = arith.subf %get3A_895, %get3A_887 : f32
    %sub3A_901 = arith.subf %get3A_899, %get3A_891 : f32
    %mul3A_902 = arith.mulf %sub3A_900, %sub3A_901 : f32
    %min3A_903 = vector.broadcast %get3A_895 : f32 to vector<8x640xf32>
    %min3A_904 = arith.minimumf %min3A_903, %get3A_16 : vector<8x640xf32>
    %max3A_905 = vector.broadcast %get3A_887 : f32 to vector<8x640xf32>
    %max3A_906 = arith.maximumf %max3A_905, %get3A_4 : vector<8x640xf32>
    %sub3A_907 = arith.subf %min3A_904, %max3A_906 : vector<8x640xf32>
    %max3A_908 = arith.constant 0.000000e+00 : f32
    %max3A_909 = vector.broadcast %max3A_908 : f32 to vector<8x640xf32>
    %max3A_910 = arith.maximumf %sub3A_907, %max3A_909 : vector<8x640xf32>
    %min3A_911 = vector.broadcast %get3A_899 : f32 to vector<8x640xf32>
    %min3A_912 = arith.minimumf %min3A_911, %get3A_22 : vector<8x640xf32>
    %max3A_913 = vector.broadcast %get3A_891 : f32 to vector<8x640xf32>
    %max3A_914 = arith.maximumf %max3A_913, %get3A_10 : vector<8x640xf32>
    %sub3A_915 = arith.subf %min3A_912, %max3A_914 : vector<8x640xf32>
    %max3A_916 = arith.constant 0.000000e+00 : f32
    %max3A_917 = vector.broadcast %max3A_916 : f32 to vector<8x640xf32>
    %max3A_918 = arith.maximumf %sub3A_915, %max3A_917 : vector<8x640xf32>
    %mul3A_919 = arith.mulf %max3A_910, %max3A_918 : vector<8x640xf32>
    %add3A_920 = vector.broadcast %mul3A_902 : f32 to vector<8x640xf32>
    %add3A_921 = arith.addf %add3A_920, %mul3A : vector<8x640xf32>
    %sub3A_922 = arith.subf %add3A_921, %mul3A_919 : vector<8x640xf32>
    %add3A_923 = arith.constant 9.99999971E-10 : f32
    %add3A_924 = vector.broadcast %add3A_923 : f32 to vector<8x640xf32>
    %add3A_925 = arith.addf %sub3A_922, %add3A_924 : vector<8x640xf32>
    %div3A_926 = arith.divf %mul3A_919, %add3A_925 : vector<8x640xf32>
    %gt3A_927 = arith.cmpf ogt, %div3A_926, %select_n3A_880 : vector<8x640xf32>
    %select_n3A_928 = arith.select %gt3A_927, %div3A_926, %select_n3A_880 : vector<8x640xi1>, vector<8x640xf32>
    %jit3A_929 = arith.constant 18 : i32
    %broadcast_in_dim3A_930 = vector.broadcast %jit3A_929 : i32 to vector<8x640xi32>
    %select_n3A_931 = arith.select %gt3A_927, %broadcast_in_dim3A_930, %select_n3A_883 : vector<8x640xi1>, vector<8x640xi32>
    %get3A_932 = arith.constant 0 : index
    %get3A_933 = arith.constant 0 : index
    %get3A_934 = arith.constant 19 : index
    %get3A_935 = memref.load %arg2[%get3A_932, %get3A_933, %get3A_934] : memref<1x4x64xf32, #tpu.memory_space<smem>>
    %get3A_936 = arith.constant 0 : index
    %get3A_937 = arith.constant 1 : index
    %get3A_938 = arith.constant 19 : index
    %get3A_939 = memref.load %arg2[%get3A_936, %get3A_937, %get3A_938] : memref<1x4x64xf32, #tpu.memory_space<smem>>
    %get3A_940 = arith.constant 0 : index
    %get3A_941 = arith.constant 2 : index
    %get3A_942 = arith.constant 19 : index
    %get3A_943 = memref.load %arg2[%get3A_940, %get3A_941, %get3A_942] : memref<1x4x64xf32, #tpu.memory_space<smem>>
    %get3A_944 = arith.constant 0 : index
    %get3A_945 = arith.constant 3 : index
    %get3A_946 = arith.constant 19 : index
    %get3A_947 = memref.load %arg2[%get3A_944, %get3A_945, %get3A_946] : memref<1x4x64xf32, #tpu.memory_space<smem>>
    %sub3A_948 = arith.subf %get3A_943, %get3A_935 : f32
    %sub3A_949 = arith.subf %get3A_947, %get3A_939 : f32
    %mul3A_950 = arith.mulf %sub3A_948, %sub3A_949 : f32
    %min3A_951 = vector.broadcast %get3A_943 : f32 to vector<8x640xf32>
    %min3A_952 = arith.minimumf %min3A_951, %get3A_16 : vector<8x640xf32>
    %max3A_953 = vector.broadcast %get3A_935 : f32 to vector<8x640xf32>
    %max3A_954 = arith.maximumf %max3A_953, %get3A_4 : vector<8x640xf32>
    %sub3A_955 = arith.subf %min3A_952, %max3A_954 : vector<8x640xf32>
    %max3A_956 = arith.constant 0.000000e+00 : f32
    %max3A_957 = vector.broadcast %max3A_956 : f32 to vector<8x640xf32>
    %max3A_958 = arith.maximumf %sub3A_955, %max3A_957 : vector<8x640xf32>
    %min3A_959 = vector.broadcast %get3A_947 : f32 to vector<8x640xf32>
    %min3A_960 = arith.minimumf %min3A_959, %get3A_22 : vector<8x640xf32>
    %max3A_961 = vector.broadcast %get3A_939 : f32 to vector<8x640xf32>
    %max3A_962 = arith.maximumf %max3A_961, %get3A_10 : vector<8x640xf32>
    %sub3A_963 = arith.subf %min3A_960, %max3A_962 : vector<8x640xf32>
    %max3A_964 = arith.constant 0.000000e+00 : f32
    %max3A_965 = vector.broadcast %max3A_964 : f32 to vector<8x640xf32>
    %max3A_966 = arith.maximumf %sub3A_963, %max3A_965 : vector<8x640xf32>
    %mul3A_967 = arith.mulf %max3A_958, %max3A_966 : vector<8x640xf32>
    %add3A_968 = vector.broadcast %mul3A_950 : f32 to vector<8x640xf32>
    %add3A_969 = arith.addf %add3A_968, %mul3A : vector<8x640xf32>
    %sub3A_970 = arith.subf %add3A_969, %mul3A_967 : vector<8x640xf32>
    %add3A_971 = arith.constant 9.99999971E-10 : f32
    %add3A_972 = vector.broadcast %add3A_971 : f32 to vector<8x640xf32>
    %add3A_973 = arith.addf %sub3A_970, %add3A_972 : vector<8x640xf32>
    %div3A_974 = arith.divf %mul3A_967, %add3A_973 : vector<8x640xf32>
    %gt3A_975 = arith.cmpf ogt, %div3A_974, %select_n3A_928 : vector<8x640xf32>
    %select_n3A_976 = arith.select %gt3A_975, %div3A_974, %select_n3A_928 : vector<8x640xi1>, vector<8x640xf32>
    %jit3A_977 = arith.constant 19 : i32
    %broadcast_in_dim3A_978 = vector.broadcast %jit3A_977 : i32 to vector<8x640xi32>
    %select_n3A_979 = arith.select %gt3A_975, %broadcast_in_dim3A_978, %select_n3A_931 : vector<8x640xi1>, vector<8x640xi32>
    %get3A_980 = arith.constant 0 : index
    %get3A_981 = arith.constant 0 : index
    %get3A_982 = arith.constant 20 : index
    %get3A_983 = memref.load %arg2[%get3A_980, %get3A_981, %get3A_982] : memref<1x4x64xf32, #tpu.memory_space<smem>>
    %get3A_984 = arith.constant 0 : index
    %get3A_985 = arith.constant 1 : index
    %get3A_986 = arith.constant 20 : index
    %get3A_987 = memref.load %arg2[%get3A_984, %get3A_985, %get3A_986] : memref<1x4x64xf32, #tpu.memory_space<smem>>
    %get3A_988 = arith.constant 0 : index
    %get3A_989 = arith.constant 2 : index
    %get3A_990 = arith.constant 20 : index
    %get3A_991 = memref.load %arg2[%get3A_988, %get3A_989, %get3A_990] : memref<1x4x64xf32, #tpu.memory_space<smem>>
    %get3A_992 = arith.constant 0 : index
    %get3A_993 = arith.constant 3 : index
    %get3A_994 = arith.constant 20 : index
    %get3A_995 = memref.load %arg2[%get3A_992, %get3A_993, %get3A_994] : memref<1x4x64xf32, #tpu.memory_space<smem>>
    %sub3A_996 = arith.subf %get3A_991, %get3A_983 : f32
    %sub3A_997 = arith.subf %get3A_995, %get3A_987 : f32
    %mul3A_998 = arith.mulf %sub3A_996, %sub3A_997 : f32
    %min3A_999 = vector.broadcast %get3A_991 : f32 to vector<8x640xf32>
    %min3A_1000 = arith.minimumf %min3A_999, %get3A_16 : vector<8x640xf32>
    %max3A_1001 = vector.broadcast %get3A_983 : f32 to vector<8x640xf32>
    %max3A_1002 = arith.maximumf %max3A_1001, %get3A_4 : vector<8x640xf32>
    %sub3A_1003 = arith.subf %min3A_1000, %max3A_1002 : vector<8x640xf32>
    %max3A_1004 = arith.constant 0.000000e+00 : f32
    %max3A_1005 = vector.broadcast %max3A_1004 : f32 to vector<8x640xf32>
    %max3A_1006 = arith.maximumf %sub3A_1003, %max3A_1005 : vector<8x640xf32>
    %min3A_1007 = vector.broadcast %get3A_995 : f32 to vector<8x640xf32>
    %min3A_1008 = arith.minimumf %min3A_1007, %get3A_22 : vector<8x640xf32>
    %max3A_1009 = vector.broadcast %get3A_987 : f32 to vector<8x640xf32>
    %max3A_1010 = arith.maximumf %max3A_1009, %get3A_10 : vector<8x640xf32>
    %sub3A_1011 = arith.subf %min3A_1008, %max3A_1010 : vector<8x640xf32>
    %max3A_1012 = arith.constant 0.000000e+00 : f32
    %max3A_1013 = vector.broadcast %max3A_1012 : f32 to vector<8x640xf32>
    %max3A_1014 = arith.maximumf %sub3A_1011, %max3A_1013 : vector<8x640xf32>
    %mul3A_1015 = arith.mulf %max3A_1006, %max3A_1014 : vector<8x640xf32>
    %add3A_1016 = vector.broadcast %mul3A_998 : f32 to vector<8x640xf32>
    %add3A_1017 = arith.addf %add3A_1016, %mul3A : vector<8x640xf32>
    %sub3A_1018 = arith.subf %add3A_1017, %mul3A_1015 : vector<8x640xf32>
    %add3A_1019 = arith.constant 9.99999971E-10 : f32
    %add3A_1020 = vector.broadcast %add3A_1019 : f32 to vector<8x640xf32>
    %add3A_1021 = arith.addf %sub3A_1018, %add3A_1020 : vector<8x640xf32>
    %div3A_1022 = arith.divf %mul3A_1015, %add3A_1021 : vector<8x640xf32>
    %gt3A_1023 = arith.cmpf ogt, %div3A_1022, %select_n3A_976 : vector<8x640xf32>
    %select_n3A_1024 = arith.select %gt3A_1023, %div3A_1022, %select_n3A_976 : vector<8x640xi1>, vector<8x640xf32>
    %jit3A_1025 = arith.constant 20 : i32
    %broadcast_in_dim3A_1026 = vector.broadcast %jit3A_1025 : i32 to vector<8x640xi32>
    %select_n3A_1027 = arith.select %gt3A_1023, %broadcast_in_dim3A_1026, %select_n3A_979 : vector<8x640xi1>, vector<8x640xi32>
    %get3A_1028 = arith.constant 0 : index
    %get3A_1029 = arith.constant 0 : index
    %get3A_1030 = arith.constant 21 : index
    %get3A_1031 = memref.load %arg2[%get3A_1028, %get3A_1029, %get3A_1030] : memref<1x4x64xf32, #tpu.memory_space<smem>>
    %get3A_1032 = arith.constant 0 : index
    %get3A_1033 = arith.constant 1 : index
    %get3A_1034 = arith.constant 21 : index
    %get3A_1035 = memref.load %arg2[%get3A_1032, %get3A_1033, %get3A_1034] : memref<1x4x64xf32, #tpu.memory_space<smem>>
    %get3A_1036 = arith.constant 0 : index
    %get3A_1037 = arith.constant 2 : index
    %get3A_1038 = arith.constant 21 : index
    %get3A_1039 = memref.load %arg2[%get3A_1036, %get3A_1037, %get3A_1038] : memref<1x4x64xf32, #tpu.memory_space<smem>>
    %get3A_1040 = arith.constant 0 : index
    %get3A_1041 = arith.constant 3 : index
    %get3A_1042 = arith.constant 21 : index
    %get3A_1043 = memref.load %arg2[%get3A_1040, %get3A_1041, %get3A_1042] : memref<1x4x64xf32, #tpu.memory_space<smem>>
    %sub3A_1044 = arith.subf %get3A_1039, %get3A_1031 : f32
    %sub3A_1045 = arith.subf %get3A_1043, %get3A_1035 : f32
    %mul3A_1046 = arith.mulf %sub3A_1044, %sub3A_1045 : f32
    %min3A_1047 = vector.broadcast %get3A_1039 : f32 to vector<8x640xf32>
    %min3A_1048 = arith.minimumf %min3A_1047, %get3A_16 : vector<8x640xf32>
    %max3A_1049 = vector.broadcast %get3A_1031 : f32 to vector<8x640xf32>
    %max3A_1050 = arith.maximumf %max3A_1049, %get3A_4 : vector<8x640xf32>
    %sub3A_1051 = arith.subf %min3A_1048, %max3A_1050 : vector<8x640xf32>
    %max3A_1052 = arith.constant 0.000000e+00 : f32
    %max3A_1053 = vector.broadcast %max3A_1052 : f32 to vector<8x640xf32>
    %max3A_1054 = arith.maximumf %sub3A_1051, %max3A_1053 : vector<8x640xf32>
    %min3A_1055 = vector.broadcast %get3A_1043 : f32 to vector<8x640xf32>
    %min3A_1056 = arith.minimumf %min3A_1055, %get3A_22 : vector<8x640xf32>
    %max3A_1057 = vector.broadcast %get3A_1035 : f32 to vector<8x640xf32>
    %max3A_1058 = arith.maximumf %max3A_1057, %get3A_10 : vector<8x640xf32>
    %sub3A_1059 = arith.subf %min3A_1056, %max3A_1058 : vector<8x640xf32>
    %max3A_1060 = arith.constant 0.000000e+00 : f32
    %max3A_1061 = vector.broadcast %max3A_1060 : f32 to vector<8x640xf32>
    %max3A_1062 = arith.maximumf %sub3A_1059, %max3A_1061 : vector<8x640xf32>
    %mul3A_1063 = arith.mulf %max3A_1054, %max3A_1062 : vector<8x640xf32>
    %add3A_1064 = vector.broadcast %mul3A_1046 : f32 to vector<8x640xf32>
    %add3A_1065 = arith.addf %add3A_1064, %mul3A : vector<8x640xf32>
    %sub3A_1066 = arith.subf %add3A_1065, %mul3A_1063 : vector<8x640xf32>
    %add3A_1067 = arith.constant 9.99999971E-10 : f32
    %add3A_1068 = vector.broadcast %add3A_1067 : f32 to vector<8x640xf32>
    %add3A_1069 = arith.addf %sub3A_1066, %add3A_1068 : vector<8x640xf32>
    %div3A_1070 = arith.divf %mul3A_1063, %add3A_1069 : vector<8x640xf32>
    %gt3A_1071 = arith.cmpf ogt, %div3A_1070, %select_n3A_1024 : vector<8x640xf32>
    %select_n3A_1072 = arith.select %gt3A_1071, %div3A_1070, %select_n3A_1024 : vector<8x640xi1>, vector<8x640xf32>
    %jit3A_1073 = arith.constant 21 : i32
    %broadcast_in_dim3A_1074 = vector.broadcast %jit3A_1073 : i32 to vector<8x640xi32>
    %select_n3A_1075 = arith.select %gt3A_1071, %broadcast_in_dim3A_1074, %select_n3A_1027 : vector<8x640xi1>, vector<8x640xi32>
    %get3A_1076 = arith.constant 0 : index
    %get3A_1077 = arith.constant 0 : index
    %get3A_1078 = arith.constant 22 : index
    %get3A_1079 = memref.load %arg2[%get3A_1076, %get3A_1077, %get3A_1078] : memref<1x4x64xf32, #tpu.memory_space<smem>>
    %get3A_1080 = arith.constant 0 : index
    %get3A_1081 = arith.constant 1 : index
    %get3A_1082 = arith.constant 22 : index
    %get3A_1083 = memref.load %arg2[%get3A_1080, %get3A_1081, %get3A_1082] : memref<1x4x64xf32, #tpu.memory_space<smem>>
    %get3A_1084 = arith.constant 0 : index
    %get3A_1085 = arith.constant 2 : index
    %get3A_1086 = arith.constant 22 : index
    %get3A_1087 = memref.load %arg2[%get3A_1084, %get3A_1085, %get3A_1086] : memref<1x4x64xf32, #tpu.memory_space<smem>>
    %get3A_1088 = arith.constant 0 : index
    %get3A_1089 = arith.constant 3 : index
    %get3A_1090 = arith.constant 22 : index
    %get3A_1091 = memref.load %arg2[%get3A_1088, %get3A_1089, %get3A_1090] : memref<1x4x64xf32, #tpu.memory_space<smem>>
    %sub3A_1092 = arith.subf %get3A_1087, %get3A_1079 : f32
    %sub3A_1093 = arith.subf %get3A_1091, %get3A_1083 : f32
    %mul3A_1094 = arith.mulf %sub3A_1092, %sub3A_1093 : f32
    %min3A_1095 = vector.broadcast %get3A_1087 : f32 to vector<8x640xf32>
    %min3A_1096 = arith.minimumf %min3A_1095, %get3A_16 : vector<8x640xf32>
    %max3A_1097 = vector.broadcast %get3A_1079 : f32 to vector<8x640xf32>
    %max3A_1098 = arith.maximumf %max3A_1097, %get3A_4 : vector<8x640xf32>
    %sub3A_1099 = arith.subf %min3A_1096, %max3A_1098 : vector<8x640xf32>
    %max3A_1100 = arith.constant 0.000000e+00 : f32
    %max3A_1101 = vector.broadcast %max3A_1100 : f32 to vector<8x640xf32>
    %max3A_1102 = arith.maximumf %sub3A_1099, %max3A_1101 : vector<8x640xf32>
    %min3A_1103 = vector.broadcast %get3A_1091 : f32 to vector<8x640xf32>
    %min3A_1104 = arith.minimumf %min3A_1103, %get3A_22 : vector<8x640xf32>
    %max3A_1105 = vector.broadcast %get3A_1083 : f32 to vector<8x640xf32>
    %max3A_1106 = arith.maximumf %max3A_1105, %get3A_10 : vector<8x640xf32>
    %sub3A_1107 = arith.subf %min3A_1104, %max3A_1106 : vector<8x640xf32>
    %max3A_1108 = arith.constant 0.000000e+00 : f32
    %max3A_1109 = vector.broadcast %max3A_1108 : f32 to vector<8x640xf32>
    %max3A_1110 = arith.maximumf %sub3A_1107, %max3A_1109 : vector<8x640xf32>
    %mul3A_1111 = arith.mulf %max3A_1102, %max3A_1110 : vector<8x640xf32>
    %add3A_1112 = vector.broadcast %mul3A_1094 : f32 to vector<8x640xf32>
    %add3A_1113 = arith.addf %add3A_1112, %mul3A : vector<8x640xf32>
    %sub3A_1114 = arith.subf %add3A_1113, %mul3A_1111 : vector<8x640xf32>
    %add3A_1115 = arith.constant 9.99999971E-10 : f32
    %add3A_1116 = vector.broadcast %add3A_1115 : f32 to vector<8x640xf32>
    %add3A_1117 = arith.addf %sub3A_1114, %add3A_1116 : vector<8x640xf32>
    %div3A_1118 = arith.divf %mul3A_1111, %add3A_1117 : vector<8x640xf32>
    %gt3A_1119 = arith.cmpf ogt, %div3A_1118, %select_n3A_1072 : vector<8x640xf32>
    %select_n3A_1120 = arith.select %gt3A_1119, %div3A_1118, %select_n3A_1072 : vector<8x640xi1>, vector<8x640xf32>
    %jit3A_1121 = arith.constant 22 : i32
    %broadcast_in_dim3A_1122 = vector.broadcast %jit3A_1121 : i32 to vector<8x640xi32>
    %select_n3A_1123 = arith.select %gt3A_1119, %broadcast_in_dim3A_1122, %select_n3A_1075 : vector<8x640xi1>, vector<8x640xi32>
    %get3A_1124 = arith.constant 0 : index
    %get3A_1125 = arith.constant 0 : index
    %get3A_1126 = arith.constant 23 : index
    %get3A_1127 = memref.load %arg2[%get3A_1124, %get3A_1125, %get3A_1126] : memref<1x4x64xf32, #tpu.memory_space<smem>>
    %get3A_1128 = arith.constant 0 : index
    %get3A_1129 = arith.constant 1 : index
    %get3A_1130 = arith.constant 23 : index
    %get3A_1131 = memref.load %arg2[%get3A_1128, %get3A_1129, %get3A_1130] : memref<1x4x64xf32, #tpu.memory_space<smem>>
    %get3A_1132 = arith.constant 0 : index
    %get3A_1133 = arith.constant 2 : index
    %get3A_1134 = arith.constant 23 : index
    %get3A_1135 = memref.load %arg2[%get3A_1132, %get3A_1133, %get3A_1134] : memref<1x4x64xf32, #tpu.memory_space<smem>>
    %get3A_1136 = arith.constant 0 : index
    %get3A_1137 = arith.constant 3 : index
    %get3A_1138 = arith.constant 23 : index
    %get3A_1139 = memref.load %arg2[%get3A_1136, %get3A_1137, %get3A_1138] : memref<1x4x64xf32, #tpu.memory_space<smem>>
    %sub3A_1140 = arith.subf %get3A_1135, %get3A_1127 : f32
    %sub3A_1141 = arith.subf %get3A_1139, %get3A_1131 : f32
    %mul3A_1142 = arith.mulf %sub3A_1140, %sub3A_1141 : f32
    %min3A_1143 = vector.broadcast %get3A_1135 : f32 to vector<8x640xf32>
    %min3A_1144 = arith.minimumf %min3A_1143, %get3A_16 : vector<8x640xf32>
    %max3A_1145 = vector.broadcast %get3A_1127 : f32 to vector<8x640xf32>
    %max3A_1146 = arith.maximumf %max3A_1145, %get3A_4 : vector<8x640xf32>
    %sub3A_1147 = arith.subf %min3A_1144, %max3A_1146 : vector<8x640xf32>
    %max3A_1148 = arith.constant 0.000000e+00 : f32
    %max3A_1149 = vector.broadcast %max3A_1148 : f32 to vector<8x640xf32>
    %max3A_1150 = arith.maximumf %sub3A_1147, %max3A_1149 : vector<8x640xf32>
    %min3A_1151 = vector.broadcast %get3A_1139 : f32 to vector<8x640xf32>
    %min3A_1152 = arith.minimumf %min3A_1151, %get3A_22 : vector<8x640xf32>
    %max3A_1153 = vector.broadcast %get3A_1131 : f32 to vector<8x640xf32>
    %max3A_1154 = arith.maximumf %max3A_1153, %get3A_10 : vector<8x640xf32>
    %sub3A_1155 = arith.subf %min3A_1152, %max3A_1154 : vector<8x640xf32>
    %max3A_1156 = arith.constant 0.000000e+00 : f32
    %max3A_1157 = vector.broadcast %max3A_1156 : f32 to vector<8x640xf32>
    %max3A_1158 = arith.maximumf %sub3A_1155, %max3A_1157 : vector<8x640xf32>
    %mul3A_1159 = arith.mulf %max3A_1150, %max3A_1158 : vector<8x640xf32>
    %add3A_1160 = vector.broadcast %mul3A_1142 : f32 to vector<8x640xf32>
    %add3A_1161 = arith.addf %add3A_1160, %mul3A : vector<8x640xf32>
    %sub3A_1162 = arith.subf %add3A_1161, %mul3A_1159 : vector<8x640xf32>
    %add3A_1163 = arith.constant 9.99999971E-10 : f32
    %add3A_1164 = vector.broadcast %add3A_1163 : f32 to vector<8x640xf32>
    %add3A_1165 = arith.addf %sub3A_1162, %add3A_1164 : vector<8x640xf32>
    %div3A_1166 = arith.divf %mul3A_1159, %add3A_1165 : vector<8x640xf32>
    %gt3A_1167 = arith.cmpf ogt, %div3A_1166, %select_n3A_1120 : vector<8x640xf32>
    %select_n3A_1168 = arith.select %gt3A_1167, %div3A_1166, %select_n3A_1120 : vector<8x640xi1>, vector<8x640xf32>
    %jit3A_1169 = arith.constant 23 : i32
    %broadcast_in_dim3A_1170 = vector.broadcast %jit3A_1169 : i32 to vector<8x640xi32>
    %select_n3A_1171 = arith.select %gt3A_1167, %broadcast_in_dim3A_1170, %select_n3A_1123 : vector<8x640xi1>, vector<8x640xi32>
    %get3A_1172 = arith.constant 0 : index
    %get3A_1173 = arith.constant 0 : index
    %get3A_1174 = arith.constant 24 : index
    %get3A_1175 = memref.load %arg2[%get3A_1172, %get3A_1173, %get3A_1174] : memref<1x4x64xf32, #tpu.memory_space<smem>>
    %get3A_1176 = arith.constant 0 : index
    %get3A_1177 = arith.constant 1 : index
    %get3A_1178 = arith.constant 24 : index
    %get3A_1179 = memref.load %arg2[%get3A_1176, %get3A_1177, %get3A_1178] : memref<1x4x64xf32, #tpu.memory_space<smem>>
    %get3A_1180 = arith.constant 0 : index
    %get3A_1181 = arith.constant 2 : index
    %get3A_1182 = arith.constant 24 : index
    %get3A_1183 = memref.load %arg2[%get3A_1180, %get3A_1181, %get3A_1182] : memref<1x4x64xf32, #tpu.memory_space<smem>>
    %get3A_1184 = arith.constant 0 : index
    %get3A_1185 = arith.constant 3 : index
    %get3A_1186 = arith.constant 24 : index
    %get3A_1187 = memref.load %arg2[%get3A_1184, %get3A_1185, %get3A_1186] : memref<1x4x64xf32, #tpu.memory_space<smem>>
    %sub3A_1188 = arith.subf %get3A_1183, %get3A_1175 : f32
    %sub3A_1189 = arith.subf %get3A_1187, %get3A_1179 : f32
    %mul3A_1190 = arith.mulf %sub3A_1188, %sub3A_1189 : f32
    %min3A_1191 = vector.broadcast %get3A_1183 : f32 to vector<8x640xf32>
    %min3A_1192 = arith.minimumf %min3A_1191, %get3A_16 : vector<8x640xf32>
    %max3A_1193 = vector.broadcast %get3A_1175 : f32 to vector<8x640xf32>
    %max3A_1194 = arith.maximumf %max3A_1193, %get3A_4 : vector<8x640xf32>
    %sub3A_1195 = arith.subf %min3A_1192, %max3A_1194 : vector<8x640xf32>
    %max3A_1196 = arith.constant 0.000000e+00 : f32
    %max3A_1197 = vector.broadcast %max3A_1196 : f32 to vector<8x640xf32>
    %max3A_1198 = arith.maximumf %sub3A_1195, %max3A_1197 : vector<8x640xf32>
    %min3A_1199 = vector.broadcast %get3A_1187 : f32 to vector<8x640xf32>
    %min3A_1200 = arith.minimumf %min3A_1199, %get3A_22 : vector<8x640xf32>
    %max3A_1201 = vector.broadcast %get3A_1179 : f32 to vector<8x640xf32>
    %max3A_1202 = arith.maximumf %max3A_1201, %get3A_10 : vector<8x640xf32>
    %sub3A_1203 = arith.subf %min3A_1200, %max3A_1202 : vector<8x640xf32>
    %max3A_1204 = arith.constant 0.000000e+00 : f32
    %max3A_1205 = vector.broadcast %max3A_1204 : f32 to vector<8x640xf32>
    %max3A_1206 = arith.maximumf %sub3A_1203, %max3A_1205 : vector<8x640xf32>
    %mul3A_1207 = arith.mulf %max3A_1198, %max3A_1206 : vector<8x640xf32>
    %add3A_1208 = vector.broadcast %mul3A_1190 : f32 to vector<8x640xf32>
    %add3A_1209 = arith.addf %add3A_1208, %mul3A : vector<8x640xf32>
    %sub3A_1210 = arith.subf %add3A_1209, %mul3A_1207 : vector<8x640xf32>
    %add3A_1211 = arith.constant 9.99999971E-10 : f32
    %add3A_1212 = vector.broadcast %add3A_1211 : f32 to vector<8x640xf32>
    %add3A_1213 = arith.addf %sub3A_1210, %add3A_1212 : vector<8x640xf32>
    %div3A_1214 = arith.divf %mul3A_1207, %add3A_1213 : vector<8x640xf32>
    %gt3A_1215 = arith.cmpf ogt, %div3A_1214, %select_n3A_1168 : vector<8x640xf32>
    %select_n3A_1216 = arith.select %gt3A_1215, %div3A_1214, %select_n3A_1168 : vector<8x640xi1>, vector<8x640xf32>
    %jit3A_1217 = arith.constant 24 : i32
    %broadcast_in_dim3A_1218 = vector.broadcast %jit3A_1217 : i32 to vector<8x640xi32>
    %select_n3A_1219 = arith.select %gt3A_1215, %broadcast_in_dim3A_1218, %select_n3A_1171 : vector<8x640xi1>, vector<8x640xi32>
    %get3A_1220 = arith.constant 0 : index
    %get3A_1221 = arith.constant 0 : index
    %get3A_1222 = arith.constant 25 : index
    %get3A_1223 = memref.load %arg2[%get3A_1220, %get3A_1221, %get3A_1222] : memref<1x4x64xf32, #tpu.memory_space<smem>>
    %get3A_1224 = arith.constant 0 : index
    %get3A_1225 = arith.constant 1 : index
    %get3A_1226 = arith.constant 25 : index
    %get3A_1227 = memref.load %arg2[%get3A_1224, %get3A_1225, %get3A_1226] : memref<1x4x64xf32, #tpu.memory_space<smem>>
    %get3A_1228 = arith.constant 0 : index
    %get3A_1229 = arith.constant 2 : index
    %get3A_1230 = arith.constant 25 : index
    %get3A_1231 = memref.load %arg2[%get3A_1228, %get3A_1229, %get3A_1230] : memref<1x4x64xf32, #tpu.memory_space<smem>>
    %get3A_1232 = arith.constant 0 : index
    %get3A_1233 = arith.constant 3 : index
    %get3A_1234 = arith.constant 25 : index
    %get3A_1235 = memref.load %arg2[%get3A_1232, %get3A_1233, %get3A_1234] : memref<1x4x64xf32, #tpu.memory_space<smem>>
    %sub3A_1236 = arith.subf %get3A_1231, %get3A_1223 : f32
    %sub3A_1237 = arith.subf %get3A_1235, %get3A_1227 : f32
    %mul3A_1238 = arith.mulf %sub3A_1236, %sub3A_1237 : f32
    %min3A_1239 = vector.broadcast %get3A_1231 : f32 to vector<8x640xf32>
    %min3A_1240 = arith.minimumf %min3A_1239, %get3A_16 : vector<8x640xf32>
    %max3A_1241 = vector.broadcast %get3A_1223 : f32 to vector<8x640xf32>
    %max3A_1242 = arith.maximumf %max3A_1241, %get3A_4 : vector<8x640xf32>
    %sub3A_1243 = arith.subf %min3A_1240, %max3A_1242 : vector<8x640xf32>
    %max3A_1244 = arith.constant 0.000000e+00 : f32
    %max3A_1245 = vector.broadcast %max3A_1244 : f32 to vector<8x640xf32>
    %max3A_1246 = arith.maximumf %sub3A_1243, %max3A_1245 : vector<8x640xf32>
    %min3A_1247 = vector.broadcast %get3A_1235 : f32 to vector<8x640xf32>
    %min3A_1248 = arith.minimumf %min3A_1247, %get3A_22 : vector<8x640xf32>
    %max3A_1249 = vector.broadcast %get3A_1227 : f32 to vector<8x640xf32>
    %max3A_1250 = arith.maximumf %max3A_1249, %get3A_10 : vector<8x640xf32>
    %sub3A_1251 = arith.subf %min3A_1248, %max3A_1250 : vector<8x640xf32>
    %max3A_1252 = arith.constant 0.000000e+00 : f32
    %max3A_1253 = vector.broadcast %max3A_1252 : f32 to vector<8x640xf32>
    %max3A_1254 = arith.maximumf %sub3A_1251, %max3A_1253 : vector<8x640xf32>
    %mul3A_1255 = arith.mulf %max3A_1246, %max3A_1254 : vector<8x640xf32>
    %add3A_1256 = vector.broadcast %mul3A_1238 : f32 to vector<8x640xf32>
    %add3A_1257 = arith.addf %add3A_1256, %mul3A : vector<8x640xf32>
    %sub3A_1258 = arith.subf %add3A_1257, %mul3A_1255 : vector<8x640xf32>
    %add3A_1259 = arith.constant 9.99999971E-10 : f32
    %add3A_1260 = vector.broadcast %add3A_1259 : f32 to vector<8x640xf32>
    %add3A_1261 = arith.addf %sub3A_1258, %add3A_1260 : vector<8x640xf32>
    %div3A_1262 = arith.divf %mul3A_1255, %add3A_1261 : vector<8x640xf32>
    %gt3A_1263 = arith.cmpf ogt, %div3A_1262, %select_n3A_1216 : vector<8x640xf32>
    %select_n3A_1264 = arith.select %gt3A_1263, %div3A_1262, %select_n3A_1216 : vector<8x640xi1>, vector<8x640xf32>
    %jit3A_1265 = arith.constant 25 : i32
    %broadcast_in_dim3A_1266 = vector.broadcast %jit3A_1265 : i32 to vector<8x640xi32>
    %select_n3A_1267 = arith.select %gt3A_1263, %broadcast_in_dim3A_1266, %select_n3A_1219 : vector<8x640xi1>, vector<8x640xi32>
    %get3A_1268 = arith.constant 0 : index
    %get3A_1269 = arith.constant 0 : index
    %get3A_1270 = arith.constant 26 : index
    %get3A_1271 = memref.load %arg2[%get3A_1268, %get3A_1269, %get3A_1270] : memref<1x4x64xf32, #tpu.memory_space<smem>>
    %get3A_1272 = arith.constant 0 : index
    %get3A_1273 = arith.constant 1 : index
    %get3A_1274 = arith.constant 26 : index
    %get3A_1275 = memref.load %arg2[%get3A_1272, %get3A_1273, %get3A_1274] : memref<1x4x64xf32, #tpu.memory_space<smem>>
    %get3A_1276 = arith.constant 0 : index
    %get3A_1277 = arith.constant 2 : index
    %get3A_1278 = arith.constant 26 : index
    %get3A_1279 = memref.load %arg2[%get3A_1276, %get3A_1277, %get3A_1278] : memref<1x4x64xf32, #tpu.memory_space<smem>>
    %get3A_1280 = arith.constant 0 : index
    %get3A_1281 = arith.constant 3 : index
    %get3A_1282 = arith.constant 26 : index
    %get3A_1283 = memref.load %arg2[%get3A_1280, %get3A_1281, %get3A_1282] : memref<1x4x64xf32, #tpu.memory_space<smem>>
    %sub3A_1284 = arith.subf %get3A_1279, %get3A_1271 : f32
    %sub3A_1285 = arith.subf %get3A_1283, %get3A_1275 : f32
    %mul3A_1286 = arith.mulf %sub3A_1284, %sub3A_1285 : f32
    %min3A_1287 = vector.broadcast %get3A_1279 : f32 to vector<8x640xf32>
    %min3A_1288 = arith.minimumf %min3A_1287, %get3A_16 : vector<8x640xf32>
    %max3A_1289 = vector.broadcast %get3A_1271 : f32 to vector<8x640xf32>
    %max3A_1290 = arith.maximumf %max3A_1289, %get3A_4 : vector<8x640xf32>
    %sub3A_1291 = arith.subf %min3A_1288, %max3A_1290 : vector<8x640xf32>
    %max3A_1292 = arith.constant 0.000000e+00 : f32
    %max3A_1293 = vector.broadcast %max3A_1292 : f32 to vector<8x640xf32>
    %max3A_1294 = arith.maximumf %sub3A_1291, %max3A_1293 : vector<8x640xf32>
    %min3A_1295 = vector.broadcast %get3A_1283 : f32 to vector<8x640xf32>
    %min3A_1296 = arith.minimumf %min3A_1295, %get3A_22 : vector<8x640xf32>
    %max3A_1297 = vector.broadcast %get3A_1275 : f32 to vector<8x640xf32>
    %max3A_1298 = arith.maximumf %max3A_1297, %get3A_10 : vector<8x640xf32>
    %sub3A_1299 = arith.subf %min3A_1296, %max3A_1298 : vector<8x640xf32>
    %max3A_1300 = arith.constant 0.000000e+00 : f32
    %max3A_1301 = vector.broadcast %max3A_1300 : f32 to vector<8x640xf32>
    %max3A_1302 = arith.maximumf %sub3A_1299, %max3A_1301 : vector<8x640xf32>
    %mul3A_1303 = arith.mulf %max3A_1294, %max3A_1302 : vector<8x640xf32>
    %add3A_1304 = vector.broadcast %mul3A_1286 : f32 to vector<8x640xf32>
    %add3A_1305 = arith.addf %add3A_1304, %mul3A : vector<8x640xf32>
    %sub3A_1306 = arith.subf %add3A_1305, %mul3A_1303 : vector<8x640xf32>
    %add3A_1307 = arith.constant 9.99999971E-10 : f32
    %add3A_1308 = vector.broadcast %add3A_1307 : f32 to vector<8x640xf32>
    %add3A_1309 = arith.addf %sub3A_1306, %add3A_1308 : vector<8x640xf32>
    %div3A_1310 = arith.divf %mul3A_1303, %add3A_1309 : vector<8x640xf32>
    %gt3A_1311 = arith.cmpf ogt, %div3A_1310, %select_n3A_1264 : vector<8x640xf32>
    %select_n3A_1312 = arith.select %gt3A_1311, %div3A_1310, %select_n3A_1264 : vector<8x640xi1>, vector<8x640xf32>
    %jit3A_1313 = arith.constant 26 : i32
    %broadcast_in_dim3A_1314 = vector.broadcast %jit3A_1313 : i32 to vector<8x640xi32>
    %select_n3A_1315 = arith.select %gt3A_1311, %broadcast_in_dim3A_1314, %select_n3A_1267 : vector<8x640xi1>, vector<8x640xi32>
    %get3A_1316 = arith.constant 0 : index
    %get3A_1317 = arith.constant 0 : index
    %get3A_1318 = arith.constant 27 : index
    %get3A_1319 = memref.load %arg2[%get3A_1316, %get3A_1317, %get3A_1318] : memref<1x4x64xf32, #tpu.memory_space<smem>>
    %get3A_1320 = arith.constant 0 : index
    %get3A_1321 = arith.constant 1 : index
    %get3A_1322 = arith.constant 27 : index
    %get3A_1323 = memref.load %arg2[%get3A_1320, %get3A_1321, %get3A_1322] : memref<1x4x64xf32, #tpu.memory_space<smem>>
    %get3A_1324 = arith.constant 0 : index
    %get3A_1325 = arith.constant 2 : index
    %get3A_1326 = arith.constant 27 : index
    %get3A_1327 = memref.load %arg2[%get3A_1324, %get3A_1325, %get3A_1326] : memref<1x4x64xf32, #tpu.memory_space<smem>>
    %get3A_1328 = arith.constant 0 : index
    %get3A_1329 = arith.constant 3 : index
    %get3A_1330 = arith.constant 27 : index
    %get3A_1331 = memref.load %arg2[%get3A_1328, %get3A_1329, %get3A_1330] : memref<1x4x64xf32, #tpu.memory_space<smem>>
    %sub3A_1332 = arith.subf %get3A_1327, %get3A_1319 : f32
    %sub3A_1333 = arith.subf %get3A_1331, %get3A_1323 : f32
    %mul3A_1334 = arith.mulf %sub3A_1332, %sub3A_1333 : f32
    %min3A_1335 = vector.broadcast %get3A_1327 : f32 to vector<8x640xf32>
    %min3A_1336 = arith.minimumf %min3A_1335, %get3A_16 : vector<8x640xf32>
    %max3A_1337 = vector.broadcast %get3A_1319 : f32 to vector<8x640xf32>
    %max3A_1338 = arith.maximumf %max3A_1337, %get3A_4 : vector<8x640xf32>
    %sub3A_1339 = arith.subf %min3A_1336, %max3A_1338 : vector<8x640xf32>
    %max3A_1340 = arith.constant 0.000000e+00 : f32
    %max3A_1341 = vector.broadcast %max3A_1340 : f32 to vector<8x640xf32>
    %max3A_1342 = arith.maximumf %sub3A_1339, %max3A_1341 : vector<8x640xf32>
    %min3A_1343 = vector.broadcast %get3A_1331 : f32 to vector<8x640xf32>
    %min3A_1344 = arith.minimumf %min3A_1343, %get3A_22 : vector<8x640xf32>
    %max3A_1345 = vector.broadcast %get3A_1323 : f32 to vector<8x640xf32>
    %max3A_1346 = arith.maximumf %max3A_1345, %get3A_10 : vector<8x640xf32>
    %sub3A_1347 = arith.subf %min3A_1344, %max3A_1346 : vector<8x640xf32>
    %max3A_1348 = arith.constant 0.000000e+00 : f32
    %max3A_1349 = vector.broadcast %max3A_1348 : f32 to vector<8x640xf32>
    %max3A_1350 = arith.maximumf %sub3A_1347, %max3A_1349 : vector<8x640xf32>
    %mul3A_1351 = arith.mulf %max3A_1342, %max3A_1350 : vector<8x640xf32>
    %add3A_1352 = vector.broadcast %mul3A_1334 : f32 to vector<8x640xf32>
    %add3A_1353 = arith.addf %add3A_1352, %mul3A : vector<8x640xf32>
    %sub3A_1354 = arith.subf %add3A_1353, %mul3A_1351 : vector<8x640xf32>
    %add3A_1355 = arith.constant 9.99999971E-10 : f32
    %add3A_1356 = vector.broadcast %add3A_1355 : f32 to vector<8x640xf32>
    %add3A_1357 = arith.addf %sub3A_1354, %add3A_1356 : vector<8x640xf32>
    %div3A_1358 = arith.divf %mul3A_1351, %add3A_1357 : vector<8x640xf32>
    %gt3A_1359 = arith.cmpf ogt, %div3A_1358, %select_n3A_1312 : vector<8x640xf32>
    %select_n3A_1360 = arith.select %gt3A_1359, %div3A_1358, %select_n3A_1312 : vector<8x640xi1>, vector<8x640xf32>
    %jit3A_1361 = arith.constant 27 : i32
    %broadcast_in_dim3A_1362 = vector.broadcast %jit3A_1361 : i32 to vector<8x640xi32>
    %select_n3A_1363 = arith.select %gt3A_1359, %broadcast_in_dim3A_1362, %select_n3A_1315 : vector<8x640xi1>, vector<8x640xi32>
    %get3A_1364 = arith.constant 0 : index
    %get3A_1365 = arith.constant 0 : index
    %get3A_1366 = arith.constant 28 : index
    %get3A_1367 = memref.load %arg2[%get3A_1364, %get3A_1365, %get3A_1366] : memref<1x4x64xf32, #tpu.memory_space<smem>>
    %get3A_1368 = arith.constant 0 : index
    %get3A_1369 = arith.constant 1 : index
    %get3A_1370 = arith.constant 28 : index
    %get3A_1371 = memref.load %arg2[%get3A_1368, %get3A_1369, %get3A_1370] : memref<1x4x64xf32, #tpu.memory_space<smem>>
    %get3A_1372 = arith.constant 0 : index
    %get3A_1373 = arith.constant 2 : index
    %get3A_1374 = arith.constant 28 : index
    %get3A_1375 = memref.load %arg2[%get3A_1372, %get3A_1373, %get3A_1374] : memref<1x4x64xf32, #tpu.memory_space<smem>>
    %get3A_1376 = arith.constant 0 : index
    %get3A_1377 = arith.constant 3 : index
    %get3A_1378 = arith.constant 28 : index
    %get3A_1379 = memref.load %arg2[%get3A_1376, %get3A_1377, %get3A_1378] : memref<1x4x64xf32, #tpu.memory_space<smem>>
    %sub3A_1380 = arith.subf %get3A_1375, %get3A_1367 : f32
    %sub3A_1381 = arith.subf %get3A_1379, %get3A_1371 : f32
    %mul3A_1382 = arith.mulf %sub3A_1380, %sub3A_1381 : f32
    %min3A_1383 = vector.broadcast %get3A_1375 : f32 to vector<8x640xf32>
    %min3A_1384 = arith.minimumf %min3A_1383, %get3A_16 : vector<8x640xf32>
    %max3A_1385 = vector.broadcast %get3A_1367 : f32 to vector<8x640xf32>
    %max3A_1386 = arith.maximumf %max3A_1385, %get3A_4 : vector<8x640xf32>
    %sub3A_1387 = arith.subf %min3A_1384, %max3A_1386 : vector<8x640xf32>
    %max3A_1388 = arith.constant 0.000000e+00 : f32
    %max3A_1389 = vector.broadcast %max3A_1388 : f32 to vector<8x640xf32>
    %max3A_1390 = arith.maximumf %sub3A_1387, %max3A_1389 : vector<8x640xf32>
    %min3A_1391 = vector.broadcast %get3A_1379 : f32 to vector<8x640xf32>
    %min3A_1392 = arith.minimumf %min3A_1391, %get3A_22 : vector<8x640xf32>
    %max3A_1393 = vector.broadcast %get3A_1371 : f32 to vector<8x640xf32>
    %max3A_1394 = arith.maximumf %max3A_1393, %get3A_10 : vector<8x640xf32>
    %sub3A_1395 = arith.subf %min3A_1392, %max3A_1394 : vector<8x640xf32>
    %max3A_1396 = arith.constant 0.000000e+00 : f32
    %max3A_1397 = vector.broadcast %max3A_1396 : f32 to vector<8x640xf32>
    %max3A_1398 = arith.maximumf %sub3A_1395, %max3A_1397 : vector<8x640xf32>
    %mul3A_1399 = arith.mulf %max3A_1390, %max3A_1398 : vector<8x640xf32>
    %add3A_1400 = vector.broadcast %mul3A_1382 : f32 to vector<8x640xf32>
    %add3A_1401 = arith.addf %add3A_1400, %mul3A : vector<8x640xf32>
    %sub3A_1402 = arith.subf %add3A_1401, %mul3A_1399 : vector<8x640xf32>
    %add3A_1403 = arith.constant 9.99999971E-10 : f32
    %add3A_1404 = vector.broadcast %add3A_1403 : f32 to vector<8x640xf32>
    %add3A_1405 = arith.addf %sub3A_1402, %add3A_1404 : vector<8x640xf32>
    %div3A_1406 = arith.divf %mul3A_1399, %add3A_1405 : vector<8x640xf32>
    %gt3A_1407 = arith.cmpf ogt, %div3A_1406, %select_n3A_1360 : vector<8x640xf32>
    %select_n3A_1408 = arith.select %gt3A_1407, %div3A_1406, %select_n3A_1360 : vector<8x640xi1>, vector<8x640xf32>
    %jit3A_1409 = arith.constant 28 : i32
    %broadcast_in_dim3A_1410 = vector.broadcast %jit3A_1409 : i32 to vector<8x640xi32>
    %select_n3A_1411 = arith.select %gt3A_1407, %broadcast_in_dim3A_1410, %select_n3A_1363 : vector<8x640xi1>, vector<8x640xi32>
    %get3A_1412 = arith.constant 0 : index
    %get3A_1413 = arith.constant 0 : index
    %get3A_1414 = arith.constant 29 : index
    %get3A_1415 = memref.load %arg2[%get3A_1412, %get3A_1413, %get3A_1414] : memref<1x4x64xf32, #tpu.memory_space<smem>>
    %get3A_1416 = arith.constant 0 : index
    %get3A_1417 = arith.constant 1 : index
    %get3A_1418 = arith.constant 29 : index
    %get3A_1419 = memref.load %arg2[%get3A_1416, %get3A_1417, %get3A_1418] : memref<1x4x64xf32, #tpu.memory_space<smem>>
    %get3A_1420 = arith.constant 0 : index
    %get3A_1421 = arith.constant 2 : index
    %get3A_1422 = arith.constant 29 : index
    %get3A_1423 = memref.load %arg2[%get3A_1420, %get3A_1421, %get3A_1422] : memref<1x4x64xf32, #tpu.memory_space<smem>>
    %get3A_1424 = arith.constant 0 : index
    %get3A_1425 = arith.constant 3 : index
    %get3A_1426 = arith.constant 29 : index
    %get3A_1427 = memref.load %arg2[%get3A_1424, %get3A_1425, %get3A_1426] : memref<1x4x64xf32, #tpu.memory_space<smem>>
    %sub3A_1428 = arith.subf %get3A_1423, %get3A_1415 : f32
    %sub3A_1429 = arith.subf %get3A_1427, %get3A_1419 : f32
    %mul3A_1430 = arith.mulf %sub3A_1428, %sub3A_1429 : f32
    %min3A_1431 = vector.broadcast %get3A_1423 : f32 to vector<8x640xf32>
    %min3A_1432 = arith.minimumf %min3A_1431, %get3A_16 : vector<8x640xf32>
    %max3A_1433 = vector.broadcast %get3A_1415 : f32 to vector<8x640xf32>
    %max3A_1434 = arith.maximumf %max3A_1433, %get3A_4 : vector<8x640xf32>
    %sub3A_1435 = arith.subf %min3A_1432, %max3A_1434 : vector<8x640xf32>
    %max3A_1436 = arith.constant 0.000000e+00 : f32
    %max3A_1437 = vector.broadcast %max3A_1436 : f32 to vector<8x640xf32>
    %max3A_1438 = arith.maximumf %sub3A_1435, %max3A_1437 : vector<8x640xf32>
    %min3A_1439 = vector.broadcast %get3A_1427 : f32 to vector<8x640xf32>
    %min3A_1440 = arith.minimumf %min3A_1439, %get3A_22 : vector<8x640xf32>
    %max3A_1441 = vector.broadcast %get3A_1419 : f32 to vector<8x640xf32>
    %max3A_1442 = arith.maximumf %max3A_1441, %get3A_10 : vector<8x640xf32>
    %sub3A_1443 = arith.subf %min3A_1440, %max3A_1442 : vector<8x640xf32>
    %max3A_1444 = arith.constant 0.000000e+00 : f32
    %max3A_1445 = vector.broadcast %max3A_1444 : f32 to vector<8x640xf32>
    %max3A_1446 = arith.maximumf %sub3A_1443, %max3A_1445 : vector<8x640xf32>
    %mul3A_1447 = arith.mulf %max3A_1438, %max3A_1446 : vector<8x640xf32>
    %add3A_1448 = vector.broadcast %mul3A_1430 : f32 to vector<8x640xf32>
    %add3A_1449 = arith.addf %add3A_1448, %mul3A : vector<8x640xf32>
    %sub3A_1450 = arith.subf %add3A_1449, %mul3A_1447 : vector<8x640xf32>
    %add3A_1451 = arith.constant 9.99999971E-10 : f32
    %add3A_1452 = vector.broadcast %add3A_1451 : f32 to vector<8x640xf32>
    %add3A_1453 = arith.addf %sub3A_1450, %add3A_1452 : vector<8x640xf32>
    %div3A_1454 = arith.divf %mul3A_1447, %add3A_1453 : vector<8x640xf32>
    %gt3A_1455 = arith.cmpf ogt, %div3A_1454, %select_n3A_1408 : vector<8x640xf32>
    %select_n3A_1456 = arith.select %gt3A_1455, %div3A_1454, %select_n3A_1408 : vector<8x640xi1>, vector<8x640xf32>
    %jit3A_1457 = arith.constant 29 : i32
    %broadcast_in_dim3A_1458 = vector.broadcast %jit3A_1457 : i32 to vector<8x640xi32>
    %select_n3A_1459 = arith.select %gt3A_1455, %broadcast_in_dim3A_1458, %select_n3A_1411 : vector<8x640xi1>, vector<8x640xi32>
    %get3A_1460 = arith.constant 0 : index
    %get3A_1461 = arith.constant 0 : index
    %get3A_1462 = arith.constant 30 : index
    %get3A_1463 = memref.load %arg2[%get3A_1460, %get3A_1461, %get3A_1462] : memref<1x4x64xf32, #tpu.memory_space<smem>>
    %get3A_1464 = arith.constant 0 : index
    %get3A_1465 = arith.constant 1 : index
    %get3A_1466 = arith.constant 30 : index
    %get3A_1467 = memref.load %arg2[%get3A_1464, %get3A_1465, %get3A_1466] : memref<1x4x64xf32, #tpu.memory_space<smem>>
    %get3A_1468 = arith.constant 0 : index
    %get3A_1469 = arith.constant 2 : index
    %get3A_1470 = arith.constant 30 : index
    %get3A_1471 = memref.load %arg2[%get3A_1468, %get3A_1469, %get3A_1470] : memref<1x4x64xf32, #tpu.memory_space<smem>>
    %get3A_1472 = arith.constant 0 : index
    %get3A_1473 = arith.constant 3 : index
    %get3A_1474 = arith.constant 30 : index
    %get3A_1475 = memref.load %arg2[%get3A_1472, %get3A_1473, %get3A_1474] : memref<1x4x64xf32, #tpu.memory_space<smem>>
    %sub3A_1476 = arith.subf %get3A_1471, %get3A_1463 : f32
    %sub3A_1477 = arith.subf %get3A_1475, %get3A_1467 : f32
    %mul3A_1478 = arith.mulf %sub3A_1476, %sub3A_1477 : f32
    %min3A_1479 = vector.broadcast %get3A_1471 : f32 to vector<8x640xf32>
    %min3A_1480 = arith.minimumf %min3A_1479, %get3A_16 : vector<8x640xf32>
    %max3A_1481 = vector.broadcast %get3A_1463 : f32 to vector<8x640xf32>
    %max3A_1482 = arith.maximumf %max3A_1481, %get3A_4 : vector<8x640xf32>
    %sub3A_1483 = arith.subf %min3A_1480, %max3A_1482 : vector<8x640xf32>
    %max3A_1484 = arith.constant 0.000000e+00 : f32
    %max3A_1485 = vector.broadcast %max3A_1484 : f32 to vector<8x640xf32>
    %max3A_1486 = arith.maximumf %sub3A_1483, %max3A_1485 : vector<8x640xf32>
    %min3A_1487 = vector.broadcast %get3A_1475 : f32 to vector<8x640xf32>
    %min3A_1488 = arith.minimumf %min3A_1487, %get3A_22 : vector<8x640xf32>
    %max3A_1489 = vector.broadcast %get3A_1467 : f32 to vector<8x640xf32>
    %max3A_1490 = arith.maximumf %max3A_1489, %get3A_10 : vector<8x640xf32>
    %sub3A_1491 = arith.subf %min3A_1488, %max3A_1490 : vector<8x640xf32>
    %max3A_1492 = arith.constant 0.000000e+00 : f32
    %max3A_1493 = vector.broadcast %max3A_1492 : f32 to vector<8x640xf32>
    %max3A_1494 = arith.maximumf %sub3A_1491, %max3A_1493 : vector<8x640xf32>
    %mul3A_1495 = arith.mulf %max3A_1486, %max3A_1494 : vector<8x640xf32>
    %add3A_1496 = vector.broadcast %mul3A_1478 : f32 to vector<8x640xf32>
    %add3A_1497 = arith.addf %add3A_1496, %mul3A : vector<8x640xf32>
    %sub3A_1498 = arith.subf %add3A_1497, %mul3A_1495 : vector<8x640xf32>
    %add3A_1499 = arith.constant 9.99999971E-10 : f32
    %add3A_1500 = vector.broadcast %add3A_1499 : f32 to vector<8x640xf32>
    %add3A_1501 = arith.addf %sub3A_1498, %add3A_1500 : vector<8x640xf32>
    %div3A_1502 = arith.divf %mul3A_1495, %add3A_1501 : vector<8x640xf32>
    %gt3A_1503 = arith.cmpf ogt, %div3A_1502, %select_n3A_1456 : vector<8x640xf32>
    %select_n3A_1504 = arith.select %gt3A_1503, %div3A_1502, %select_n3A_1456 : vector<8x640xi1>, vector<8x640xf32>
    %jit3A_1505 = arith.constant 30 : i32
    %broadcast_in_dim3A_1506 = vector.broadcast %jit3A_1505 : i32 to vector<8x640xi32>
    %select_n3A_1507 = arith.select %gt3A_1503, %broadcast_in_dim3A_1506, %select_n3A_1459 : vector<8x640xi1>, vector<8x640xi32>
    %get3A_1508 = arith.constant 0 : index
    %get3A_1509 = arith.constant 0 : index
    %get3A_1510 = arith.constant 31 : index
    %get3A_1511 = memref.load %arg2[%get3A_1508, %get3A_1509, %get3A_1510] : memref<1x4x64xf32, #tpu.memory_space<smem>>
    %get3A_1512 = arith.constant 0 : index
    %get3A_1513 = arith.constant 1 : index
    %get3A_1514 = arith.constant 31 : index
    %get3A_1515 = memref.load %arg2[%get3A_1512, %get3A_1513, %get3A_1514] : memref<1x4x64xf32, #tpu.memory_space<smem>>
    %get3A_1516 = arith.constant 0 : index
    %get3A_1517 = arith.constant 2 : index
    %get3A_1518 = arith.constant 31 : index
    %get3A_1519 = memref.load %arg2[%get3A_1516, %get3A_1517, %get3A_1518] : memref<1x4x64xf32, #tpu.memory_space<smem>>
    %get3A_1520 = arith.constant 0 : index
    %get3A_1521 = arith.constant 3 : index
    %get3A_1522 = arith.constant 31 : index
    %get3A_1523 = memref.load %arg2[%get3A_1520, %get3A_1521, %get3A_1522] : memref<1x4x64xf32, #tpu.memory_space<smem>>
    %sub3A_1524 = arith.subf %get3A_1519, %get3A_1511 : f32
    %sub3A_1525 = arith.subf %get3A_1523, %get3A_1515 : f32
    %mul3A_1526 = arith.mulf %sub3A_1524, %sub3A_1525 : f32
    %min3A_1527 = vector.broadcast %get3A_1519 : f32 to vector<8x640xf32>
    %min3A_1528 = arith.minimumf %min3A_1527, %get3A_16 : vector<8x640xf32>
    %max3A_1529 = vector.broadcast %get3A_1511 : f32 to vector<8x640xf32>
    %max3A_1530 = arith.maximumf %max3A_1529, %get3A_4 : vector<8x640xf32>
    %sub3A_1531 = arith.subf %min3A_1528, %max3A_1530 : vector<8x640xf32>
    %max3A_1532 = arith.constant 0.000000e+00 : f32
    %max3A_1533 = vector.broadcast %max3A_1532 : f32 to vector<8x640xf32>
    %max3A_1534 = arith.maximumf %sub3A_1531, %max3A_1533 : vector<8x640xf32>
    %min3A_1535 = vector.broadcast %get3A_1523 : f32 to vector<8x640xf32>
    %min3A_1536 = arith.minimumf %min3A_1535, %get3A_22 : vector<8x640xf32>
    %max3A_1537 = vector.broadcast %get3A_1515 : f32 to vector<8x640xf32>
    %max3A_1538 = arith.maximumf %max3A_1537, %get3A_10 : vector<8x640xf32>
    %sub3A_1539 = arith.subf %min3A_1536, %max3A_1538 : vector<8x640xf32>
    %max3A_1540 = arith.constant 0.000000e+00 : f32
    %max3A_1541 = vector.broadcast %max3A_1540 : f32 to vector<8x640xf32>
    %max3A_1542 = arith.maximumf %sub3A_1539, %max3A_1541 : vector<8x640xf32>
    %mul3A_1543 = arith.mulf %max3A_1534, %max3A_1542 : vector<8x640xf32>
    %add3A_1544 = vector.broadcast %mul3A_1526 : f32 to vector<8x640xf32>
    %add3A_1545 = arith.addf %add3A_1544, %mul3A : vector<8x640xf32>
    %sub3A_1546 = arith.subf %add3A_1545, %mul3A_1543 : vector<8x640xf32>
    %add3A_1547 = arith.constant 9.99999971E-10 : f32
    %add3A_1548 = vector.broadcast %add3A_1547 : f32 to vector<8x640xf32>
    %add3A_1549 = arith.addf %sub3A_1546, %add3A_1548 : vector<8x640xf32>
    %div3A_1550 = arith.divf %mul3A_1543, %add3A_1549 : vector<8x640xf32>
    %gt3A_1551 = arith.cmpf ogt, %div3A_1550, %select_n3A_1504 : vector<8x640xf32>
    %select_n3A_1552 = arith.select %gt3A_1551, %div3A_1550, %select_n3A_1504 : vector<8x640xi1>, vector<8x640xf32>
    %jit3A_1553 = arith.constant 31 : i32
    %broadcast_in_dim3A_1554 = vector.broadcast %jit3A_1553 : i32 to vector<8x640xi32>
    %select_n3A_1555 = arith.select %gt3A_1551, %broadcast_in_dim3A_1554, %select_n3A_1507 : vector<8x640xi1>, vector<8x640xi32>
    %get3A_1556 = arith.constant 0 : index
    %get3A_1557 = arith.constant 0 : index
    %get3A_1558 = arith.constant 32 : index
    %get3A_1559 = memref.load %arg2[%get3A_1556, %get3A_1557, %get3A_1558] : memref<1x4x64xf32, #tpu.memory_space<smem>>
    %get3A_1560 = arith.constant 0 : index
    %get3A_1561 = arith.constant 1 : index
    %get3A_1562 = arith.constant 32 : index
    %get3A_1563 = memref.load %arg2[%get3A_1560, %get3A_1561, %get3A_1562] : memref<1x4x64xf32, #tpu.memory_space<smem>>
    %get3A_1564 = arith.constant 0 : index
    %get3A_1565 = arith.constant 2 : index
    %get3A_1566 = arith.constant 32 : index
    %get3A_1567 = memref.load %arg2[%get3A_1564, %get3A_1565, %get3A_1566] : memref<1x4x64xf32, #tpu.memory_space<smem>>
    %get3A_1568 = arith.constant 0 : index
    %get3A_1569 = arith.constant 3 : index
    %get3A_1570 = arith.constant 32 : index
    %get3A_1571 = memref.load %arg2[%get3A_1568, %get3A_1569, %get3A_1570] : memref<1x4x64xf32, #tpu.memory_space<smem>>
    %sub3A_1572 = arith.subf %get3A_1567, %get3A_1559 : f32
    %sub3A_1573 = arith.subf %get3A_1571, %get3A_1563 : f32
    %mul3A_1574 = arith.mulf %sub3A_1572, %sub3A_1573 : f32
    %min3A_1575 = vector.broadcast %get3A_1567 : f32 to vector<8x640xf32>
    %min3A_1576 = arith.minimumf %min3A_1575, %get3A_16 : vector<8x640xf32>
    %max3A_1577 = vector.broadcast %get3A_1559 : f32 to vector<8x640xf32>
    %max3A_1578 = arith.maximumf %max3A_1577, %get3A_4 : vector<8x640xf32>
    %sub3A_1579 = arith.subf %min3A_1576, %max3A_1578 : vector<8x640xf32>
    %max3A_1580 = arith.constant 0.000000e+00 : f32
    %max3A_1581 = vector.broadcast %max3A_1580 : f32 to vector<8x640xf32>
    %max3A_1582 = arith.maximumf %sub3A_1579, %max3A_1581 : vector<8x640xf32>
    %min3A_1583 = vector.broadcast %get3A_1571 : f32 to vector<8x640xf32>
    %min3A_1584 = arith.minimumf %min3A_1583, %get3A_22 : vector<8x640xf32>
    %max3A_1585 = vector.broadcast %get3A_1563 : f32 to vector<8x640xf32>
    %max3A_1586 = arith.maximumf %max3A_1585, %get3A_10 : vector<8x640xf32>
    %sub3A_1587 = arith.subf %min3A_1584, %max3A_1586 : vector<8x640xf32>
    %max3A_1588 = arith.constant 0.000000e+00 : f32
    %max3A_1589 = vector.broadcast %max3A_1588 : f32 to vector<8x640xf32>
    %max3A_1590 = arith.maximumf %sub3A_1587, %max3A_1589 : vector<8x640xf32>
    %mul3A_1591 = arith.mulf %max3A_1582, %max3A_1590 : vector<8x640xf32>
    %add3A_1592 = vector.broadcast %mul3A_1574 : f32 to vector<8x640xf32>
    %add3A_1593 = arith.addf %add3A_1592, %mul3A : vector<8x640xf32>
    %sub3A_1594 = arith.subf %add3A_1593, %mul3A_1591 : vector<8x640xf32>
    %add3A_1595 = arith.constant 9.99999971E-10 : f32
    %add3A_1596 = vector.broadcast %add3A_1595 : f32 to vector<8x640xf32>
    %add3A_1597 = arith.addf %sub3A_1594, %add3A_1596 : vector<8x640xf32>
    %div3A_1598 = arith.divf %mul3A_1591, %add3A_1597 : vector<8x640xf32>
    %gt3A_1599 = arith.cmpf ogt, %div3A_1598, %select_n3A_1552 : vector<8x640xf32>
    %select_n3A_1600 = arith.select %gt3A_1599, %div3A_1598, %select_n3A_1552 : vector<8x640xi1>, vector<8x640xf32>
    %jit3A_1601 = arith.constant 32 : i32
    %broadcast_in_dim3A_1602 = vector.broadcast %jit3A_1601 : i32 to vector<8x640xi32>
    %select_n3A_1603 = arith.select %gt3A_1599, %broadcast_in_dim3A_1602, %select_n3A_1555 : vector<8x640xi1>, vector<8x640xi32>
    %get3A_1604 = arith.constant 0 : index
    %get3A_1605 = arith.constant 0 : index
    %get3A_1606 = arith.constant 33 : index
    %get3A_1607 = memref.load %arg2[%get3A_1604, %get3A_1605, %get3A_1606] : memref<1x4x64xf32, #tpu.memory_space<smem>>
    %get3A_1608 = arith.constant 0 : index
    %get3A_1609 = arith.constant 1 : index
    %get3A_1610 = arith.constant 33 : index
    %get3A_1611 = memref.load %arg2[%get3A_1608, %get3A_1609, %get3A_1610] : memref<1x4x64xf32, #tpu.memory_space<smem>>
    %get3A_1612 = arith.constant 0 : index
    %get3A_1613 = arith.constant 2 : index
    %get3A_1614 = arith.constant 33 : index
    %get3A_1615 = memref.load %arg2[%get3A_1612, %get3A_1613, %get3A_1614] : memref<1x4x64xf32, #tpu.memory_space<smem>>
    %get3A_1616 = arith.constant 0 : index
    %get3A_1617 = arith.constant 3 : index
    %get3A_1618 = arith.constant 33 : index
    %get3A_1619 = memref.load %arg2[%get3A_1616, %get3A_1617, %get3A_1618] : memref<1x4x64xf32, #tpu.memory_space<smem>>
    %sub3A_1620 = arith.subf %get3A_1615, %get3A_1607 : f32
    %sub3A_1621 = arith.subf %get3A_1619, %get3A_1611 : f32
    %mul3A_1622 = arith.mulf %sub3A_1620, %sub3A_1621 : f32
    %min3A_1623 = vector.broadcast %get3A_1615 : f32 to vector<8x640xf32>
    %min3A_1624 = arith.minimumf %min3A_1623, %get3A_16 : vector<8x640xf32>
    %max3A_1625 = vector.broadcast %get3A_1607 : f32 to vector<8x640xf32>
    %max3A_1626 = arith.maximumf %max3A_1625, %get3A_4 : vector<8x640xf32>
    %sub3A_1627 = arith.subf %min3A_1624, %max3A_1626 : vector<8x640xf32>
    %max3A_1628 = arith.constant 0.000000e+00 : f32
    %max3A_1629 = vector.broadcast %max3A_1628 : f32 to vector<8x640xf32>
    %max3A_1630 = arith.maximumf %sub3A_1627, %max3A_1629 : vector<8x640xf32>
    %min3A_1631 = vector.broadcast %get3A_1619 : f32 to vector<8x640xf32>
    %min3A_1632 = arith.minimumf %min3A_1631, %get3A_22 : vector<8x640xf32>
    %max3A_1633 = vector.broadcast %get3A_1611 : f32 to vector<8x640xf32>
    %max3A_1634 = arith.maximumf %max3A_1633, %get3A_10 : vector<8x640xf32>
    %sub3A_1635 = arith.subf %min3A_1632, %max3A_1634 : vector<8x640xf32>
    %max3A_1636 = arith.constant 0.000000e+00 : f32
    %max3A_1637 = vector.broadcast %max3A_1636 : f32 to vector<8x640xf32>
    %max3A_1638 = arith.maximumf %sub3A_1635, %max3A_1637 : vector<8x640xf32>
    %mul3A_1639 = arith.mulf %max3A_1630, %max3A_1638 : vector<8x640xf32>
    %add3A_1640 = vector.broadcast %mul3A_1622 : f32 to vector<8x640xf32>
    %add3A_1641 = arith.addf %add3A_1640, %mul3A : vector<8x640xf32>
    %sub3A_1642 = arith.subf %add3A_1641, %mul3A_1639 : vector<8x640xf32>
    %add3A_1643 = arith.constant 9.99999971E-10 : f32
    %add3A_1644 = vector.broadcast %add3A_1643 : f32 to vector<8x640xf32>
    %add3A_1645 = arith.addf %sub3A_1642, %add3A_1644 : vector<8x640xf32>
    %div3A_1646 = arith.divf %mul3A_1639, %add3A_1645 : vector<8x640xf32>
    %gt3A_1647 = arith.cmpf ogt, %div3A_1646, %select_n3A_1600 : vector<8x640xf32>
    %select_n3A_1648 = arith.select %gt3A_1647, %div3A_1646, %select_n3A_1600 : vector<8x640xi1>, vector<8x640xf32>
    %jit3A_1649 = arith.constant 33 : i32
    %broadcast_in_dim3A_1650 = vector.broadcast %jit3A_1649 : i32 to vector<8x640xi32>
    %select_n3A_1651 = arith.select %gt3A_1647, %broadcast_in_dim3A_1650, %select_n3A_1603 : vector<8x640xi1>, vector<8x640xi32>
    %get3A_1652 = arith.constant 0 : index
    %get3A_1653 = arith.constant 0 : index
    %get3A_1654 = arith.constant 34 : index
    %get3A_1655 = memref.load %arg2[%get3A_1652, %get3A_1653, %get3A_1654] : memref<1x4x64xf32, #tpu.memory_space<smem>>
    %get3A_1656 = arith.constant 0 : index
    %get3A_1657 = arith.constant 1 : index
    %get3A_1658 = arith.constant 34 : index
    %get3A_1659 = memref.load %arg2[%get3A_1656, %get3A_1657, %get3A_1658] : memref<1x4x64xf32, #tpu.memory_space<smem>>
    %get3A_1660 = arith.constant 0 : index
    %get3A_1661 = arith.constant 2 : index
    %get3A_1662 = arith.constant 34 : index
    %get3A_1663 = memref.load %arg2[%get3A_1660, %get3A_1661, %get3A_1662] : memref<1x4x64xf32, #tpu.memory_space<smem>>
    %get3A_1664 = arith.constant 0 : index
    %get3A_1665 = arith.constant 3 : index
    %get3A_1666 = arith.constant 34 : index
    %get3A_1667 = memref.load %arg2[%get3A_1664, %get3A_1665, %get3A_1666] : memref<1x4x64xf32, #tpu.memory_space<smem>>
    %sub3A_1668 = arith.subf %get3A_1663, %get3A_1655 : f32
    %sub3A_1669 = arith.subf %get3A_1667, %get3A_1659 : f32
    %mul3A_1670 = arith.mulf %sub3A_1668, %sub3A_1669 : f32
    %min3A_1671 = vector.broadcast %get3A_1663 : f32 to vector<8x640xf32>
    %min3A_1672 = arith.minimumf %min3A_1671, %get3A_16 : vector<8x640xf32>
    %max3A_1673 = vector.broadcast %get3A_1655 : f32 to vector<8x640xf32>
    %max3A_1674 = arith.maximumf %max3A_1673, %get3A_4 : vector<8x640xf32>
    %sub3A_1675 = arith.subf %min3A_1672, %max3A_1674 : vector<8x640xf32>
    %max3A_1676 = arith.constant 0.000000e+00 : f32
    %max3A_1677 = vector.broadcast %max3A_1676 : f32 to vector<8x640xf32>
    %max3A_1678 = arith.maximumf %sub3A_1675, %max3A_1677 : vector<8x640xf32>
    %min3A_1679 = vector.broadcast %get3A_1667 : f32 to vector<8x640xf32>
    %min3A_1680 = arith.minimumf %min3A_1679, %get3A_22 : vector<8x640xf32>
    %max3A_1681 = vector.broadcast %get3A_1659 : f32 to vector<8x640xf32>
    %max3A_1682 = arith.maximumf %max3A_1681, %get3A_10 : vector<8x640xf32>
    %sub3A_1683 = arith.subf %min3A_1680, %max3A_1682 : vector<8x640xf32>
    %max3A_1684 = arith.constant 0.000000e+00 : f32
    %max3A_1685 = vector.broadcast %max3A_1684 : f32 to vector<8x640xf32>
    %max3A_1686 = arith.maximumf %sub3A_1683, %max3A_1685 : vector<8x640xf32>
    %mul3A_1687 = arith.mulf %max3A_1678, %max3A_1686 : vector<8x640xf32>
    %add3A_1688 = vector.broadcast %mul3A_1670 : f32 to vector<8x640xf32>
    %add3A_1689 = arith.addf %add3A_1688, %mul3A : vector<8x640xf32>
    %sub3A_1690 = arith.subf %add3A_1689, %mul3A_1687 : vector<8x640xf32>
    %add3A_1691 = arith.constant 9.99999971E-10 : f32
    %add3A_1692 = vector.broadcast %add3A_1691 : f32 to vector<8x640xf32>
    %add3A_1693 = arith.addf %sub3A_1690, %add3A_1692 : vector<8x640xf32>
    %div3A_1694 = arith.divf %mul3A_1687, %add3A_1693 : vector<8x640xf32>
    %gt3A_1695 = arith.cmpf ogt, %div3A_1694, %select_n3A_1648 : vector<8x640xf32>
    %select_n3A_1696 = arith.select %gt3A_1695, %div3A_1694, %select_n3A_1648 : vector<8x640xi1>, vector<8x640xf32>
    %jit3A_1697 = arith.constant 34 : i32
    %broadcast_in_dim3A_1698 = vector.broadcast %jit3A_1697 : i32 to vector<8x640xi32>
    %select_n3A_1699 = arith.select %gt3A_1695, %broadcast_in_dim3A_1698, %select_n3A_1651 : vector<8x640xi1>, vector<8x640xi32>
    %get3A_1700 = arith.constant 0 : index
    %get3A_1701 = arith.constant 0 : index
    %get3A_1702 = arith.constant 35 : index
    %get3A_1703 = memref.load %arg2[%get3A_1700, %get3A_1701, %get3A_1702] : memref<1x4x64xf32, #tpu.memory_space<smem>>
    %get3A_1704 = arith.constant 0 : index
    %get3A_1705 = arith.constant 1 : index
    %get3A_1706 = arith.constant 35 : index
    %get3A_1707 = memref.load %arg2[%get3A_1704, %get3A_1705, %get3A_1706] : memref<1x4x64xf32, #tpu.memory_space<smem>>
    %get3A_1708 = arith.constant 0 : index
    %get3A_1709 = arith.constant 2 : index
    %get3A_1710 = arith.constant 35 : index
    %get3A_1711 = memref.load %arg2[%get3A_1708, %get3A_1709, %get3A_1710] : memref<1x4x64xf32, #tpu.memory_space<smem>>
    %get3A_1712 = arith.constant 0 : index
    %get3A_1713 = arith.constant 3 : index
    %get3A_1714 = arith.constant 35 : index
    %get3A_1715 = memref.load %arg2[%get3A_1712, %get3A_1713, %get3A_1714] : memref<1x4x64xf32, #tpu.memory_space<smem>>
    %sub3A_1716 = arith.subf %get3A_1711, %get3A_1703 : f32
    %sub3A_1717 = arith.subf %get3A_1715, %get3A_1707 : f32
    %mul3A_1718 = arith.mulf %sub3A_1716, %sub3A_1717 : f32
    %min3A_1719 = vector.broadcast %get3A_1711 : f32 to vector<8x640xf32>
    %min3A_1720 = arith.minimumf %min3A_1719, %get3A_16 : vector<8x640xf32>
    %max3A_1721 = vector.broadcast %get3A_1703 : f32 to vector<8x640xf32>
    %max3A_1722 = arith.maximumf %max3A_1721, %get3A_4 : vector<8x640xf32>
    %sub3A_1723 = arith.subf %min3A_1720, %max3A_1722 : vector<8x640xf32>
    %max3A_1724 = arith.constant 0.000000e+00 : f32
    %max3A_1725 = vector.broadcast %max3A_1724 : f32 to vector<8x640xf32>
    %max3A_1726 = arith.maximumf %sub3A_1723, %max3A_1725 : vector<8x640xf32>
    %min3A_1727 = vector.broadcast %get3A_1715 : f32 to vector<8x640xf32>
    %min3A_1728 = arith.minimumf %min3A_1727, %get3A_22 : vector<8x640xf32>
    %max3A_1729 = vector.broadcast %get3A_1707 : f32 to vector<8x640xf32>
    %max3A_1730 = arith.maximumf %max3A_1729, %get3A_10 : vector<8x640xf32>
    %sub3A_1731 = arith.subf %min3A_1728, %max3A_1730 : vector<8x640xf32>
    %max3A_1732 = arith.constant 0.000000e+00 : f32
    %max3A_1733 = vector.broadcast %max3A_1732 : f32 to vector<8x640xf32>
    %max3A_1734 = arith.maximumf %sub3A_1731, %max3A_1733 : vector<8x640xf32>
    %mul3A_1735 = arith.mulf %max3A_1726, %max3A_1734 : vector<8x640xf32>
    %add3A_1736 = vector.broadcast %mul3A_1718 : f32 to vector<8x640xf32>
    %add3A_1737 = arith.addf %add3A_1736, %mul3A : vector<8x640xf32>
    %sub3A_1738 = arith.subf %add3A_1737, %mul3A_1735 : vector<8x640xf32>
    %add3A_1739 = arith.constant 9.99999971E-10 : f32
    %add3A_1740 = vector.broadcast %add3A_1739 : f32 to vector<8x640xf32>
    %add3A_1741 = arith.addf %sub3A_1738, %add3A_1740 : vector<8x640xf32>
    %div3A_1742 = arith.divf %mul3A_1735, %add3A_1741 : vector<8x640xf32>
    %gt3A_1743 = arith.cmpf ogt, %div3A_1742, %select_n3A_1696 : vector<8x640xf32>
    %select_n3A_1744 = arith.select %gt3A_1743, %div3A_1742, %select_n3A_1696 : vector<8x640xi1>, vector<8x640xf32>
    %jit3A_1745 = arith.constant 35 : i32
    %broadcast_in_dim3A_1746 = vector.broadcast %jit3A_1745 : i32 to vector<8x640xi32>
    %select_n3A_1747 = arith.select %gt3A_1743, %broadcast_in_dim3A_1746, %select_n3A_1699 : vector<8x640xi1>, vector<8x640xi32>
    %get3A_1748 = arith.constant 0 : index
    %get3A_1749 = arith.constant 0 : index
    %get3A_1750 = arith.constant 36 : index
    %get3A_1751 = memref.load %arg2[%get3A_1748, %get3A_1749, %get3A_1750] : memref<1x4x64xf32, #tpu.memory_space<smem>>
    %get3A_1752 = arith.constant 0 : index
    %get3A_1753 = arith.constant 1 : index
    %get3A_1754 = arith.constant 36 : index
    %get3A_1755 = memref.load %arg2[%get3A_1752, %get3A_1753, %get3A_1754] : memref<1x4x64xf32, #tpu.memory_space<smem>>
    %get3A_1756 = arith.constant 0 : index
    %get3A_1757 = arith.constant 2 : index
    %get3A_1758 = arith.constant 36 : index
    %get3A_1759 = memref.load %arg2[%get3A_1756, %get3A_1757, %get3A_1758] : memref<1x4x64xf32, #tpu.memory_space<smem>>
    %get3A_1760 = arith.constant 0 : index
    %get3A_1761 = arith.constant 3 : index
    %get3A_1762 = arith.constant 36 : index
    %get3A_1763 = memref.load %arg2[%get3A_1760, %get3A_1761, %get3A_1762] : memref<1x4x64xf32, #tpu.memory_space<smem>>
    %sub3A_1764 = arith.subf %get3A_1759, %get3A_1751 : f32
    %sub3A_1765 = arith.subf %get3A_1763, %get3A_1755 : f32
    %mul3A_1766 = arith.mulf %sub3A_1764, %sub3A_1765 : f32
    %min3A_1767 = vector.broadcast %get3A_1759 : f32 to vector<8x640xf32>
    %min3A_1768 = arith.minimumf %min3A_1767, %get3A_16 : vector<8x640xf32>
    %max3A_1769 = vector.broadcast %get3A_1751 : f32 to vector<8x640xf32>
    %max3A_1770 = arith.maximumf %max3A_1769, %get3A_4 : vector<8x640xf32>
    %sub3A_1771 = arith.subf %min3A_1768, %max3A_1770 : vector<8x640xf32>
    %max3A_1772 = arith.constant 0.000000e+00 : f32
    %max3A_1773 = vector.broadcast %max3A_1772 : f32 to vector<8x640xf32>
    %max3A_1774 = arith.maximumf %sub3A_1771, %max3A_1773 : vector<8x640xf32>
    %min3A_1775 = vector.broadcast %get3A_1763 : f32 to vector<8x640xf32>
    %min3A_1776 = arith.minimumf %min3A_1775, %get3A_22 : vector<8x640xf32>
    %max3A_1777 = vector.broadcast %get3A_1755 : f32 to vector<8x640xf32>
    %max3A_1778 = arith.maximumf %max3A_1777, %get3A_10 : vector<8x640xf32>
    %sub3A_1779 = arith.subf %min3A_1776, %max3A_1778 : vector<8x640xf32>
    %max3A_1780 = arith.constant 0.000000e+00 : f32
    %max3A_1781 = vector.broadcast %max3A_1780 : f32 to vector<8x640xf32>
    %max3A_1782 = arith.maximumf %sub3A_1779, %max3A_1781 : vector<8x640xf32>
    %mul3A_1783 = arith.mulf %max3A_1774, %max3A_1782 : vector<8x640xf32>
    %add3A_1784 = vector.broadcast %mul3A_1766 : f32 to vector<8x640xf32>
    %add3A_1785 = arith.addf %add3A_1784, %mul3A : vector<8x640xf32>
    %sub3A_1786 = arith.subf %add3A_1785, %mul3A_1783 : vector<8x640xf32>
    %add3A_1787 = arith.constant 9.99999971E-10 : f32
    %add3A_1788 = vector.broadcast %add3A_1787 : f32 to vector<8x640xf32>
    %add3A_1789 = arith.addf %sub3A_1786, %add3A_1788 : vector<8x640xf32>
    %div3A_1790 = arith.divf %mul3A_1783, %add3A_1789 : vector<8x640xf32>
    %gt3A_1791 = arith.cmpf ogt, %div3A_1790, %select_n3A_1744 : vector<8x640xf32>
    %select_n3A_1792 = arith.select %gt3A_1791, %div3A_1790, %select_n3A_1744 : vector<8x640xi1>, vector<8x640xf32>
    %jit3A_1793 = arith.constant 36 : i32
    %broadcast_in_dim3A_1794 = vector.broadcast %jit3A_1793 : i32 to vector<8x640xi32>
    %select_n3A_1795 = arith.select %gt3A_1791, %broadcast_in_dim3A_1794, %select_n3A_1747 : vector<8x640xi1>, vector<8x640xi32>
    %get3A_1796 = arith.constant 0 : index
    %get3A_1797 = arith.constant 0 : index
    %get3A_1798 = arith.constant 37 : index
    %get3A_1799 = memref.load %arg2[%get3A_1796, %get3A_1797, %get3A_1798] : memref<1x4x64xf32, #tpu.memory_space<smem>>
    %get3A_1800 = arith.constant 0 : index
    %get3A_1801 = arith.constant 1 : index
    %get3A_1802 = arith.constant 37 : index
    %get3A_1803 = memref.load %arg2[%get3A_1800, %get3A_1801, %get3A_1802] : memref<1x4x64xf32, #tpu.memory_space<smem>>
    %get3A_1804 = arith.constant 0 : index
    %get3A_1805 = arith.constant 2 : index
    %get3A_1806 = arith.constant 37 : index
    %get3A_1807 = memref.load %arg2[%get3A_1804, %get3A_1805, %get3A_1806] : memref<1x4x64xf32, #tpu.memory_space<smem>>
    %get3A_1808 = arith.constant 0 : index
    %get3A_1809 = arith.constant 3 : index
    %get3A_1810 = arith.constant 37 : index
    %get3A_1811 = memref.load %arg2[%get3A_1808, %get3A_1809, %get3A_1810] : memref<1x4x64xf32, #tpu.memory_space<smem>>
    %sub3A_1812 = arith.subf %get3A_1807, %get3A_1799 : f32
    %sub3A_1813 = arith.subf %get3A_1811, %get3A_1803 : f32
    %mul3A_1814 = arith.mulf %sub3A_1812, %sub3A_1813 : f32
    %min3A_1815 = vector.broadcast %get3A_1807 : f32 to vector<8x640xf32>
    %min3A_1816 = arith.minimumf %min3A_1815, %get3A_16 : vector<8x640xf32>
    %max3A_1817 = vector.broadcast %get3A_1799 : f32 to vector<8x640xf32>
    %max3A_1818 = arith.maximumf %max3A_1817, %get3A_4 : vector<8x640xf32>
    %sub3A_1819 = arith.subf %min3A_1816, %max3A_1818 : vector<8x640xf32>
    %max3A_1820 = arith.constant 0.000000e+00 : f32
    %max3A_1821 = vector.broadcast %max3A_1820 : f32 to vector<8x640xf32>
    %max3A_1822 = arith.maximumf %sub3A_1819, %max3A_1821 : vector<8x640xf32>
    %min3A_1823 = vector.broadcast %get3A_1811 : f32 to vector<8x640xf32>
    %min3A_1824 = arith.minimumf %min3A_1823, %get3A_22 : vector<8x640xf32>
    %max3A_1825 = vector.broadcast %get3A_1803 : f32 to vector<8x640xf32>
    %max3A_1826 = arith.maximumf %max3A_1825, %get3A_10 : vector<8x640xf32>
    %sub3A_1827 = arith.subf %min3A_1824, %max3A_1826 : vector<8x640xf32>
    %max3A_1828 = arith.constant 0.000000e+00 : f32
    %max3A_1829 = vector.broadcast %max3A_1828 : f32 to vector<8x640xf32>
    %max3A_1830 = arith.maximumf %sub3A_1827, %max3A_1829 : vector<8x640xf32>
    %mul3A_1831 = arith.mulf %max3A_1822, %max3A_1830 : vector<8x640xf32>
    %add3A_1832 = vector.broadcast %mul3A_1814 : f32 to vector<8x640xf32>
    %add3A_1833 = arith.addf %add3A_1832, %mul3A : vector<8x640xf32>
    %sub3A_1834 = arith.subf %add3A_1833, %mul3A_1831 : vector<8x640xf32>
    %add3A_1835 = arith.constant 9.99999971E-10 : f32
    %add3A_1836 = vector.broadcast %add3A_1835 : f32 to vector<8x640xf32>
    %add3A_1837 = arith.addf %sub3A_1834, %add3A_1836 : vector<8x640xf32>
    %div3A_1838 = arith.divf %mul3A_1831, %add3A_1837 : vector<8x640xf32>
    %gt3A_1839 = arith.cmpf ogt, %div3A_1838, %select_n3A_1792 : vector<8x640xf32>
    %select_n3A_1840 = arith.select %gt3A_1839, %div3A_1838, %select_n3A_1792 : vector<8x640xi1>, vector<8x640xf32>
    %jit3A_1841 = arith.constant 37 : i32
    %broadcast_in_dim3A_1842 = vector.broadcast %jit3A_1841 : i32 to vector<8x640xi32>
    %select_n3A_1843 = arith.select %gt3A_1839, %broadcast_in_dim3A_1842, %select_n3A_1795 : vector<8x640xi1>, vector<8x640xi32>
    %get3A_1844 = arith.constant 0 : index
    %get3A_1845 = arith.constant 0 : index
    %get3A_1846 = arith.constant 38 : index
    %get3A_1847 = memref.load %arg2[%get3A_1844, %get3A_1845, %get3A_1846] : memref<1x4x64xf32, #tpu.memory_space<smem>>
    %get3A_1848 = arith.constant 0 : index
    %get3A_1849 = arith.constant 1 : index
    %get3A_1850 = arith.constant 38 : index
    %get3A_1851 = memref.load %arg2[%get3A_1848, %get3A_1849, %get3A_1850] : memref<1x4x64xf32, #tpu.memory_space<smem>>
    %get3A_1852 = arith.constant 0 : index
    %get3A_1853 = arith.constant 2 : index
    %get3A_1854 = arith.constant 38 : index
    %get3A_1855 = memref.load %arg2[%get3A_1852, %get3A_1853, %get3A_1854] : memref<1x4x64xf32, #tpu.memory_space<smem>>
    %get3A_1856 = arith.constant 0 : index
    %get3A_1857 = arith.constant 3 : index
    %get3A_1858 = arith.constant 38 : index
    %get3A_1859 = memref.load %arg2[%get3A_1856, %get3A_1857, %get3A_1858] : memref<1x4x64xf32, #tpu.memory_space<smem>>
    %sub3A_1860 = arith.subf %get3A_1855, %get3A_1847 : f32
    %sub3A_1861 = arith.subf %get3A_1859, %get3A_1851 : f32
    %mul3A_1862 = arith.mulf %sub3A_1860, %sub3A_1861 : f32
    %min3A_1863 = vector.broadcast %get3A_1855 : f32 to vector<8x640xf32>
    %min3A_1864 = arith.minimumf %min3A_1863, %get3A_16 : vector<8x640xf32>
    %max3A_1865 = vector.broadcast %get3A_1847 : f32 to vector<8x640xf32>
    %max3A_1866 = arith.maximumf %max3A_1865, %get3A_4 : vector<8x640xf32>
    %sub3A_1867 = arith.subf %min3A_1864, %max3A_1866 : vector<8x640xf32>
    %max3A_1868 = arith.constant 0.000000e+00 : f32
    %max3A_1869 = vector.broadcast %max3A_1868 : f32 to vector<8x640xf32>
    %max3A_1870 = arith.maximumf %sub3A_1867, %max3A_1869 : vector<8x640xf32>
    %min3A_1871 = vector.broadcast %get3A_1859 : f32 to vector<8x640xf32>
    %min3A_1872 = arith.minimumf %min3A_1871, %get3A_22 : vector<8x640xf32>
    %max3A_1873 = vector.broadcast %get3A_1851 : f32 to vector<8x640xf32>
    %max3A_1874 = arith.maximumf %max3A_1873, %get3A_10 : vector<8x640xf32>
    %sub3A_1875 = arith.subf %min3A_1872, %max3A_1874 : vector<8x640xf32>
    %max3A_1876 = arith.constant 0.000000e+00 : f32
    %max3A_1877 = vector.broadcast %max3A_1876 : f32 to vector<8x640xf32>
    %max3A_1878 = arith.maximumf %sub3A_1875, %max3A_1877 : vector<8x640xf32>
    %mul3A_1879 = arith.mulf %max3A_1870, %max3A_1878 : vector<8x640xf32>
    %add3A_1880 = vector.broadcast %mul3A_1862 : f32 to vector<8x640xf32>
    %add3A_1881 = arith.addf %add3A_1880, %mul3A : vector<8x640xf32>
    %sub3A_1882 = arith.subf %add3A_1881, %mul3A_1879 : vector<8x640xf32>
    %add3A_1883 = arith.constant 9.99999971E-10 : f32
    %add3A_1884 = vector.broadcast %add3A_1883 : f32 to vector<8x640xf32>
    %add3A_1885 = arith.addf %sub3A_1882, %add3A_1884 : vector<8x640xf32>
    %div3A_1886 = arith.divf %mul3A_1879, %add3A_1885 : vector<8x640xf32>
    %gt3A_1887 = arith.cmpf ogt, %div3A_1886, %select_n3A_1840 : vector<8x640xf32>
    %select_n3A_1888 = arith.select %gt3A_1887, %div3A_1886, %select_n3A_1840 : vector<8x640xi1>, vector<8x640xf32>
    %jit3A_1889 = arith.constant 38 : i32
    %broadcast_in_dim3A_1890 = vector.broadcast %jit3A_1889 : i32 to vector<8x640xi32>
    %select_n3A_1891 = arith.select %gt3A_1887, %broadcast_in_dim3A_1890, %select_n3A_1843 : vector<8x640xi1>, vector<8x640xi32>
    %get3A_1892 = arith.constant 0 : index
    %get3A_1893 = arith.constant 0 : index
    %get3A_1894 = arith.constant 39 : index
    %get3A_1895 = memref.load %arg2[%get3A_1892, %get3A_1893, %get3A_1894] : memref<1x4x64xf32, #tpu.memory_space<smem>>
    %get3A_1896 = arith.constant 0 : index
    %get3A_1897 = arith.constant 1 : index
    %get3A_1898 = arith.constant 39 : index
    %get3A_1899 = memref.load %arg2[%get3A_1896, %get3A_1897, %get3A_1898] : memref<1x4x64xf32, #tpu.memory_space<smem>>
    %get3A_1900 = arith.constant 0 : index
    %get3A_1901 = arith.constant 2 : index
    %get3A_1902 = arith.constant 39 : index
    %get3A_1903 = memref.load %arg2[%get3A_1900, %get3A_1901, %get3A_1902] : memref<1x4x64xf32, #tpu.memory_space<smem>>
    %get3A_1904 = arith.constant 0 : index
    %get3A_1905 = arith.constant 3 : index
    %get3A_1906 = arith.constant 39 : index
    %get3A_1907 = memref.load %arg2[%get3A_1904, %get3A_1905, %get3A_1906] : memref<1x4x64xf32, #tpu.memory_space<smem>>
    %sub3A_1908 = arith.subf %get3A_1903, %get3A_1895 : f32
    %sub3A_1909 = arith.subf %get3A_1907, %get3A_1899 : f32
    %mul3A_1910 = arith.mulf %sub3A_1908, %sub3A_1909 : f32
    %min3A_1911 = vector.broadcast %get3A_1903 : f32 to vector<8x640xf32>
    %min3A_1912 = arith.minimumf %min3A_1911, %get3A_16 : vector<8x640xf32>
    %max3A_1913 = vector.broadcast %get3A_1895 : f32 to vector<8x640xf32>
    %max3A_1914 = arith.maximumf %max3A_1913, %get3A_4 : vector<8x640xf32>
    %sub3A_1915 = arith.subf %min3A_1912, %max3A_1914 : vector<8x640xf32>
    %max3A_1916 = arith.constant 0.000000e+00 : f32
    %max3A_1917 = vector.broadcast %max3A_1916 : f32 to vector<8x640xf32>
    %max3A_1918 = arith.maximumf %sub3A_1915, %max3A_1917 : vector<8x640xf32>
    %min3A_1919 = vector.broadcast %get3A_1907 : f32 to vector<8x640xf32>
    %min3A_1920 = arith.minimumf %min3A_1919, %get3A_22 : vector<8x640xf32>
    %max3A_1921 = vector.broadcast %get3A_1899 : f32 to vector<8x640xf32>
    %max3A_1922 = arith.maximumf %max3A_1921, %get3A_10 : vector<8x640xf32>
    %sub3A_1923 = arith.subf %min3A_1920, %max3A_1922 : vector<8x640xf32>
    %max3A_1924 = arith.constant 0.000000e+00 : f32
    %max3A_1925 = vector.broadcast %max3A_1924 : f32 to vector<8x640xf32>
    %max3A_1926 = arith.maximumf %sub3A_1923, %max3A_1925 : vector<8x640xf32>
    %mul3A_1927 = arith.mulf %max3A_1918, %max3A_1926 : vector<8x640xf32>
    %add3A_1928 = vector.broadcast %mul3A_1910 : f32 to vector<8x640xf32>
    %add3A_1929 = arith.addf %add3A_1928, %mul3A : vector<8x640xf32>
    %sub3A_1930 = arith.subf %add3A_1929, %mul3A_1927 : vector<8x640xf32>
    %add3A_1931 = arith.constant 9.99999971E-10 : f32
    %add3A_1932 = vector.broadcast %add3A_1931 : f32 to vector<8x640xf32>
    %add3A_1933 = arith.addf %sub3A_1930, %add3A_1932 : vector<8x640xf32>
    %div3A_1934 = arith.divf %mul3A_1927, %add3A_1933 : vector<8x640xf32>
    %gt3A_1935 = arith.cmpf ogt, %div3A_1934, %select_n3A_1888 : vector<8x640xf32>
    %select_n3A_1936 = arith.select %gt3A_1935, %div3A_1934, %select_n3A_1888 : vector<8x640xi1>, vector<8x640xf32>
    %jit3A_1937 = arith.constant 39 : i32
    %broadcast_in_dim3A_1938 = vector.broadcast %jit3A_1937 : i32 to vector<8x640xi32>
    %select_n3A_1939 = arith.select %gt3A_1935, %broadcast_in_dim3A_1938, %select_n3A_1891 : vector<8x640xi1>, vector<8x640xi32>
    %get3A_1940 = arith.constant 0 : index
    %get3A_1941 = arith.constant 0 : index
    %get3A_1942 = arith.constant 40 : index
    %get3A_1943 = memref.load %arg2[%get3A_1940, %get3A_1941, %get3A_1942] : memref<1x4x64xf32, #tpu.memory_space<smem>>
    %get3A_1944 = arith.constant 0 : index
    %get3A_1945 = arith.constant 1 : index
    %get3A_1946 = arith.constant 40 : index
    %get3A_1947 = memref.load %arg2[%get3A_1944, %get3A_1945, %get3A_1946] : memref<1x4x64xf32, #tpu.memory_space<smem>>
    %get3A_1948 = arith.constant 0 : index
    %get3A_1949 = arith.constant 2 : index
    %get3A_1950 = arith.constant 40 : index
    %get3A_1951 = memref.load %arg2[%get3A_1948, %get3A_1949, %get3A_1950] : memref<1x4x64xf32, #tpu.memory_space<smem>>
    %get3A_1952 = arith.constant 0 : index
    %get3A_1953 = arith.constant 3 : index
    %get3A_1954 = arith.constant 40 : index
    %get3A_1955 = memref.load %arg2[%get3A_1952, %get3A_1953, %get3A_1954] : memref<1x4x64xf32, #tpu.memory_space<smem>>
    %sub3A_1956 = arith.subf %get3A_1951, %get3A_1943 : f32
    %sub3A_1957 = arith.subf %get3A_1955, %get3A_1947 : f32
    %mul3A_1958 = arith.mulf %sub3A_1956, %sub3A_1957 : f32
    %min3A_1959 = vector.broadcast %get3A_1951 : f32 to vector<8x640xf32>
    %min3A_1960 = arith.minimumf %min3A_1959, %get3A_16 : vector<8x640xf32>
    %max3A_1961 = vector.broadcast %get3A_1943 : f32 to vector<8x640xf32>
    %max3A_1962 = arith.maximumf %max3A_1961, %get3A_4 : vector<8x640xf32>
    %sub3A_1963 = arith.subf %min3A_1960, %max3A_1962 : vector<8x640xf32>
    %max3A_1964 = arith.constant 0.000000e+00 : f32
    %max3A_1965 = vector.broadcast %max3A_1964 : f32 to vector<8x640xf32>
    %max3A_1966 = arith.maximumf %sub3A_1963, %max3A_1965 : vector<8x640xf32>
    %min3A_1967 = vector.broadcast %get3A_1955 : f32 to vector<8x640xf32>
    %min3A_1968 = arith.minimumf %min3A_1967, %get3A_22 : vector<8x640xf32>
    %max3A_1969 = vector.broadcast %get3A_1947 : f32 to vector<8x640xf32>
    %max3A_1970 = arith.maximumf %max3A_1969, %get3A_10 : vector<8x640xf32>
    %sub3A_1971 = arith.subf %min3A_1968, %max3A_1970 : vector<8x640xf32>
    %max3A_1972 = arith.constant 0.000000e+00 : f32
    %max3A_1973 = vector.broadcast %max3A_1972 : f32 to vector<8x640xf32>
    %max3A_1974 = arith.maximumf %sub3A_1971, %max3A_1973 : vector<8x640xf32>
    %mul3A_1975 = arith.mulf %max3A_1966, %max3A_1974 : vector<8x640xf32>
    %add3A_1976 = vector.broadcast %mul3A_1958 : f32 to vector<8x640xf32>
    %add3A_1977 = arith.addf %add3A_1976, %mul3A : vector<8x640xf32>
    %sub3A_1978 = arith.subf %add3A_1977, %mul3A_1975 : vector<8x640xf32>
    %add3A_1979 = arith.constant 9.99999971E-10 : f32
    %add3A_1980 = vector.broadcast %add3A_1979 : f32 to vector<8x640xf32>
    %add3A_1981 = arith.addf %sub3A_1978, %add3A_1980 : vector<8x640xf32>
    %div3A_1982 = arith.divf %mul3A_1975, %add3A_1981 : vector<8x640xf32>
    %gt3A_1983 = arith.cmpf ogt, %div3A_1982, %select_n3A_1936 : vector<8x640xf32>
    %select_n3A_1984 = arith.select %gt3A_1983, %div3A_1982, %select_n3A_1936 : vector<8x640xi1>, vector<8x640xf32>
    %jit3A_1985 = arith.constant 40 : i32
    %broadcast_in_dim3A_1986 = vector.broadcast %jit3A_1985 : i32 to vector<8x640xi32>
    %select_n3A_1987 = arith.select %gt3A_1983, %broadcast_in_dim3A_1986, %select_n3A_1939 : vector<8x640xi1>, vector<8x640xi32>
    %get3A_1988 = arith.constant 0 : index
    %get3A_1989 = arith.constant 0 : index
    %get3A_1990 = arith.constant 41 : index
    %get3A_1991 = memref.load %arg2[%get3A_1988, %get3A_1989, %get3A_1990] : memref<1x4x64xf32, #tpu.memory_space<smem>>
    %get3A_1992 = arith.constant 0 : index
    %get3A_1993 = arith.constant 1 : index
    %get3A_1994 = arith.constant 41 : index
    %get3A_1995 = memref.load %arg2[%get3A_1992, %get3A_1993, %get3A_1994] : memref<1x4x64xf32, #tpu.memory_space<smem>>
    %get3A_1996 = arith.constant 0 : index
    %get3A_1997 = arith.constant 2 : index
    %get3A_1998 = arith.constant 41 : index
    %get3A_1999 = memref.load %arg2[%get3A_1996, %get3A_1997, %get3A_1998] : memref<1x4x64xf32, #tpu.memory_space<smem>>
    %get3A_2000 = arith.constant 0 : index
    %get3A_2001 = arith.constant 3 : index
    %get3A_2002 = arith.constant 41 : index
    %get3A_2003 = memref.load %arg2[%get3A_2000, %get3A_2001, %get3A_2002] : memref<1x4x64xf32, #tpu.memory_space<smem>>
    %sub3A_2004 = arith.subf %get3A_1999, %get3A_1991 : f32
    %sub3A_2005 = arith.subf %get3A_2003, %get3A_1995 : f32
    %mul3A_2006 = arith.mulf %sub3A_2004, %sub3A_2005 : f32
    %min3A_2007 = vector.broadcast %get3A_1999 : f32 to vector<8x640xf32>
    %min3A_2008 = arith.minimumf %min3A_2007, %get3A_16 : vector<8x640xf32>
    %max3A_2009 = vector.broadcast %get3A_1991 : f32 to vector<8x640xf32>
    %max3A_2010 = arith.maximumf %max3A_2009, %get3A_4 : vector<8x640xf32>
    %sub3A_2011 = arith.subf %min3A_2008, %max3A_2010 : vector<8x640xf32>
    %max3A_2012 = arith.constant 0.000000e+00 : f32
    %max3A_2013 = vector.broadcast %max3A_2012 : f32 to vector<8x640xf32>
    %max3A_2014 = arith.maximumf %sub3A_2011, %max3A_2013 : vector<8x640xf32>
    %min3A_2015 = vector.broadcast %get3A_2003 : f32 to vector<8x640xf32>
    %min3A_2016 = arith.minimumf %min3A_2015, %get3A_22 : vector<8x640xf32>
    %max3A_2017 = vector.broadcast %get3A_1995 : f32 to vector<8x640xf32>
    %max3A_2018 = arith.maximumf %max3A_2017, %get3A_10 : vector<8x640xf32>
    %sub3A_2019 = arith.subf %min3A_2016, %max3A_2018 : vector<8x640xf32>
    %max3A_2020 = arith.constant 0.000000e+00 : f32
    %max3A_2021 = vector.broadcast %max3A_2020 : f32 to vector<8x640xf32>
    %max3A_2022 = arith.maximumf %sub3A_2019, %max3A_2021 : vector<8x640xf32>
    %mul3A_2023 = arith.mulf %max3A_2014, %max3A_2022 : vector<8x640xf32>
    %add3A_2024 = vector.broadcast %mul3A_2006 : f32 to vector<8x640xf32>
    %add3A_2025 = arith.addf %add3A_2024, %mul3A : vector<8x640xf32>
    %sub3A_2026 = arith.subf %add3A_2025, %mul3A_2023 : vector<8x640xf32>
    %add3A_2027 = arith.constant 9.99999971E-10 : f32
    %add3A_2028 = vector.broadcast %add3A_2027 : f32 to vector<8x640xf32>
    %add3A_2029 = arith.addf %sub3A_2026, %add3A_2028 : vector<8x640xf32>
    %div3A_2030 = arith.divf %mul3A_2023, %add3A_2029 : vector<8x640xf32>
    %gt3A_2031 = arith.cmpf ogt, %div3A_2030, %select_n3A_1984 : vector<8x640xf32>
    %select_n3A_2032 = arith.select %gt3A_2031, %div3A_2030, %select_n3A_1984 : vector<8x640xi1>, vector<8x640xf32>
    %jit3A_2033 = arith.constant 41 : i32
    %broadcast_in_dim3A_2034 = vector.broadcast %jit3A_2033 : i32 to vector<8x640xi32>
    %select_n3A_2035 = arith.select %gt3A_2031, %broadcast_in_dim3A_2034, %select_n3A_1987 : vector<8x640xi1>, vector<8x640xi32>
    %get3A_2036 = arith.constant 0 : index
    %get3A_2037 = arith.constant 0 : index
    %get3A_2038 = arith.constant 42 : index
    %get3A_2039 = memref.load %arg2[%get3A_2036, %get3A_2037, %get3A_2038] : memref<1x4x64xf32, #tpu.memory_space<smem>>
    %get3A_2040 = arith.constant 0 : index
    %get3A_2041 = arith.constant 1 : index
    %get3A_2042 = arith.constant 42 : index
    %get3A_2043 = memref.load %arg2[%get3A_2040, %get3A_2041, %get3A_2042] : memref<1x4x64xf32, #tpu.memory_space<smem>>
    %get3A_2044 = arith.constant 0 : index
    %get3A_2045 = arith.constant 2 : index
    %get3A_2046 = arith.constant 42 : index
    %get3A_2047 = memref.load %arg2[%get3A_2044, %get3A_2045, %get3A_2046] : memref<1x4x64xf32, #tpu.memory_space<smem>>
    %get3A_2048 = arith.constant 0 : index
    %get3A_2049 = arith.constant 3 : index
    %get3A_2050 = arith.constant 42 : index
    %get3A_2051 = memref.load %arg2[%get3A_2048, %get3A_2049, %get3A_2050] : memref<1x4x64xf32, #tpu.memory_space<smem>>
    %sub3A_2052 = arith.subf %get3A_2047, %get3A_2039 : f32
    %sub3A_2053 = arith.subf %get3A_2051, %get3A_2043 : f32
    %mul3A_2054 = arith.mulf %sub3A_2052, %sub3A_2053 : f32
    %min3A_2055 = vector.broadcast %get3A_2047 : f32 to vector<8x640xf32>
    %min3A_2056 = arith.minimumf %min3A_2055, %get3A_16 : vector<8x640xf32>
    %max3A_2057 = vector.broadcast %get3A_2039 : f32 to vector<8x640xf32>
    %max3A_2058 = arith.maximumf %max3A_2057, %get3A_4 : vector<8x640xf32>
    %sub3A_2059 = arith.subf %min3A_2056, %max3A_2058 : vector<8x640xf32>
    %max3A_2060 = arith.constant 0.000000e+00 : f32
    %max3A_2061 = vector.broadcast %max3A_2060 : f32 to vector<8x640xf32>
    %max3A_2062 = arith.maximumf %sub3A_2059, %max3A_2061 : vector<8x640xf32>
    %min3A_2063 = vector.broadcast %get3A_2051 : f32 to vector<8x640xf32>
    %min3A_2064 = arith.minimumf %min3A_2063, %get3A_22 : vector<8x640xf32>
    %max3A_2065 = vector.broadcast %get3A_2043 : f32 to vector<8x640xf32>
    %max3A_2066 = arith.maximumf %max3A_2065, %get3A_10 : vector<8x640xf32>
    %sub3A_2067 = arith.subf %min3A_2064, %max3A_2066 : vector<8x640xf32>
    %max3A_2068 = arith.constant 0.000000e+00 : f32
    %max3A_2069 = vector.broadcast %max3A_2068 : f32 to vector<8x640xf32>
    %max3A_2070 = arith.maximumf %sub3A_2067, %max3A_2069 : vector<8x640xf32>
    %mul3A_2071 = arith.mulf %max3A_2062, %max3A_2070 : vector<8x640xf32>
    %add3A_2072 = vector.broadcast %mul3A_2054 : f32 to vector<8x640xf32>
    %add3A_2073 = arith.addf %add3A_2072, %mul3A : vector<8x640xf32>
    %sub3A_2074 = arith.subf %add3A_2073, %mul3A_2071 : vector<8x640xf32>
    %add3A_2075 = arith.constant 9.99999971E-10 : f32
    %add3A_2076 = vector.broadcast %add3A_2075 : f32 to vector<8x640xf32>
    %add3A_2077 = arith.addf %sub3A_2074, %add3A_2076 : vector<8x640xf32>
    %div3A_2078 = arith.divf %mul3A_2071, %add3A_2077 : vector<8x640xf32>
    %gt3A_2079 = arith.cmpf ogt, %div3A_2078, %select_n3A_2032 : vector<8x640xf32>
    %select_n3A_2080 = arith.select %gt3A_2079, %div3A_2078, %select_n3A_2032 : vector<8x640xi1>, vector<8x640xf32>
    %jit3A_2081 = arith.constant 42 : i32
    %broadcast_in_dim3A_2082 = vector.broadcast %jit3A_2081 : i32 to vector<8x640xi32>
    %select_n3A_2083 = arith.select %gt3A_2079, %broadcast_in_dim3A_2082, %select_n3A_2035 : vector<8x640xi1>, vector<8x640xi32>
    %get3A_2084 = arith.constant 0 : index
    %get3A_2085 = arith.constant 0 : index
    %get3A_2086 = arith.constant 43 : index
    %get3A_2087 = memref.load %arg2[%get3A_2084, %get3A_2085, %get3A_2086] : memref<1x4x64xf32, #tpu.memory_space<smem>>
    %get3A_2088 = arith.constant 0 : index
    %get3A_2089 = arith.constant 1 : index
    %get3A_2090 = arith.constant 43 : index
    %get3A_2091 = memref.load %arg2[%get3A_2088, %get3A_2089, %get3A_2090] : memref<1x4x64xf32, #tpu.memory_space<smem>>
    %get3A_2092 = arith.constant 0 : index
    %get3A_2093 = arith.constant 2 : index
    %get3A_2094 = arith.constant 43 : index
    %get3A_2095 = memref.load %arg2[%get3A_2092, %get3A_2093, %get3A_2094] : memref<1x4x64xf32, #tpu.memory_space<smem>>
    %get3A_2096 = arith.constant 0 : index
    %get3A_2097 = arith.constant 3 : index
    %get3A_2098 = arith.constant 43 : index
    %get3A_2099 = memref.load %arg2[%get3A_2096, %get3A_2097, %get3A_2098] : memref<1x4x64xf32, #tpu.memory_space<smem>>
    %sub3A_2100 = arith.subf %get3A_2095, %get3A_2087 : f32
    %sub3A_2101 = arith.subf %get3A_2099, %get3A_2091 : f32
    %mul3A_2102 = arith.mulf %sub3A_2100, %sub3A_2101 : f32
    %min3A_2103 = vector.broadcast %get3A_2095 : f32 to vector<8x640xf32>
    %min3A_2104 = arith.minimumf %min3A_2103, %get3A_16 : vector<8x640xf32>
    %max3A_2105 = vector.broadcast %get3A_2087 : f32 to vector<8x640xf32>
    %max3A_2106 = arith.maximumf %max3A_2105, %get3A_4 : vector<8x640xf32>
    %sub3A_2107 = arith.subf %min3A_2104, %max3A_2106 : vector<8x640xf32>
    %max3A_2108 = arith.constant 0.000000e+00 : f32
    %max3A_2109 = vector.broadcast %max3A_2108 : f32 to vector<8x640xf32>
    %max3A_2110 = arith.maximumf %sub3A_2107, %max3A_2109 : vector<8x640xf32>
    %min3A_2111 = vector.broadcast %get3A_2099 : f32 to vector<8x640xf32>
    %min3A_2112 = arith.minimumf %min3A_2111, %get3A_22 : vector<8x640xf32>
    %max3A_2113 = vector.broadcast %get3A_2091 : f32 to vector<8x640xf32>
    %max3A_2114 = arith.maximumf %max3A_2113, %get3A_10 : vector<8x640xf32>
    %sub3A_2115 = arith.subf %min3A_2112, %max3A_2114 : vector<8x640xf32>
    %max3A_2116 = arith.constant 0.000000e+00 : f32
    %max3A_2117 = vector.broadcast %max3A_2116 : f32 to vector<8x640xf32>
    %max3A_2118 = arith.maximumf %sub3A_2115, %max3A_2117 : vector<8x640xf32>
    %mul3A_2119 = arith.mulf %max3A_2110, %max3A_2118 : vector<8x640xf32>
    %add3A_2120 = vector.broadcast %mul3A_2102 : f32 to vector<8x640xf32>
    %add3A_2121 = arith.addf %add3A_2120, %mul3A : vector<8x640xf32>
    %sub3A_2122 = arith.subf %add3A_2121, %mul3A_2119 : vector<8x640xf32>
    %add3A_2123 = arith.constant 9.99999971E-10 : f32
    %add3A_2124 = vector.broadcast %add3A_2123 : f32 to vector<8x640xf32>
    %add3A_2125 = arith.addf %sub3A_2122, %add3A_2124 : vector<8x640xf32>
    %div3A_2126 = arith.divf %mul3A_2119, %add3A_2125 : vector<8x640xf32>
    %gt3A_2127 = arith.cmpf ogt, %div3A_2126, %select_n3A_2080 : vector<8x640xf32>
    %select_n3A_2128 = arith.select %gt3A_2127, %div3A_2126, %select_n3A_2080 : vector<8x640xi1>, vector<8x640xf32>
    %jit3A_2129 = arith.constant 43 : i32
    %broadcast_in_dim3A_2130 = vector.broadcast %jit3A_2129 : i32 to vector<8x640xi32>
    %select_n3A_2131 = arith.select %gt3A_2127, %broadcast_in_dim3A_2130, %select_n3A_2083 : vector<8x640xi1>, vector<8x640xi32>
    %get3A_2132 = arith.constant 0 : index
    %get3A_2133 = arith.constant 0 : index
    %get3A_2134 = arith.constant 44 : index
    %get3A_2135 = memref.load %arg2[%get3A_2132, %get3A_2133, %get3A_2134] : memref<1x4x64xf32, #tpu.memory_space<smem>>
    %get3A_2136 = arith.constant 0 : index
    %get3A_2137 = arith.constant 1 : index
    %get3A_2138 = arith.constant 44 : index
    %get3A_2139 = memref.load %arg2[%get3A_2136, %get3A_2137, %get3A_2138] : memref<1x4x64xf32, #tpu.memory_space<smem>>
    %get3A_2140 = arith.constant 0 : index
    %get3A_2141 = arith.constant 2 : index
    %get3A_2142 = arith.constant 44 : index
    %get3A_2143 = memref.load %arg2[%get3A_2140, %get3A_2141, %get3A_2142] : memref<1x4x64xf32, #tpu.memory_space<smem>>
    %get3A_2144 = arith.constant 0 : index
    %get3A_2145 = arith.constant 3 : index
    %get3A_2146 = arith.constant 44 : index
    %get3A_2147 = memref.load %arg2[%get3A_2144, %get3A_2145, %get3A_2146] : memref<1x4x64xf32, #tpu.memory_space<smem>>
    %sub3A_2148 = arith.subf %get3A_2143, %get3A_2135 : f32
    %sub3A_2149 = arith.subf %get3A_2147, %get3A_2139 : f32
    %mul3A_2150 = arith.mulf %sub3A_2148, %sub3A_2149 : f32
    %min3A_2151 = vector.broadcast %get3A_2143 : f32 to vector<8x640xf32>
    %min3A_2152 = arith.minimumf %min3A_2151, %get3A_16 : vector<8x640xf32>
    %max3A_2153 = vector.broadcast %get3A_2135 : f32 to vector<8x640xf32>
    %max3A_2154 = arith.maximumf %max3A_2153, %get3A_4 : vector<8x640xf32>
    %sub3A_2155 = arith.subf %min3A_2152, %max3A_2154 : vector<8x640xf32>
    %max3A_2156 = arith.constant 0.000000e+00 : f32
    %max3A_2157 = vector.broadcast %max3A_2156 : f32 to vector<8x640xf32>
    %max3A_2158 = arith.maximumf %sub3A_2155, %max3A_2157 : vector<8x640xf32>
    %min3A_2159 = vector.broadcast %get3A_2147 : f32 to vector<8x640xf32>
    %min3A_2160 = arith.minimumf %min3A_2159, %get3A_22 : vector<8x640xf32>
    %max3A_2161 = vector.broadcast %get3A_2139 : f32 to vector<8x640xf32>
    %max3A_2162 = arith.maximumf %max3A_2161, %get3A_10 : vector<8x640xf32>
    %sub3A_2163 = arith.subf %min3A_2160, %max3A_2162 : vector<8x640xf32>
    %max3A_2164 = arith.constant 0.000000e+00 : f32
    %max3A_2165 = vector.broadcast %max3A_2164 : f32 to vector<8x640xf32>
    %max3A_2166 = arith.maximumf %sub3A_2163, %max3A_2165 : vector<8x640xf32>
    %mul3A_2167 = arith.mulf %max3A_2158, %max3A_2166 : vector<8x640xf32>
    %add3A_2168 = vector.broadcast %mul3A_2150 : f32 to vector<8x640xf32>
    %add3A_2169 = arith.addf %add3A_2168, %mul3A : vector<8x640xf32>
    %sub3A_2170 = arith.subf %add3A_2169, %mul3A_2167 : vector<8x640xf32>
    %add3A_2171 = arith.constant 9.99999971E-10 : f32
    %add3A_2172 = vector.broadcast %add3A_2171 : f32 to vector<8x640xf32>
    %add3A_2173 = arith.addf %sub3A_2170, %add3A_2172 : vector<8x640xf32>
    %div3A_2174 = arith.divf %mul3A_2167, %add3A_2173 : vector<8x640xf32>
    %gt3A_2175 = arith.cmpf ogt, %div3A_2174, %select_n3A_2128 : vector<8x640xf32>
    %select_n3A_2176 = arith.select %gt3A_2175, %div3A_2174, %select_n3A_2128 : vector<8x640xi1>, vector<8x640xf32>
    %jit3A_2177 = arith.constant 44 : i32
    %broadcast_in_dim3A_2178 = vector.broadcast %jit3A_2177 : i32 to vector<8x640xi32>
    %select_n3A_2179 = arith.select %gt3A_2175, %broadcast_in_dim3A_2178, %select_n3A_2131 : vector<8x640xi1>, vector<8x640xi32>
    %get3A_2180 = arith.constant 0 : index
    %get3A_2181 = arith.constant 0 : index
    %get3A_2182 = arith.constant 45 : index
    %get3A_2183 = memref.load %arg2[%get3A_2180, %get3A_2181, %get3A_2182] : memref<1x4x64xf32, #tpu.memory_space<smem>>
    %get3A_2184 = arith.constant 0 : index
    %get3A_2185 = arith.constant 1 : index
    %get3A_2186 = arith.constant 45 : index
    %get3A_2187 = memref.load %arg2[%get3A_2184, %get3A_2185, %get3A_2186] : memref<1x4x64xf32, #tpu.memory_space<smem>>
    %get3A_2188 = arith.constant 0 : index
    %get3A_2189 = arith.constant 2 : index
    %get3A_2190 = arith.constant 45 : index
    %get3A_2191 = memref.load %arg2[%get3A_2188, %get3A_2189, %get3A_2190] : memref<1x4x64xf32, #tpu.memory_space<smem>>
    %get3A_2192 = arith.constant 0 : index
    %get3A_2193 = arith.constant 3 : index
    %get3A_2194 = arith.constant 45 : index
    %get3A_2195 = memref.load %arg2[%get3A_2192, %get3A_2193, %get3A_2194] : memref<1x4x64xf32, #tpu.memory_space<smem>>
    %sub3A_2196 = arith.subf %get3A_2191, %get3A_2183 : f32
    %sub3A_2197 = arith.subf %get3A_2195, %get3A_2187 : f32
    %mul3A_2198 = arith.mulf %sub3A_2196, %sub3A_2197 : f32
    %min3A_2199 = vector.broadcast %get3A_2191 : f32 to vector<8x640xf32>
    %min3A_2200 = arith.minimumf %min3A_2199, %get3A_16 : vector<8x640xf32>
    %max3A_2201 = vector.broadcast %get3A_2183 : f32 to vector<8x640xf32>
    %max3A_2202 = arith.maximumf %max3A_2201, %get3A_4 : vector<8x640xf32>
    %sub3A_2203 = arith.subf %min3A_2200, %max3A_2202 : vector<8x640xf32>
    %max3A_2204 = arith.constant 0.000000e+00 : f32
    %max3A_2205 = vector.broadcast %max3A_2204 : f32 to vector<8x640xf32>
    %max3A_2206 = arith.maximumf %sub3A_2203, %max3A_2205 : vector<8x640xf32>
    %min3A_2207 = vector.broadcast %get3A_2195 : f32 to vector<8x640xf32>
    %min3A_2208 = arith.minimumf %min3A_2207, %get3A_22 : vector<8x640xf32>
    %max3A_2209 = vector.broadcast %get3A_2187 : f32 to vector<8x640xf32>
    %max3A_2210 = arith.maximumf %max3A_2209, %get3A_10 : vector<8x640xf32>
    %sub3A_2211 = arith.subf %min3A_2208, %max3A_2210 : vector<8x640xf32>
    %max3A_2212 = arith.constant 0.000000e+00 : f32
    %max3A_2213 = vector.broadcast %max3A_2212 : f32 to vector<8x640xf32>
    %max3A_2214 = arith.maximumf %sub3A_2211, %max3A_2213 : vector<8x640xf32>
    %mul3A_2215 = arith.mulf %max3A_2206, %max3A_2214 : vector<8x640xf32>
    %add3A_2216 = vector.broadcast %mul3A_2198 : f32 to vector<8x640xf32>
    %add3A_2217 = arith.addf %add3A_2216, %mul3A : vector<8x640xf32>
    %sub3A_2218 = arith.subf %add3A_2217, %mul3A_2215 : vector<8x640xf32>
    %add3A_2219 = arith.constant 9.99999971E-10 : f32
    %add3A_2220 = vector.broadcast %add3A_2219 : f32 to vector<8x640xf32>
    %add3A_2221 = arith.addf %sub3A_2218, %add3A_2220 : vector<8x640xf32>
    %div3A_2222 = arith.divf %mul3A_2215, %add3A_2221 : vector<8x640xf32>
    %gt3A_2223 = arith.cmpf ogt, %div3A_2222, %select_n3A_2176 : vector<8x640xf32>
    %select_n3A_2224 = arith.select %gt3A_2223, %div3A_2222, %select_n3A_2176 : vector<8x640xi1>, vector<8x640xf32>
    %jit3A_2225 = arith.constant 45 : i32
    %broadcast_in_dim3A_2226 = vector.broadcast %jit3A_2225 : i32 to vector<8x640xi32>
    %select_n3A_2227 = arith.select %gt3A_2223, %broadcast_in_dim3A_2226, %select_n3A_2179 : vector<8x640xi1>, vector<8x640xi32>
    %get3A_2228 = arith.constant 0 : index
    %get3A_2229 = arith.constant 0 : index
    %get3A_2230 = arith.constant 46 : index
    %get3A_2231 = memref.load %arg2[%get3A_2228, %get3A_2229, %get3A_2230] : memref<1x4x64xf32, #tpu.memory_space<smem>>
    %get3A_2232 = arith.constant 0 : index
    %get3A_2233 = arith.constant 1 : index
    %get3A_2234 = arith.constant 46 : index
    %get3A_2235 = memref.load %arg2[%get3A_2232, %get3A_2233, %get3A_2234] : memref<1x4x64xf32, #tpu.memory_space<smem>>
    %get3A_2236 = arith.constant 0 : index
    %get3A_2237 = arith.constant 2 : index
    %get3A_2238 = arith.constant 46 : index
    %get3A_2239 = memref.load %arg2[%get3A_2236, %get3A_2237, %get3A_2238] : memref<1x4x64xf32, #tpu.memory_space<smem>>
    %get3A_2240 = arith.constant 0 : index
    %get3A_2241 = arith.constant 3 : index
    %get3A_2242 = arith.constant 46 : index
    %get3A_2243 = memref.load %arg2[%get3A_2240, %get3A_2241, %get3A_2242] : memref<1x4x64xf32, #tpu.memory_space<smem>>
    %sub3A_2244 = arith.subf %get3A_2239, %get3A_2231 : f32
    %sub3A_2245 = arith.subf %get3A_2243, %get3A_2235 : f32
    %mul3A_2246 = arith.mulf %sub3A_2244, %sub3A_2245 : f32
    %min3A_2247 = vector.broadcast %get3A_2239 : f32 to vector<8x640xf32>
    %min3A_2248 = arith.minimumf %min3A_2247, %get3A_16 : vector<8x640xf32>
    %max3A_2249 = vector.broadcast %get3A_2231 : f32 to vector<8x640xf32>
    %max3A_2250 = arith.maximumf %max3A_2249, %get3A_4 : vector<8x640xf32>
    %sub3A_2251 = arith.subf %min3A_2248, %max3A_2250 : vector<8x640xf32>
    %max3A_2252 = arith.constant 0.000000e+00 : f32
    %max3A_2253 = vector.broadcast %max3A_2252 : f32 to vector<8x640xf32>
    %max3A_2254 = arith.maximumf %sub3A_2251, %max3A_2253 : vector<8x640xf32>
    %min3A_2255 = vector.broadcast %get3A_2243 : f32 to vector<8x640xf32>
    %min3A_2256 = arith.minimumf %min3A_2255, %get3A_22 : vector<8x640xf32>
    %max3A_2257 = vector.broadcast %get3A_2235 : f32 to vector<8x640xf32>
    %max3A_2258 = arith.maximumf %max3A_2257, %get3A_10 : vector<8x640xf32>
    %sub3A_2259 = arith.subf %min3A_2256, %max3A_2258 : vector<8x640xf32>
    %max3A_2260 = arith.constant 0.000000e+00 : f32
    %max3A_2261 = vector.broadcast %max3A_2260 : f32 to vector<8x640xf32>
    %max3A_2262 = arith.maximumf %sub3A_2259, %max3A_2261 : vector<8x640xf32>
    %mul3A_2263 = arith.mulf %max3A_2254, %max3A_2262 : vector<8x640xf32>
    %add3A_2264 = vector.broadcast %mul3A_2246 : f32 to vector<8x640xf32>
    %add3A_2265 = arith.addf %add3A_2264, %mul3A : vector<8x640xf32>
    %sub3A_2266 = arith.subf %add3A_2265, %mul3A_2263 : vector<8x640xf32>
    %add3A_2267 = arith.constant 9.99999971E-10 : f32
    %add3A_2268 = vector.broadcast %add3A_2267 : f32 to vector<8x640xf32>
    %add3A_2269 = arith.addf %sub3A_2266, %add3A_2268 : vector<8x640xf32>
    %div3A_2270 = arith.divf %mul3A_2263, %add3A_2269 : vector<8x640xf32>
    %gt3A_2271 = arith.cmpf ogt, %div3A_2270, %select_n3A_2224 : vector<8x640xf32>
    %select_n3A_2272 = arith.select %gt3A_2271, %div3A_2270, %select_n3A_2224 : vector<8x640xi1>, vector<8x640xf32>
    %jit3A_2273 = arith.constant 46 : i32
    %broadcast_in_dim3A_2274 = vector.broadcast %jit3A_2273 : i32 to vector<8x640xi32>
    %select_n3A_2275 = arith.select %gt3A_2271, %broadcast_in_dim3A_2274, %select_n3A_2227 : vector<8x640xi1>, vector<8x640xi32>
    %get3A_2276 = arith.constant 0 : index
    %get3A_2277 = arith.constant 0 : index
    %get3A_2278 = arith.constant 47 : index
    %get3A_2279 = memref.load %arg2[%get3A_2276, %get3A_2277, %get3A_2278] : memref<1x4x64xf32, #tpu.memory_space<smem>>
    %get3A_2280 = arith.constant 0 : index
    %get3A_2281 = arith.constant 1 : index
    %get3A_2282 = arith.constant 47 : index
    %get3A_2283 = memref.load %arg2[%get3A_2280, %get3A_2281, %get3A_2282] : memref<1x4x64xf32, #tpu.memory_space<smem>>
    %get3A_2284 = arith.constant 0 : index
    %get3A_2285 = arith.constant 2 : index
    %get3A_2286 = arith.constant 47 : index
    %get3A_2287 = memref.load %arg2[%get3A_2284, %get3A_2285, %get3A_2286] : memref<1x4x64xf32, #tpu.memory_space<smem>>
    %get3A_2288 = arith.constant 0 : index
    %get3A_2289 = arith.constant 3 : index
    %get3A_2290 = arith.constant 47 : index
    %get3A_2291 = memref.load %arg2[%get3A_2288, %get3A_2289, %get3A_2290] : memref<1x4x64xf32, #tpu.memory_space<smem>>
    %sub3A_2292 = arith.subf %get3A_2287, %get3A_2279 : f32
    %sub3A_2293 = arith.subf %get3A_2291, %get3A_2283 : f32
    %mul3A_2294 = arith.mulf %sub3A_2292, %sub3A_2293 : f32
    %min3A_2295 = vector.broadcast %get3A_2287 : f32 to vector<8x640xf32>
    %min3A_2296 = arith.minimumf %min3A_2295, %get3A_16 : vector<8x640xf32>
    %max3A_2297 = vector.broadcast %get3A_2279 : f32 to vector<8x640xf32>
    %max3A_2298 = arith.maximumf %max3A_2297, %get3A_4 : vector<8x640xf32>
    %sub3A_2299 = arith.subf %min3A_2296, %max3A_2298 : vector<8x640xf32>
    %max3A_2300 = arith.constant 0.000000e+00 : f32
    %max3A_2301 = vector.broadcast %max3A_2300 : f32 to vector<8x640xf32>
    %max3A_2302 = arith.maximumf %sub3A_2299, %max3A_2301 : vector<8x640xf32>
    %min3A_2303 = vector.broadcast %get3A_2291 : f32 to vector<8x640xf32>
    %min3A_2304 = arith.minimumf %min3A_2303, %get3A_22 : vector<8x640xf32>
    %max3A_2305 = vector.broadcast %get3A_2283 : f32 to vector<8x640xf32>
    %max3A_2306 = arith.maximumf %max3A_2305, %get3A_10 : vector<8x640xf32>
    %sub3A_2307 = arith.subf %min3A_2304, %max3A_2306 : vector<8x640xf32>
    %max3A_2308 = arith.constant 0.000000e+00 : f32
    %max3A_2309 = vector.broadcast %max3A_2308 : f32 to vector<8x640xf32>
    %max3A_2310 = arith.maximumf %sub3A_2307, %max3A_2309 : vector<8x640xf32>
    %mul3A_2311 = arith.mulf %max3A_2302, %max3A_2310 : vector<8x640xf32>
    %add3A_2312 = vector.broadcast %mul3A_2294 : f32 to vector<8x640xf32>
    %add3A_2313 = arith.addf %add3A_2312, %mul3A : vector<8x640xf32>
    %sub3A_2314 = arith.subf %add3A_2313, %mul3A_2311 : vector<8x640xf32>
    %add3A_2315 = arith.constant 9.99999971E-10 : f32
    %add3A_2316 = vector.broadcast %add3A_2315 : f32 to vector<8x640xf32>
    %add3A_2317 = arith.addf %sub3A_2314, %add3A_2316 : vector<8x640xf32>
    %div3A_2318 = arith.divf %mul3A_2311, %add3A_2317 : vector<8x640xf32>
    %gt3A_2319 = arith.cmpf ogt, %div3A_2318, %select_n3A_2272 : vector<8x640xf32>
    %select_n3A_2320 = arith.select %gt3A_2319, %div3A_2318, %select_n3A_2272 : vector<8x640xi1>, vector<8x640xf32>
    %jit3A_2321 = arith.constant 47 : i32
    %broadcast_in_dim3A_2322 = vector.broadcast %jit3A_2321 : i32 to vector<8x640xi32>
    %select_n3A_2323 = arith.select %gt3A_2319, %broadcast_in_dim3A_2322, %select_n3A_2275 : vector<8x640xi1>, vector<8x640xi32>
    %get3A_2324 = arith.constant 0 : index
    %get3A_2325 = arith.constant 0 : index
    %get3A_2326 = arith.constant 48 : index
    %get3A_2327 = memref.load %arg2[%get3A_2324, %get3A_2325, %get3A_2326] : memref<1x4x64xf32, #tpu.memory_space<smem>>
    %get3A_2328 = arith.constant 0 : index
    %get3A_2329 = arith.constant 1 : index
    %get3A_2330 = arith.constant 48 : index
    %get3A_2331 = memref.load %arg2[%get3A_2328, %get3A_2329, %get3A_2330] : memref<1x4x64xf32, #tpu.memory_space<smem>>
    %get3A_2332 = arith.constant 0 : index
    %get3A_2333 = arith.constant 2 : index
    %get3A_2334 = arith.constant 48 : index
    %get3A_2335 = memref.load %arg2[%get3A_2332, %get3A_2333, %get3A_2334] : memref<1x4x64xf32, #tpu.memory_space<smem>>
    %get3A_2336 = arith.constant 0 : index
    %get3A_2337 = arith.constant 3 : index
    %get3A_2338 = arith.constant 48 : index
    %get3A_2339 = memref.load %arg2[%get3A_2336, %get3A_2337, %get3A_2338] : memref<1x4x64xf32, #tpu.memory_space<smem>>
    %sub3A_2340 = arith.subf %get3A_2335, %get3A_2327 : f32
    %sub3A_2341 = arith.subf %get3A_2339, %get3A_2331 : f32
    %mul3A_2342 = arith.mulf %sub3A_2340, %sub3A_2341 : f32
    %min3A_2343 = vector.broadcast %get3A_2335 : f32 to vector<8x640xf32>
    %min3A_2344 = arith.minimumf %min3A_2343, %get3A_16 : vector<8x640xf32>
    %max3A_2345 = vector.broadcast %get3A_2327 : f32 to vector<8x640xf32>
    %max3A_2346 = arith.maximumf %max3A_2345, %get3A_4 : vector<8x640xf32>
    %sub3A_2347 = arith.subf %min3A_2344, %max3A_2346 : vector<8x640xf32>
    %max3A_2348 = arith.constant 0.000000e+00 : f32
    %max3A_2349 = vector.broadcast %max3A_2348 : f32 to vector<8x640xf32>
    %max3A_2350 = arith.maximumf %sub3A_2347, %max3A_2349 : vector<8x640xf32>
    %min3A_2351 = vector.broadcast %get3A_2339 : f32 to vector<8x640xf32>
    %min3A_2352 = arith.minimumf %min3A_2351, %get3A_22 : vector<8x640xf32>
    %max3A_2353 = vector.broadcast %get3A_2331 : f32 to vector<8x640xf32>
    %max3A_2354 = arith.maximumf %max3A_2353, %get3A_10 : vector<8x640xf32>
    %sub3A_2355 = arith.subf %min3A_2352, %max3A_2354 : vector<8x640xf32>
    %max3A_2356 = arith.constant 0.000000e+00 : f32
    %max3A_2357 = vector.broadcast %max3A_2356 : f32 to vector<8x640xf32>
    %max3A_2358 = arith.maximumf %sub3A_2355, %max3A_2357 : vector<8x640xf32>
    %mul3A_2359 = arith.mulf %max3A_2350, %max3A_2358 : vector<8x640xf32>
    %add3A_2360 = vector.broadcast %mul3A_2342 : f32 to vector<8x640xf32>
    %add3A_2361 = arith.addf %add3A_2360, %mul3A : vector<8x640xf32>
    %sub3A_2362 = arith.subf %add3A_2361, %mul3A_2359 : vector<8x640xf32>
    %add3A_2363 = arith.constant 9.99999971E-10 : f32
    %add3A_2364 = vector.broadcast %add3A_2363 : f32 to vector<8x640xf32>
    %add3A_2365 = arith.addf %sub3A_2362, %add3A_2364 : vector<8x640xf32>
    %div3A_2366 = arith.divf %mul3A_2359, %add3A_2365 : vector<8x640xf32>
    %gt3A_2367 = arith.cmpf ogt, %div3A_2366, %select_n3A_2320 : vector<8x640xf32>
    %select_n3A_2368 = arith.select %gt3A_2367, %div3A_2366, %select_n3A_2320 : vector<8x640xi1>, vector<8x640xf32>
    %jit3A_2369 = arith.constant 48 : i32
    %broadcast_in_dim3A_2370 = vector.broadcast %jit3A_2369 : i32 to vector<8x640xi32>
    %select_n3A_2371 = arith.select %gt3A_2367, %broadcast_in_dim3A_2370, %select_n3A_2323 : vector<8x640xi1>, vector<8x640xi32>
    %get3A_2372 = arith.constant 0 : index
    %get3A_2373 = arith.constant 0 : index
    %get3A_2374 = arith.constant 49 : index
    %get3A_2375 = memref.load %arg2[%get3A_2372, %get3A_2373, %get3A_2374] : memref<1x4x64xf32, #tpu.memory_space<smem>>
    %get3A_2376 = arith.constant 0 : index
    %get3A_2377 = arith.constant 1 : index
    %get3A_2378 = arith.constant 49 : index
    %get3A_2379 = memref.load %arg2[%get3A_2376, %get3A_2377, %get3A_2378] : memref<1x4x64xf32, #tpu.memory_space<smem>>
    %get3A_2380 = arith.constant 0 : index
    %get3A_2381 = arith.constant 2 : index
    %get3A_2382 = arith.constant 49 : index
    %get3A_2383 = memref.load %arg2[%get3A_2380, %get3A_2381, %get3A_2382] : memref<1x4x64xf32, #tpu.memory_space<smem>>
    %get3A_2384 = arith.constant 0 : index
    %get3A_2385 = arith.constant 3 : index
    %get3A_2386 = arith.constant 49 : index
    %get3A_2387 = memref.load %arg2[%get3A_2384, %get3A_2385, %get3A_2386] : memref<1x4x64xf32, #tpu.memory_space<smem>>
    %sub3A_2388 = arith.subf %get3A_2383, %get3A_2375 : f32
    %sub3A_2389 = arith.subf %get3A_2387, %get3A_2379 : f32
    %mul3A_2390 = arith.mulf %sub3A_2388, %sub3A_2389 : f32
    %min3A_2391 = vector.broadcast %get3A_2383 : f32 to vector<8x640xf32>
    %min3A_2392 = arith.minimumf %min3A_2391, %get3A_16 : vector<8x640xf32>
    %max3A_2393 = vector.broadcast %get3A_2375 : f32 to vector<8x640xf32>
    %max3A_2394 = arith.maximumf %max3A_2393, %get3A_4 : vector<8x640xf32>
    %sub3A_2395 = arith.subf %min3A_2392, %max3A_2394 : vector<8x640xf32>
    %max3A_2396 = arith.constant 0.000000e+00 : f32
    %max3A_2397 = vector.broadcast %max3A_2396 : f32 to vector<8x640xf32>
    %max3A_2398 = arith.maximumf %sub3A_2395, %max3A_2397 : vector<8x640xf32>
    %min3A_2399 = vector.broadcast %get3A_2387 : f32 to vector<8x640xf32>
    %min3A_2400 = arith.minimumf %min3A_2399, %get3A_22 : vector<8x640xf32>
    %max3A_2401 = vector.broadcast %get3A_2379 : f32 to vector<8x640xf32>
    %max3A_2402 = arith.maximumf %max3A_2401, %get3A_10 : vector<8x640xf32>
    %sub3A_2403 = arith.subf %min3A_2400, %max3A_2402 : vector<8x640xf32>
    %max3A_2404 = arith.constant 0.000000e+00 : f32
    %max3A_2405 = vector.broadcast %max3A_2404 : f32 to vector<8x640xf32>
    %max3A_2406 = arith.maximumf %sub3A_2403, %max3A_2405 : vector<8x640xf32>
    %mul3A_2407 = arith.mulf %max3A_2398, %max3A_2406 : vector<8x640xf32>
    %add3A_2408 = vector.broadcast %mul3A_2390 : f32 to vector<8x640xf32>
    %add3A_2409 = arith.addf %add3A_2408, %mul3A : vector<8x640xf32>
    %sub3A_2410 = arith.subf %add3A_2409, %mul3A_2407 : vector<8x640xf32>
    %add3A_2411 = arith.constant 9.99999971E-10 : f32
    %add3A_2412 = vector.broadcast %add3A_2411 : f32 to vector<8x640xf32>
    %add3A_2413 = arith.addf %sub3A_2410, %add3A_2412 : vector<8x640xf32>
    %div3A_2414 = arith.divf %mul3A_2407, %add3A_2413 : vector<8x640xf32>
    %gt3A_2415 = arith.cmpf ogt, %div3A_2414, %select_n3A_2368 : vector<8x640xf32>
    %select_n3A_2416 = arith.select %gt3A_2415, %div3A_2414, %select_n3A_2368 : vector<8x640xi1>, vector<8x640xf32>
    %jit3A_2417 = arith.constant 49 : i32
    %broadcast_in_dim3A_2418 = vector.broadcast %jit3A_2417 : i32 to vector<8x640xi32>
    %select_n3A_2419 = arith.select %gt3A_2415, %broadcast_in_dim3A_2418, %select_n3A_2371 : vector<8x640xi1>, vector<8x640xi32>
    %get3A_2420 = arith.constant 0 : index
    %get3A_2421 = arith.constant 0 : index
    %get3A_2422 = arith.constant 50 : index
    %get3A_2423 = memref.load %arg2[%get3A_2420, %get3A_2421, %get3A_2422] : memref<1x4x64xf32, #tpu.memory_space<smem>>
    %get3A_2424 = arith.constant 0 : index
    %get3A_2425 = arith.constant 1 : index
    %get3A_2426 = arith.constant 50 : index
    %get3A_2427 = memref.load %arg2[%get3A_2424, %get3A_2425, %get3A_2426] : memref<1x4x64xf32, #tpu.memory_space<smem>>
    %get3A_2428 = arith.constant 0 : index
    %get3A_2429 = arith.constant 2 : index
    %get3A_2430 = arith.constant 50 : index
    %get3A_2431 = memref.load %arg2[%get3A_2428, %get3A_2429, %get3A_2430] : memref<1x4x64xf32, #tpu.memory_space<smem>>
    %get3A_2432 = arith.constant 0 : index
    %get3A_2433 = arith.constant 3 : index
    %get3A_2434 = arith.constant 50 : index
    %get3A_2435 = memref.load %arg2[%get3A_2432, %get3A_2433, %get3A_2434] : memref<1x4x64xf32, #tpu.memory_space<smem>>
    %sub3A_2436 = arith.subf %get3A_2431, %get3A_2423 : f32
    %sub3A_2437 = arith.subf %get3A_2435, %get3A_2427 : f32
    %mul3A_2438 = arith.mulf %sub3A_2436, %sub3A_2437 : f32
    %min3A_2439 = vector.broadcast %get3A_2431 : f32 to vector<8x640xf32>
    %min3A_2440 = arith.minimumf %min3A_2439, %get3A_16 : vector<8x640xf32>
    %max3A_2441 = vector.broadcast %get3A_2423 : f32 to vector<8x640xf32>
    %max3A_2442 = arith.maximumf %max3A_2441, %get3A_4 : vector<8x640xf32>
    %sub3A_2443 = arith.subf %min3A_2440, %max3A_2442 : vector<8x640xf32>
    %max3A_2444 = arith.constant 0.000000e+00 : f32
    %max3A_2445 = vector.broadcast %max3A_2444 : f32 to vector<8x640xf32>
    %max3A_2446 = arith.maximumf %sub3A_2443, %max3A_2445 : vector<8x640xf32>
    %min3A_2447 = vector.broadcast %get3A_2435 : f32 to vector<8x640xf32>
    %min3A_2448 = arith.minimumf %min3A_2447, %get3A_22 : vector<8x640xf32>
    %max3A_2449 = vector.broadcast %get3A_2427 : f32 to vector<8x640xf32>
    %max3A_2450 = arith.maximumf %max3A_2449, %get3A_10 : vector<8x640xf32>
    %sub3A_2451 = arith.subf %min3A_2448, %max3A_2450 : vector<8x640xf32>
    %max3A_2452 = arith.constant 0.000000e+00 : f32
    %max3A_2453 = vector.broadcast %max3A_2452 : f32 to vector<8x640xf32>
    %max3A_2454 = arith.maximumf %sub3A_2451, %max3A_2453 : vector<8x640xf32>
    %mul3A_2455 = arith.mulf %max3A_2446, %max3A_2454 : vector<8x640xf32>
    %add3A_2456 = vector.broadcast %mul3A_2438 : f32 to vector<8x640xf32>
    %add3A_2457 = arith.addf %add3A_2456, %mul3A : vector<8x640xf32>
    %sub3A_2458 = arith.subf %add3A_2457, %mul3A_2455 : vector<8x640xf32>
    %add3A_2459 = arith.constant 9.99999971E-10 : f32
    %add3A_2460 = vector.broadcast %add3A_2459 : f32 to vector<8x640xf32>
    %add3A_2461 = arith.addf %sub3A_2458, %add3A_2460 : vector<8x640xf32>
    %div3A_2462 = arith.divf %mul3A_2455, %add3A_2461 : vector<8x640xf32>
    %gt3A_2463 = arith.cmpf ogt, %div3A_2462, %select_n3A_2416 : vector<8x640xf32>
    %select_n3A_2464 = arith.select %gt3A_2463, %div3A_2462, %select_n3A_2416 : vector<8x640xi1>, vector<8x640xf32>
    %jit3A_2465 = arith.constant 50 : i32
    %broadcast_in_dim3A_2466 = vector.broadcast %jit3A_2465 : i32 to vector<8x640xi32>
    %select_n3A_2467 = arith.select %gt3A_2463, %broadcast_in_dim3A_2466, %select_n3A_2419 : vector<8x640xi1>, vector<8x640xi32>
    %get3A_2468 = arith.constant 0 : index
    %get3A_2469 = arith.constant 0 : index
    %get3A_2470 = arith.constant 51 : index
    %get3A_2471 = memref.load %arg2[%get3A_2468, %get3A_2469, %get3A_2470] : memref<1x4x64xf32, #tpu.memory_space<smem>>
    %get3A_2472 = arith.constant 0 : index
    %get3A_2473 = arith.constant 1 : index
    %get3A_2474 = arith.constant 51 : index
    %get3A_2475 = memref.load %arg2[%get3A_2472, %get3A_2473, %get3A_2474] : memref<1x4x64xf32, #tpu.memory_space<smem>>
    %get3A_2476 = arith.constant 0 : index
    %get3A_2477 = arith.constant 2 : index
    %get3A_2478 = arith.constant 51 : index
    %get3A_2479 = memref.load %arg2[%get3A_2476, %get3A_2477, %get3A_2478] : memref<1x4x64xf32, #tpu.memory_space<smem>>
    %get3A_2480 = arith.constant 0 : index
    %get3A_2481 = arith.constant 3 : index
    %get3A_2482 = arith.constant 51 : index
    %get3A_2483 = memref.load %arg2[%get3A_2480, %get3A_2481, %get3A_2482] : memref<1x4x64xf32, #tpu.memory_space<smem>>
    %sub3A_2484 = arith.subf %get3A_2479, %get3A_2471 : f32
    %sub3A_2485 = arith.subf %get3A_2483, %get3A_2475 : f32
    %mul3A_2486 = arith.mulf %sub3A_2484, %sub3A_2485 : f32
    %min3A_2487 = vector.broadcast %get3A_2479 : f32 to vector<8x640xf32>
    %min3A_2488 = arith.minimumf %min3A_2487, %get3A_16 : vector<8x640xf32>
    %max3A_2489 = vector.broadcast %get3A_2471 : f32 to vector<8x640xf32>
    %max3A_2490 = arith.maximumf %max3A_2489, %get3A_4 : vector<8x640xf32>
    %sub3A_2491 = arith.subf %min3A_2488, %max3A_2490 : vector<8x640xf32>
    %max3A_2492 = arith.constant 0.000000e+00 : f32
    %max3A_2493 = vector.broadcast %max3A_2492 : f32 to vector<8x640xf32>
    %max3A_2494 = arith.maximumf %sub3A_2491, %max3A_2493 : vector<8x640xf32>
    %min3A_2495 = vector.broadcast %get3A_2483 : f32 to vector<8x640xf32>
    %min3A_2496 = arith.minimumf %min3A_2495, %get3A_22 : vector<8x640xf32>
    %max3A_2497 = vector.broadcast %get3A_2475 : f32 to vector<8x640xf32>
    %max3A_2498 = arith.maximumf %max3A_2497, %get3A_10 : vector<8x640xf32>
    %sub3A_2499 = arith.subf %min3A_2496, %max3A_2498 : vector<8x640xf32>
    %max3A_2500 = arith.constant 0.000000e+00 : f32
    %max3A_2501 = vector.broadcast %max3A_2500 : f32 to vector<8x640xf32>
    %max3A_2502 = arith.maximumf %sub3A_2499, %max3A_2501 : vector<8x640xf32>
    %mul3A_2503 = arith.mulf %max3A_2494, %max3A_2502 : vector<8x640xf32>
    %add3A_2504 = vector.broadcast %mul3A_2486 : f32 to vector<8x640xf32>
    %add3A_2505 = arith.addf %add3A_2504, %mul3A : vector<8x640xf32>
    %sub3A_2506 = arith.subf %add3A_2505, %mul3A_2503 : vector<8x640xf32>
    %add3A_2507 = arith.constant 9.99999971E-10 : f32
    %add3A_2508 = vector.broadcast %add3A_2507 : f32 to vector<8x640xf32>
    %add3A_2509 = arith.addf %sub3A_2506, %add3A_2508 : vector<8x640xf32>
    %div3A_2510 = arith.divf %mul3A_2503, %add3A_2509 : vector<8x640xf32>
    %gt3A_2511 = arith.cmpf ogt, %div3A_2510, %select_n3A_2464 : vector<8x640xf32>
    %select_n3A_2512 = arith.select %gt3A_2511, %div3A_2510, %select_n3A_2464 : vector<8x640xi1>, vector<8x640xf32>
    %jit3A_2513 = arith.constant 51 : i32
    %broadcast_in_dim3A_2514 = vector.broadcast %jit3A_2513 : i32 to vector<8x640xi32>
    %select_n3A_2515 = arith.select %gt3A_2511, %broadcast_in_dim3A_2514, %select_n3A_2467 : vector<8x640xi1>, vector<8x640xi32>
    %get3A_2516 = arith.constant 0 : index
    %get3A_2517 = arith.constant 0 : index
    %get3A_2518 = arith.constant 52 : index
    %get3A_2519 = memref.load %arg2[%get3A_2516, %get3A_2517, %get3A_2518] : memref<1x4x64xf32, #tpu.memory_space<smem>>
    %get3A_2520 = arith.constant 0 : index
    %get3A_2521 = arith.constant 1 : index
    %get3A_2522 = arith.constant 52 : index
    %get3A_2523 = memref.load %arg2[%get3A_2520, %get3A_2521, %get3A_2522] : memref<1x4x64xf32, #tpu.memory_space<smem>>
    %get3A_2524 = arith.constant 0 : index
    %get3A_2525 = arith.constant 2 : index
    %get3A_2526 = arith.constant 52 : index
    %get3A_2527 = memref.load %arg2[%get3A_2524, %get3A_2525, %get3A_2526] : memref<1x4x64xf32, #tpu.memory_space<smem>>
    %get3A_2528 = arith.constant 0 : index
    %get3A_2529 = arith.constant 3 : index
    %get3A_2530 = arith.constant 52 : index
    %get3A_2531 = memref.load %arg2[%get3A_2528, %get3A_2529, %get3A_2530] : memref<1x4x64xf32, #tpu.memory_space<smem>>
    %sub3A_2532 = arith.subf %get3A_2527, %get3A_2519 : f32
    %sub3A_2533 = arith.subf %get3A_2531, %get3A_2523 : f32
    %mul3A_2534 = arith.mulf %sub3A_2532, %sub3A_2533 : f32
    %min3A_2535 = vector.broadcast %get3A_2527 : f32 to vector<8x640xf32>
    %min3A_2536 = arith.minimumf %min3A_2535, %get3A_16 : vector<8x640xf32>
    %max3A_2537 = vector.broadcast %get3A_2519 : f32 to vector<8x640xf32>
    %max3A_2538 = arith.maximumf %max3A_2537, %get3A_4 : vector<8x640xf32>
    %sub3A_2539 = arith.subf %min3A_2536, %max3A_2538 : vector<8x640xf32>
    %max3A_2540 = arith.constant 0.000000e+00 : f32
    %max3A_2541 = vector.broadcast %max3A_2540 : f32 to vector<8x640xf32>
    %max3A_2542 = arith.maximumf %sub3A_2539, %max3A_2541 : vector<8x640xf32>
    %min3A_2543 = vector.broadcast %get3A_2531 : f32 to vector<8x640xf32>
    %min3A_2544 = arith.minimumf %min3A_2543, %get3A_22 : vector<8x640xf32>
    %max3A_2545 = vector.broadcast %get3A_2523 : f32 to vector<8x640xf32>
    %max3A_2546 = arith.maximumf %max3A_2545, %get3A_10 : vector<8x640xf32>
    %sub3A_2547 = arith.subf %min3A_2544, %max3A_2546 : vector<8x640xf32>
    %max3A_2548 = arith.constant 0.000000e+00 : f32
    %max3A_2549 = vector.broadcast %max3A_2548 : f32 to vector<8x640xf32>
    %max3A_2550 = arith.maximumf %sub3A_2547, %max3A_2549 : vector<8x640xf32>
    %mul3A_2551 = arith.mulf %max3A_2542, %max3A_2550 : vector<8x640xf32>
    %add3A_2552 = vector.broadcast %mul3A_2534 : f32 to vector<8x640xf32>
    %add3A_2553 = arith.addf %add3A_2552, %mul3A : vector<8x640xf32>
    %sub3A_2554 = arith.subf %add3A_2553, %mul3A_2551 : vector<8x640xf32>
    %add3A_2555 = arith.constant 9.99999971E-10 : f32
    %add3A_2556 = vector.broadcast %add3A_2555 : f32 to vector<8x640xf32>
    %add3A_2557 = arith.addf %sub3A_2554, %add3A_2556 : vector<8x640xf32>
    %div3A_2558 = arith.divf %mul3A_2551, %add3A_2557 : vector<8x640xf32>
    %gt3A_2559 = arith.cmpf ogt, %div3A_2558, %select_n3A_2512 : vector<8x640xf32>
    %select_n3A_2560 = arith.select %gt3A_2559, %div3A_2558, %select_n3A_2512 : vector<8x640xi1>, vector<8x640xf32>
    %jit3A_2561 = arith.constant 52 : i32
    %broadcast_in_dim3A_2562 = vector.broadcast %jit3A_2561 : i32 to vector<8x640xi32>
    %select_n3A_2563 = arith.select %gt3A_2559, %broadcast_in_dim3A_2562, %select_n3A_2515 : vector<8x640xi1>, vector<8x640xi32>
    %get3A_2564 = arith.constant 0 : index
    %get3A_2565 = arith.constant 0 : index
    %get3A_2566 = arith.constant 53 : index
    %get3A_2567 = memref.load %arg2[%get3A_2564, %get3A_2565, %get3A_2566] : memref<1x4x64xf32, #tpu.memory_space<smem>>
    %get3A_2568 = arith.constant 0 : index
    %get3A_2569 = arith.constant 1 : index
    %get3A_2570 = arith.constant 53 : index
    %get3A_2571 = memref.load %arg2[%get3A_2568, %get3A_2569, %get3A_2570] : memref<1x4x64xf32, #tpu.memory_space<smem>>
    %get3A_2572 = arith.constant 0 : index
    %get3A_2573 = arith.constant 2 : index
    %get3A_2574 = arith.constant 53 : index
    %get3A_2575 = memref.load %arg2[%get3A_2572, %get3A_2573, %get3A_2574] : memref<1x4x64xf32, #tpu.memory_space<smem>>
    %get3A_2576 = arith.constant 0 : index
    %get3A_2577 = arith.constant 3 : index
    %get3A_2578 = arith.constant 53 : index
    %get3A_2579 = memref.load %arg2[%get3A_2576, %get3A_2577, %get3A_2578] : memref<1x4x64xf32, #tpu.memory_space<smem>>
    %sub3A_2580 = arith.subf %get3A_2575, %get3A_2567 : f32
    %sub3A_2581 = arith.subf %get3A_2579, %get3A_2571 : f32
    %mul3A_2582 = arith.mulf %sub3A_2580, %sub3A_2581 : f32
    %min3A_2583 = vector.broadcast %get3A_2575 : f32 to vector<8x640xf32>
    %min3A_2584 = arith.minimumf %min3A_2583, %get3A_16 : vector<8x640xf32>
    %max3A_2585 = vector.broadcast %get3A_2567 : f32 to vector<8x640xf32>
    %max3A_2586 = arith.maximumf %max3A_2585, %get3A_4 : vector<8x640xf32>
    %sub3A_2587 = arith.subf %min3A_2584, %max3A_2586 : vector<8x640xf32>
    %max3A_2588 = arith.constant 0.000000e+00 : f32
    %max3A_2589 = vector.broadcast %max3A_2588 : f32 to vector<8x640xf32>
    %max3A_2590 = arith.maximumf %sub3A_2587, %max3A_2589 : vector<8x640xf32>
    %min3A_2591 = vector.broadcast %get3A_2579 : f32 to vector<8x640xf32>
    %min3A_2592 = arith.minimumf %min3A_2591, %get3A_22 : vector<8x640xf32>
    %max3A_2593 = vector.broadcast %get3A_2571 : f32 to vector<8x640xf32>
    %max3A_2594 = arith.maximumf %max3A_2593, %get3A_10 : vector<8x640xf32>
    %sub3A_2595 = arith.subf %min3A_2592, %max3A_2594 : vector<8x640xf32>
    %max3A_2596 = arith.constant 0.000000e+00 : f32
    %max3A_2597 = vector.broadcast %max3A_2596 : f32 to vector<8x640xf32>
    %max3A_2598 = arith.maximumf %sub3A_2595, %max3A_2597 : vector<8x640xf32>
    %mul3A_2599 = arith.mulf %max3A_2590, %max3A_2598 : vector<8x640xf32>
    %add3A_2600 = vector.broadcast %mul3A_2582 : f32 to vector<8x640xf32>
    %add3A_2601 = arith.addf %add3A_2600, %mul3A : vector<8x640xf32>
    %sub3A_2602 = arith.subf %add3A_2601, %mul3A_2599 : vector<8x640xf32>
    %add3A_2603 = arith.constant 9.99999971E-10 : f32
    %add3A_2604 = vector.broadcast %add3A_2603 : f32 to vector<8x640xf32>
    %add3A_2605 = arith.addf %sub3A_2602, %add3A_2604 : vector<8x640xf32>
    %div3A_2606 = arith.divf %mul3A_2599, %add3A_2605 : vector<8x640xf32>
    %gt3A_2607 = arith.cmpf ogt, %div3A_2606, %select_n3A_2560 : vector<8x640xf32>
    %select_n3A_2608 = arith.select %gt3A_2607, %div3A_2606, %select_n3A_2560 : vector<8x640xi1>, vector<8x640xf32>
    %jit3A_2609 = arith.constant 53 : i32
    %broadcast_in_dim3A_2610 = vector.broadcast %jit3A_2609 : i32 to vector<8x640xi32>
    %select_n3A_2611 = arith.select %gt3A_2607, %broadcast_in_dim3A_2610, %select_n3A_2563 : vector<8x640xi1>, vector<8x640xi32>
    %get3A_2612 = arith.constant 0 : index
    %get3A_2613 = arith.constant 0 : index
    %get3A_2614 = arith.constant 54 : index
    %get3A_2615 = memref.load %arg2[%get3A_2612, %get3A_2613, %get3A_2614] : memref<1x4x64xf32, #tpu.memory_space<smem>>
    %get3A_2616 = arith.constant 0 : index
    %get3A_2617 = arith.constant 1 : index
    %get3A_2618 = arith.constant 54 : index
    %get3A_2619 = memref.load %arg2[%get3A_2616, %get3A_2617, %get3A_2618] : memref<1x4x64xf32, #tpu.memory_space<smem>>
    %get3A_2620 = arith.constant 0 : index
    %get3A_2621 = arith.constant 2 : index
    %get3A_2622 = arith.constant 54 : index
    %get3A_2623 = memref.load %arg2[%get3A_2620, %get3A_2621, %get3A_2622] : memref<1x4x64xf32, #tpu.memory_space<smem>>
    %get3A_2624 = arith.constant 0 : index
    %get3A_2625 = arith.constant 3 : index
    %get3A_2626 = arith.constant 54 : index
    %get3A_2627 = memref.load %arg2[%get3A_2624, %get3A_2625, %get3A_2626] : memref<1x4x64xf32, #tpu.memory_space<smem>>
    %sub3A_2628 = arith.subf %get3A_2623, %get3A_2615 : f32
    %sub3A_2629 = arith.subf %get3A_2627, %get3A_2619 : f32
    %mul3A_2630 = arith.mulf %sub3A_2628, %sub3A_2629 : f32
    %min3A_2631 = vector.broadcast %get3A_2623 : f32 to vector<8x640xf32>
    %min3A_2632 = arith.minimumf %min3A_2631, %get3A_16 : vector<8x640xf32>
    %max3A_2633 = vector.broadcast %get3A_2615 : f32 to vector<8x640xf32>
    %max3A_2634 = arith.maximumf %max3A_2633, %get3A_4 : vector<8x640xf32>
    %sub3A_2635 = arith.subf %min3A_2632, %max3A_2634 : vector<8x640xf32>
    %max3A_2636 = arith.constant 0.000000e+00 : f32
    %max3A_2637 = vector.broadcast %max3A_2636 : f32 to vector<8x640xf32>
    %max3A_2638 = arith.maximumf %sub3A_2635, %max3A_2637 : vector<8x640xf32>
    %min3A_2639 = vector.broadcast %get3A_2627 : f32 to vector<8x640xf32>
    %min3A_2640 = arith.minimumf %min3A_2639, %get3A_22 : vector<8x640xf32>
    %max3A_2641 = vector.broadcast %get3A_2619 : f32 to vector<8x640xf32>
    %max3A_2642 = arith.maximumf %max3A_2641, %get3A_10 : vector<8x640xf32>
    %sub3A_2643 = arith.subf %min3A_2640, %max3A_2642 : vector<8x640xf32>
    %max3A_2644 = arith.constant 0.000000e+00 : f32
    %max3A_2645 = vector.broadcast %max3A_2644 : f32 to vector<8x640xf32>
    %max3A_2646 = arith.maximumf %sub3A_2643, %max3A_2645 : vector<8x640xf32>
    %mul3A_2647 = arith.mulf %max3A_2638, %max3A_2646 : vector<8x640xf32>
    %add3A_2648 = vector.broadcast %mul3A_2630 : f32 to vector<8x640xf32>
    %add3A_2649 = arith.addf %add3A_2648, %mul3A : vector<8x640xf32>
    %sub3A_2650 = arith.subf %add3A_2649, %mul3A_2647 : vector<8x640xf32>
    %add3A_2651 = arith.constant 9.99999971E-10 : f32
    %add3A_2652 = vector.broadcast %add3A_2651 : f32 to vector<8x640xf32>
    %add3A_2653 = arith.addf %sub3A_2650, %add3A_2652 : vector<8x640xf32>
    %div3A_2654 = arith.divf %mul3A_2647, %add3A_2653 : vector<8x640xf32>
    %gt3A_2655 = arith.cmpf ogt, %div3A_2654, %select_n3A_2608 : vector<8x640xf32>
    %select_n3A_2656 = arith.select %gt3A_2655, %div3A_2654, %select_n3A_2608 : vector<8x640xi1>, vector<8x640xf32>
    %jit3A_2657 = arith.constant 54 : i32
    %broadcast_in_dim3A_2658 = vector.broadcast %jit3A_2657 : i32 to vector<8x640xi32>
    %select_n3A_2659 = arith.select %gt3A_2655, %broadcast_in_dim3A_2658, %select_n3A_2611 : vector<8x640xi1>, vector<8x640xi32>
    %get3A_2660 = arith.constant 0 : index
    %get3A_2661 = arith.constant 0 : index
    %get3A_2662 = arith.constant 55 : index
    %get3A_2663 = memref.load %arg2[%get3A_2660, %get3A_2661, %get3A_2662] : memref<1x4x64xf32, #tpu.memory_space<smem>>
    %get3A_2664 = arith.constant 0 : index
    %get3A_2665 = arith.constant 1 : index
    %get3A_2666 = arith.constant 55 : index
    %get3A_2667 = memref.load %arg2[%get3A_2664, %get3A_2665, %get3A_2666] : memref<1x4x64xf32, #tpu.memory_space<smem>>
    %get3A_2668 = arith.constant 0 : index
    %get3A_2669 = arith.constant 2 : index
    %get3A_2670 = arith.constant 55 : index
    %get3A_2671 = memref.load %arg2[%get3A_2668, %get3A_2669, %get3A_2670] : memref<1x4x64xf32, #tpu.memory_space<smem>>
    %get3A_2672 = arith.constant 0 : index
    %get3A_2673 = arith.constant 3 : index
    %get3A_2674 = arith.constant 55 : index
    %get3A_2675 = memref.load %arg2[%get3A_2672, %get3A_2673, %get3A_2674] : memref<1x4x64xf32, #tpu.memory_space<smem>>
    %sub3A_2676 = arith.subf %get3A_2671, %get3A_2663 : f32
    %sub3A_2677 = arith.subf %get3A_2675, %get3A_2667 : f32
    %mul3A_2678 = arith.mulf %sub3A_2676, %sub3A_2677 : f32
    %min3A_2679 = vector.broadcast %get3A_2671 : f32 to vector<8x640xf32>
    %min3A_2680 = arith.minimumf %min3A_2679, %get3A_16 : vector<8x640xf32>
    %max3A_2681 = vector.broadcast %get3A_2663 : f32 to vector<8x640xf32>
    %max3A_2682 = arith.maximumf %max3A_2681, %get3A_4 : vector<8x640xf32>
    %sub3A_2683 = arith.subf %min3A_2680, %max3A_2682 : vector<8x640xf32>
    %max3A_2684 = arith.constant 0.000000e+00 : f32
    %max3A_2685 = vector.broadcast %max3A_2684 : f32 to vector<8x640xf32>
    %max3A_2686 = arith.maximumf %sub3A_2683, %max3A_2685 : vector<8x640xf32>
    %min3A_2687 = vector.broadcast %get3A_2675 : f32 to vector<8x640xf32>
    %min3A_2688 = arith.minimumf %min3A_2687, %get3A_22 : vector<8x640xf32>
    %max3A_2689 = vector.broadcast %get3A_2667 : f32 to vector<8x640xf32>
    %max3A_2690 = arith.maximumf %max3A_2689, %get3A_10 : vector<8x640xf32>
    %sub3A_2691 = arith.subf %min3A_2688, %max3A_2690 : vector<8x640xf32>
    %max3A_2692 = arith.constant 0.000000e+00 : f32
    %max3A_2693 = vector.broadcast %max3A_2692 : f32 to vector<8x640xf32>
    %max3A_2694 = arith.maximumf %sub3A_2691, %max3A_2693 : vector<8x640xf32>
    %mul3A_2695 = arith.mulf %max3A_2686, %max3A_2694 : vector<8x640xf32>
    %add3A_2696 = vector.broadcast %mul3A_2678 : f32 to vector<8x640xf32>
    %add3A_2697 = arith.addf %add3A_2696, %mul3A : vector<8x640xf32>
    %sub3A_2698 = arith.subf %add3A_2697, %mul3A_2695 : vector<8x640xf32>
    %add3A_2699 = arith.constant 9.99999971E-10 : f32
    %add3A_2700 = vector.broadcast %add3A_2699 : f32 to vector<8x640xf32>
    %add3A_2701 = arith.addf %sub3A_2698, %add3A_2700 : vector<8x640xf32>
    %div3A_2702 = arith.divf %mul3A_2695, %add3A_2701 : vector<8x640xf32>
    %gt3A_2703 = arith.cmpf ogt, %div3A_2702, %select_n3A_2656 : vector<8x640xf32>
    %select_n3A_2704 = arith.select %gt3A_2703, %div3A_2702, %select_n3A_2656 : vector<8x640xi1>, vector<8x640xf32>
    %jit3A_2705 = arith.constant 55 : i32
    %broadcast_in_dim3A_2706 = vector.broadcast %jit3A_2705 : i32 to vector<8x640xi32>
    %select_n3A_2707 = arith.select %gt3A_2703, %broadcast_in_dim3A_2706, %select_n3A_2659 : vector<8x640xi1>, vector<8x640xi32>
    %get3A_2708 = arith.constant 0 : index
    %get3A_2709 = arith.constant 0 : index
    %get3A_2710 = arith.constant 56 : index
    %get3A_2711 = memref.load %arg2[%get3A_2708, %get3A_2709, %get3A_2710] : memref<1x4x64xf32, #tpu.memory_space<smem>>
    %get3A_2712 = arith.constant 0 : index
    %get3A_2713 = arith.constant 1 : index
    %get3A_2714 = arith.constant 56 : index
    %get3A_2715 = memref.load %arg2[%get3A_2712, %get3A_2713, %get3A_2714] : memref<1x4x64xf32, #tpu.memory_space<smem>>
    %get3A_2716 = arith.constant 0 : index
    %get3A_2717 = arith.constant 2 : index
    %get3A_2718 = arith.constant 56 : index
    %get3A_2719 = memref.load %arg2[%get3A_2716, %get3A_2717, %get3A_2718] : memref<1x4x64xf32, #tpu.memory_space<smem>>
    %get3A_2720 = arith.constant 0 : index
    %get3A_2721 = arith.constant 3 : index
    %get3A_2722 = arith.constant 56 : index
    %get3A_2723 = memref.load %arg2[%get3A_2720, %get3A_2721, %get3A_2722] : memref<1x4x64xf32, #tpu.memory_space<smem>>
    %sub3A_2724 = arith.subf %get3A_2719, %get3A_2711 : f32
    %sub3A_2725 = arith.subf %get3A_2723, %get3A_2715 : f32
    %mul3A_2726 = arith.mulf %sub3A_2724, %sub3A_2725 : f32
    %min3A_2727 = vector.broadcast %get3A_2719 : f32 to vector<8x640xf32>
    %min3A_2728 = arith.minimumf %min3A_2727, %get3A_16 : vector<8x640xf32>
    %max3A_2729 = vector.broadcast %get3A_2711 : f32 to vector<8x640xf32>
    %max3A_2730 = arith.maximumf %max3A_2729, %get3A_4 : vector<8x640xf32>
    %sub3A_2731 = arith.subf %min3A_2728, %max3A_2730 : vector<8x640xf32>
    %max3A_2732 = arith.constant 0.000000e+00 : f32
    %max3A_2733 = vector.broadcast %max3A_2732 : f32 to vector<8x640xf32>
    %max3A_2734 = arith.maximumf %sub3A_2731, %max3A_2733 : vector<8x640xf32>
    %min3A_2735 = vector.broadcast %get3A_2723 : f32 to vector<8x640xf32>
    %min3A_2736 = arith.minimumf %min3A_2735, %get3A_22 : vector<8x640xf32>
    %max3A_2737 = vector.broadcast %get3A_2715 : f32 to vector<8x640xf32>
    %max3A_2738 = arith.maximumf %max3A_2737, %get3A_10 : vector<8x640xf32>
    %sub3A_2739 = arith.subf %min3A_2736, %max3A_2738 : vector<8x640xf32>
    %max3A_2740 = arith.constant 0.000000e+00 : f32
    %max3A_2741 = vector.broadcast %max3A_2740 : f32 to vector<8x640xf32>
    %max3A_2742 = arith.maximumf %sub3A_2739, %max3A_2741 : vector<8x640xf32>
    %mul3A_2743 = arith.mulf %max3A_2734, %max3A_2742 : vector<8x640xf32>
    %add3A_2744 = vector.broadcast %mul3A_2726 : f32 to vector<8x640xf32>
    %add3A_2745 = arith.addf %add3A_2744, %mul3A : vector<8x640xf32>
    %sub3A_2746 = arith.subf %add3A_2745, %mul3A_2743 : vector<8x640xf32>
    %add3A_2747 = arith.constant 9.99999971E-10 : f32
    %add3A_2748 = vector.broadcast %add3A_2747 : f32 to vector<8x640xf32>
    %add3A_2749 = arith.addf %sub3A_2746, %add3A_2748 : vector<8x640xf32>
    %div3A_2750 = arith.divf %mul3A_2743, %add3A_2749 : vector<8x640xf32>
    %gt3A_2751 = arith.cmpf ogt, %div3A_2750, %select_n3A_2704 : vector<8x640xf32>
    %select_n3A_2752 = arith.select %gt3A_2751, %div3A_2750, %select_n3A_2704 : vector<8x640xi1>, vector<8x640xf32>
    %jit3A_2753 = arith.constant 56 : i32
    %broadcast_in_dim3A_2754 = vector.broadcast %jit3A_2753 : i32 to vector<8x640xi32>
    %select_n3A_2755 = arith.select %gt3A_2751, %broadcast_in_dim3A_2754, %select_n3A_2707 : vector<8x640xi1>, vector<8x640xi32>
    %get3A_2756 = arith.constant 0 : index
    %get3A_2757 = arith.constant 0 : index
    %get3A_2758 = arith.constant 57 : index
    %get3A_2759 = memref.load %arg2[%get3A_2756, %get3A_2757, %get3A_2758] : memref<1x4x64xf32, #tpu.memory_space<smem>>
    %get3A_2760 = arith.constant 0 : index
    %get3A_2761 = arith.constant 1 : index
    %get3A_2762 = arith.constant 57 : index
    %get3A_2763 = memref.load %arg2[%get3A_2760, %get3A_2761, %get3A_2762] : memref<1x4x64xf32, #tpu.memory_space<smem>>
    %get3A_2764 = arith.constant 0 : index
    %get3A_2765 = arith.constant 2 : index
    %get3A_2766 = arith.constant 57 : index
    %get3A_2767 = memref.load %arg2[%get3A_2764, %get3A_2765, %get3A_2766] : memref<1x4x64xf32, #tpu.memory_space<smem>>
    %get3A_2768 = arith.constant 0 : index
    %get3A_2769 = arith.constant 3 : index
    %get3A_2770 = arith.constant 57 : index
    %get3A_2771 = memref.load %arg2[%get3A_2768, %get3A_2769, %get3A_2770] : memref<1x4x64xf32, #tpu.memory_space<smem>>
    %sub3A_2772 = arith.subf %get3A_2767, %get3A_2759 : f32
    %sub3A_2773 = arith.subf %get3A_2771, %get3A_2763 : f32
    %mul3A_2774 = arith.mulf %sub3A_2772, %sub3A_2773 : f32
    %min3A_2775 = vector.broadcast %get3A_2767 : f32 to vector<8x640xf32>
    %min3A_2776 = arith.minimumf %min3A_2775, %get3A_16 : vector<8x640xf32>
    %max3A_2777 = vector.broadcast %get3A_2759 : f32 to vector<8x640xf32>
    %max3A_2778 = arith.maximumf %max3A_2777, %get3A_4 : vector<8x640xf32>
    %sub3A_2779 = arith.subf %min3A_2776, %max3A_2778 : vector<8x640xf32>
    %max3A_2780 = arith.constant 0.000000e+00 : f32
    %max3A_2781 = vector.broadcast %max3A_2780 : f32 to vector<8x640xf32>
    %max3A_2782 = arith.maximumf %sub3A_2779, %max3A_2781 : vector<8x640xf32>
    %min3A_2783 = vector.broadcast %get3A_2771 : f32 to vector<8x640xf32>
    %min3A_2784 = arith.minimumf %min3A_2783, %get3A_22 : vector<8x640xf32>
    %max3A_2785 = vector.broadcast %get3A_2763 : f32 to vector<8x640xf32>
    %max3A_2786 = arith.maximumf %max3A_2785, %get3A_10 : vector<8x640xf32>
    %sub3A_2787 = arith.subf %min3A_2784, %max3A_2786 : vector<8x640xf32>
    %max3A_2788 = arith.constant 0.000000e+00 : f32
    %max3A_2789 = vector.broadcast %max3A_2788 : f32 to vector<8x640xf32>
    %max3A_2790 = arith.maximumf %sub3A_2787, %max3A_2789 : vector<8x640xf32>
    %mul3A_2791 = arith.mulf %max3A_2782, %max3A_2790 : vector<8x640xf32>
    %add3A_2792 = vector.broadcast %mul3A_2774 : f32 to vector<8x640xf32>
    %add3A_2793 = arith.addf %add3A_2792, %mul3A : vector<8x640xf32>
    %sub3A_2794 = arith.subf %add3A_2793, %mul3A_2791 : vector<8x640xf32>
    %add3A_2795 = arith.constant 9.99999971E-10 : f32
    %add3A_2796 = vector.broadcast %add3A_2795 : f32 to vector<8x640xf32>
    %add3A_2797 = arith.addf %sub3A_2794, %add3A_2796 : vector<8x640xf32>
    %div3A_2798 = arith.divf %mul3A_2791, %add3A_2797 : vector<8x640xf32>
    %gt3A_2799 = arith.cmpf ogt, %div3A_2798, %select_n3A_2752 : vector<8x640xf32>
    %select_n3A_2800 = arith.select %gt3A_2799, %div3A_2798, %select_n3A_2752 : vector<8x640xi1>, vector<8x640xf32>
    %jit3A_2801 = arith.constant 57 : i32
    %broadcast_in_dim3A_2802 = vector.broadcast %jit3A_2801 : i32 to vector<8x640xi32>
    %select_n3A_2803 = arith.select %gt3A_2799, %broadcast_in_dim3A_2802, %select_n3A_2755 : vector<8x640xi1>, vector<8x640xi32>
    %get3A_2804 = arith.constant 0 : index
    %get3A_2805 = arith.constant 0 : index
    %get3A_2806 = arith.constant 58 : index
    %get3A_2807 = memref.load %arg2[%get3A_2804, %get3A_2805, %get3A_2806] : memref<1x4x64xf32, #tpu.memory_space<smem>>
    %get3A_2808 = arith.constant 0 : index
    %get3A_2809 = arith.constant 1 : index
    %get3A_2810 = arith.constant 58 : index
    %get3A_2811 = memref.load %arg2[%get3A_2808, %get3A_2809, %get3A_2810] : memref<1x4x64xf32, #tpu.memory_space<smem>>
    %get3A_2812 = arith.constant 0 : index
    %get3A_2813 = arith.constant 2 : index
    %get3A_2814 = arith.constant 58 : index
    %get3A_2815 = memref.load %arg2[%get3A_2812, %get3A_2813, %get3A_2814] : memref<1x4x64xf32, #tpu.memory_space<smem>>
    %get3A_2816 = arith.constant 0 : index
    %get3A_2817 = arith.constant 3 : index
    %get3A_2818 = arith.constant 58 : index
    %get3A_2819 = memref.load %arg2[%get3A_2816, %get3A_2817, %get3A_2818] : memref<1x4x64xf32, #tpu.memory_space<smem>>
    %sub3A_2820 = arith.subf %get3A_2815, %get3A_2807 : f32
    %sub3A_2821 = arith.subf %get3A_2819, %get3A_2811 : f32
    %mul3A_2822 = arith.mulf %sub3A_2820, %sub3A_2821 : f32
    %min3A_2823 = vector.broadcast %get3A_2815 : f32 to vector<8x640xf32>
    %min3A_2824 = arith.minimumf %min3A_2823, %get3A_16 : vector<8x640xf32>
    %max3A_2825 = vector.broadcast %get3A_2807 : f32 to vector<8x640xf32>
    %max3A_2826 = arith.maximumf %max3A_2825, %get3A_4 : vector<8x640xf32>
    %sub3A_2827 = arith.subf %min3A_2824, %max3A_2826 : vector<8x640xf32>
    %max3A_2828 = arith.constant 0.000000e+00 : f32
    %max3A_2829 = vector.broadcast %max3A_2828 : f32 to vector<8x640xf32>
    %max3A_2830 = arith.maximumf %sub3A_2827, %max3A_2829 : vector<8x640xf32>
    %min3A_2831 = vector.broadcast %get3A_2819 : f32 to vector<8x640xf32>
    %min3A_2832 = arith.minimumf %min3A_2831, %get3A_22 : vector<8x640xf32>
    %max3A_2833 = vector.broadcast %get3A_2811 : f32 to vector<8x640xf32>
    %max3A_2834 = arith.maximumf %max3A_2833, %get3A_10 : vector<8x640xf32>
    %sub3A_2835 = arith.subf %min3A_2832, %max3A_2834 : vector<8x640xf32>
    %max3A_2836 = arith.constant 0.000000e+00 : f32
    %max3A_2837 = vector.broadcast %max3A_2836 : f32 to vector<8x640xf32>
    %max3A_2838 = arith.maximumf %sub3A_2835, %max3A_2837 : vector<8x640xf32>
    %mul3A_2839 = arith.mulf %max3A_2830, %max3A_2838 : vector<8x640xf32>
    %add3A_2840 = vector.broadcast %mul3A_2822 : f32 to vector<8x640xf32>
    %add3A_2841 = arith.addf %add3A_2840, %mul3A : vector<8x640xf32>
    %sub3A_2842 = arith.subf %add3A_2841, %mul3A_2839 : vector<8x640xf32>
    %add3A_2843 = arith.constant 9.99999971E-10 : f32
    %add3A_2844 = vector.broadcast %add3A_2843 : f32 to vector<8x640xf32>
    %add3A_2845 = arith.addf %sub3A_2842, %add3A_2844 : vector<8x640xf32>
    %div3A_2846 = arith.divf %mul3A_2839, %add3A_2845 : vector<8x640xf32>
    %gt3A_2847 = arith.cmpf ogt, %div3A_2846, %select_n3A_2800 : vector<8x640xf32>
    %select_n3A_2848 = arith.select %gt3A_2847, %div3A_2846, %select_n3A_2800 : vector<8x640xi1>, vector<8x640xf32>
    %jit3A_2849 = arith.constant 58 : i32
    %broadcast_in_dim3A_2850 = vector.broadcast %jit3A_2849 : i32 to vector<8x640xi32>
    %select_n3A_2851 = arith.select %gt3A_2847, %broadcast_in_dim3A_2850, %select_n3A_2803 : vector<8x640xi1>, vector<8x640xi32>
    %get3A_2852 = arith.constant 0 : index
    %get3A_2853 = arith.constant 0 : index
    %get3A_2854 = arith.constant 59 : index
    %get3A_2855 = memref.load %arg2[%get3A_2852, %get3A_2853, %get3A_2854] : memref<1x4x64xf32, #tpu.memory_space<smem>>
    %get3A_2856 = arith.constant 0 : index
    %get3A_2857 = arith.constant 1 : index
    %get3A_2858 = arith.constant 59 : index
    %get3A_2859 = memref.load %arg2[%get3A_2856, %get3A_2857, %get3A_2858] : memref<1x4x64xf32, #tpu.memory_space<smem>>
    %get3A_2860 = arith.constant 0 : index
    %get3A_2861 = arith.constant 2 : index
    %get3A_2862 = arith.constant 59 : index
    %get3A_2863 = memref.load %arg2[%get3A_2860, %get3A_2861, %get3A_2862] : memref<1x4x64xf32, #tpu.memory_space<smem>>
    %get3A_2864 = arith.constant 0 : index
    %get3A_2865 = arith.constant 3 : index
    %get3A_2866 = arith.constant 59 : index
    %get3A_2867 = memref.load %arg2[%get3A_2864, %get3A_2865, %get3A_2866] : memref<1x4x64xf32, #tpu.memory_space<smem>>
    %sub3A_2868 = arith.subf %get3A_2863, %get3A_2855 : f32
    %sub3A_2869 = arith.subf %get3A_2867, %get3A_2859 : f32
    %mul3A_2870 = arith.mulf %sub3A_2868, %sub3A_2869 : f32
    %min3A_2871 = vector.broadcast %get3A_2863 : f32 to vector<8x640xf32>
    %min3A_2872 = arith.minimumf %min3A_2871, %get3A_16 : vector<8x640xf32>
    %max3A_2873 = vector.broadcast %get3A_2855 : f32 to vector<8x640xf32>
    %max3A_2874 = arith.maximumf %max3A_2873, %get3A_4 : vector<8x640xf32>
    %sub3A_2875 = arith.subf %min3A_2872, %max3A_2874 : vector<8x640xf32>
    %max3A_2876 = arith.constant 0.000000e+00 : f32
    %max3A_2877 = vector.broadcast %max3A_2876 : f32 to vector<8x640xf32>
    %max3A_2878 = arith.maximumf %sub3A_2875, %max3A_2877 : vector<8x640xf32>
    %min3A_2879 = vector.broadcast %get3A_2867 : f32 to vector<8x640xf32>
    %min3A_2880 = arith.minimumf %min3A_2879, %get3A_22 : vector<8x640xf32>
    %max3A_2881 = vector.broadcast %get3A_2859 : f32 to vector<8x640xf32>
    %max3A_2882 = arith.maximumf %max3A_2881, %get3A_10 : vector<8x640xf32>
    %sub3A_2883 = arith.subf %min3A_2880, %max3A_2882 : vector<8x640xf32>
    %max3A_2884 = arith.constant 0.000000e+00 : f32
    %max3A_2885 = vector.broadcast %max3A_2884 : f32 to vector<8x640xf32>
    %max3A_2886 = arith.maximumf %sub3A_2883, %max3A_2885 : vector<8x640xf32>
    %mul3A_2887 = arith.mulf %max3A_2878, %max3A_2886 : vector<8x640xf32>
    %add3A_2888 = vector.broadcast %mul3A_2870 : f32 to vector<8x640xf32>
    %add3A_2889 = arith.addf %add3A_2888, %mul3A : vector<8x640xf32>
    %sub3A_2890 = arith.subf %add3A_2889, %mul3A_2887 : vector<8x640xf32>
    %add3A_2891 = arith.constant 9.99999971E-10 : f32
    %add3A_2892 = vector.broadcast %add3A_2891 : f32 to vector<8x640xf32>
    %add3A_2893 = arith.addf %sub3A_2890, %add3A_2892 : vector<8x640xf32>
    %div3A_2894 = arith.divf %mul3A_2887, %add3A_2893 : vector<8x640xf32>
    %gt3A_2895 = arith.cmpf ogt, %div3A_2894, %select_n3A_2848 : vector<8x640xf32>
    %select_n3A_2896 = arith.select %gt3A_2895, %div3A_2894, %select_n3A_2848 : vector<8x640xi1>, vector<8x640xf32>
    %jit3A_2897 = arith.constant 59 : i32
    %broadcast_in_dim3A_2898 = vector.broadcast %jit3A_2897 : i32 to vector<8x640xi32>
    %select_n3A_2899 = arith.select %gt3A_2895, %broadcast_in_dim3A_2898, %select_n3A_2851 : vector<8x640xi1>, vector<8x640xi32>
    %get3A_2900 = arith.constant 0 : index
    %get3A_2901 = arith.constant 0 : index
    %get3A_2902 = arith.constant 60 : index
    %get3A_2903 = memref.load %arg2[%get3A_2900, %get3A_2901, %get3A_2902] : memref<1x4x64xf32, #tpu.memory_space<smem>>
    %get3A_2904 = arith.constant 0 : index
    %get3A_2905 = arith.constant 1 : index
    %get3A_2906 = arith.constant 60 : index
    %get3A_2907 = memref.load %arg2[%get3A_2904, %get3A_2905, %get3A_2906] : memref<1x4x64xf32, #tpu.memory_space<smem>>
    %get3A_2908 = arith.constant 0 : index
    %get3A_2909 = arith.constant 2 : index
    %get3A_2910 = arith.constant 60 : index
    %get3A_2911 = memref.load %arg2[%get3A_2908, %get3A_2909, %get3A_2910] : memref<1x4x64xf32, #tpu.memory_space<smem>>
    %get3A_2912 = arith.constant 0 : index
    %get3A_2913 = arith.constant 3 : index
    %get3A_2914 = arith.constant 60 : index
    %get3A_2915 = memref.load %arg2[%get3A_2912, %get3A_2913, %get3A_2914] : memref<1x4x64xf32, #tpu.memory_space<smem>>
    %sub3A_2916 = arith.subf %get3A_2911, %get3A_2903 : f32
    %sub3A_2917 = arith.subf %get3A_2915, %get3A_2907 : f32
    %mul3A_2918 = arith.mulf %sub3A_2916, %sub3A_2917 : f32
    %min3A_2919 = vector.broadcast %get3A_2911 : f32 to vector<8x640xf32>
    %min3A_2920 = arith.minimumf %min3A_2919, %get3A_16 : vector<8x640xf32>
    %max3A_2921 = vector.broadcast %get3A_2903 : f32 to vector<8x640xf32>
    %max3A_2922 = arith.maximumf %max3A_2921, %get3A_4 : vector<8x640xf32>
    %sub3A_2923 = arith.subf %min3A_2920, %max3A_2922 : vector<8x640xf32>
    %max3A_2924 = arith.constant 0.000000e+00 : f32
    %max3A_2925 = vector.broadcast %max3A_2924 : f32 to vector<8x640xf32>
    %max3A_2926 = arith.maximumf %sub3A_2923, %max3A_2925 : vector<8x640xf32>
    %min3A_2927 = vector.broadcast %get3A_2915 : f32 to vector<8x640xf32>
    %min3A_2928 = arith.minimumf %min3A_2927, %get3A_22 : vector<8x640xf32>
    %max3A_2929 = vector.broadcast %get3A_2907 : f32 to vector<8x640xf32>
    %max3A_2930 = arith.maximumf %max3A_2929, %get3A_10 : vector<8x640xf32>
    %sub3A_2931 = arith.subf %min3A_2928, %max3A_2930 : vector<8x640xf32>
    %max3A_2932 = arith.constant 0.000000e+00 : f32
    %max3A_2933 = vector.broadcast %max3A_2932 : f32 to vector<8x640xf32>
    %max3A_2934 = arith.maximumf %sub3A_2931, %max3A_2933 : vector<8x640xf32>
    %mul3A_2935 = arith.mulf %max3A_2926, %max3A_2934 : vector<8x640xf32>
    %add3A_2936 = vector.broadcast %mul3A_2918 : f32 to vector<8x640xf32>
    %add3A_2937 = arith.addf %add3A_2936, %mul3A : vector<8x640xf32>
    %sub3A_2938 = arith.subf %add3A_2937, %mul3A_2935 : vector<8x640xf32>
    %add3A_2939 = arith.constant 9.99999971E-10 : f32
    %add3A_2940 = vector.broadcast %add3A_2939 : f32 to vector<8x640xf32>
    %add3A_2941 = arith.addf %sub3A_2938, %add3A_2940 : vector<8x640xf32>
    %div3A_2942 = arith.divf %mul3A_2935, %add3A_2941 : vector<8x640xf32>
    %gt3A_2943 = arith.cmpf ogt, %div3A_2942, %select_n3A_2896 : vector<8x640xf32>
    %select_n3A_2944 = arith.select %gt3A_2943, %div3A_2942, %select_n3A_2896 : vector<8x640xi1>, vector<8x640xf32>
    %jit3A_2945 = arith.constant 60 : i32
    %broadcast_in_dim3A_2946 = vector.broadcast %jit3A_2945 : i32 to vector<8x640xi32>
    %select_n3A_2947 = arith.select %gt3A_2943, %broadcast_in_dim3A_2946, %select_n3A_2899 : vector<8x640xi1>, vector<8x640xi32>
    %get3A_2948 = arith.constant 0 : index
    %get3A_2949 = arith.constant 0 : index
    %get3A_2950 = arith.constant 61 : index
    %get3A_2951 = memref.load %arg2[%get3A_2948, %get3A_2949, %get3A_2950] : memref<1x4x64xf32, #tpu.memory_space<smem>>
    %get3A_2952 = arith.constant 0 : index
    %get3A_2953 = arith.constant 1 : index
    %get3A_2954 = arith.constant 61 : index
    %get3A_2955 = memref.load %arg2[%get3A_2952, %get3A_2953, %get3A_2954] : memref<1x4x64xf32, #tpu.memory_space<smem>>
    %get3A_2956 = arith.constant 0 : index
    %get3A_2957 = arith.constant 2 : index
    %get3A_2958 = arith.constant 61 : index
    %get3A_2959 = memref.load %arg2[%get3A_2956, %get3A_2957, %get3A_2958] : memref<1x4x64xf32, #tpu.memory_space<smem>>
    %get3A_2960 = arith.constant 0 : index
    %get3A_2961 = arith.constant 3 : index
    %get3A_2962 = arith.constant 61 : index
    %get3A_2963 = memref.load %arg2[%get3A_2960, %get3A_2961, %get3A_2962] : memref<1x4x64xf32, #tpu.memory_space<smem>>
    %sub3A_2964 = arith.subf %get3A_2959, %get3A_2951 : f32
    %sub3A_2965 = arith.subf %get3A_2963, %get3A_2955 : f32
    %mul3A_2966 = arith.mulf %sub3A_2964, %sub3A_2965 : f32
    %min3A_2967 = vector.broadcast %get3A_2959 : f32 to vector<8x640xf32>
    %min3A_2968 = arith.minimumf %min3A_2967, %get3A_16 : vector<8x640xf32>
    %max3A_2969 = vector.broadcast %get3A_2951 : f32 to vector<8x640xf32>
    %max3A_2970 = arith.maximumf %max3A_2969, %get3A_4 : vector<8x640xf32>
    %sub3A_2971 = arith.subf %min3A_2968, %max3A_2970 : vector<8x640xf32>
    %max3A_2972 = arith.constant 0.000000e+00 : f32
    %max3A_2973 = vector.broadcast %max3A_2972 : f32 to vector<8x640xf32>
    %max3A_2974 = arith.maximumf %sub3A_2971, %max3A_2973 : vector<8x640xf32>
    %min3A_2975 = vector.broadcast %get3A_2963 : f32 to vector<8x640xf32>
    %min3A_2976 = arith.minimumf %min3A_2975, %get3A_22 : vector<8x640xf32>
    %max3A_2977 = vector.broadcast %get3A_2955 : f32 to vector<8x640xf32>
    %max3A_2978 = arith.maximumf %max3A_2977, %get3A_10 : vector<8x640xf32>
    %sub3A_2979 = arith.subf %min3A_2976, %max3A_2978 : vector<8x640xf32>
    %max3A_2980 = arith.constant 0.000000e+00 : f32
    %max3A_2981 = vector.broadcast %max3A_2980 : f32 to vector<8x640xf32>
    %max3A_2982 = arith.maximumf %sub3A_2979, %max3A_2981 : vector<8x640xf32>
    %mul3A_2983 = arith.mulf %max3A_2974, %max3A_2982 : vector<8x640xf32>
    %add3A_2984 = vector.broadcast %mul3A_2966 : f32 to vector<8x640xf32>
    %add3A_2985 = arith.addf %add3A_2984, %mul3A : vector<8x640xf32>
    %sub3A_2986 = arith.subf %add3A_2985, %mul3A_2983 : vector<8x640xf32>
    %add3A_2987 = arith.constant 9.99999971E-10 : f32
    %add3A_2988 = vector.broadcast %add3A_2987 : f32 to vector<8x640xf32>
    %add3A_2989 = arith.addf %sub3A_2986, %add3A_2988 : vector<8x640xf32>
    %div3A_2990 = arith.divf %mul3A_2983, %add3A_2989 : vector<8x640xf32>
    %gt3A_2991 = arith.cmpf ogt, %div3A_2990, %select_n3A_2944 : vector<8x640xf32>
    %select_n3A_2992 = arith.select %gt3A_2991, %div3A_2990, %select_n3A_2944 : vector<8x640xi1>, vector<8x640xf32>
    %jit3A_2993 = arith.constant 61 : i32
    %broadcast_in_dim3A_2994 = vector.broadcast %jit3A_2993 : i32 to vector<8x640xi32>
    %select_n3A_2995 = arith.select %gt3A_2991, %broadcast_in_dim3A_2994, %select_n3A_2947 : vector<8x640xi1>, vector<8x640xi32>
    %get3A_2996 = arith.constant 0 : index
    %get3A_2997 = arith.constant 0 : index
    %get3A_2998 = arith.constant 62 : index
    %get3A_2999 = memref.load %arg2[%get3A_2996, %get3A_2997, %get3A_2998] : memref<1x4x64xf32, #tpu.memory_space<smem>>
    %get3A_3000 = arith.constant 0 : index
    %get3A_3001 = arith.constant 1 : index
    %get3A_3002 = arith.constant 62 : index
    %get3A_3003 = memref.load %arg2[%get3A_3000, %get3A_3001, %get3A_3002] : memref<1x4x64xf32, #tpu.memory_space<smem>>
    %get3A_3004 = arith.constant 0 : index
    %get3A_3005 = arith.constant 2 : index
    %get3A_3006 = arith.constant 62 : index
    %get3A_3007 = memref.load %arg2[%get3A_3004, %get3A_3005, %get3A_3006] : memref<1x4x64xf32, #tpu.memory_space<smem>>
    %get3A_3008 = arith.constant 0 : index
    %get3A_3009 = arith.constant 3 : index
    %get3A_3010 = arith.constant 62 : index
    %get3A_3011 = memref.load %arg2[%get3A_3008, %get3A_3009, %get3A_3010] : memref<1x4x64xf32, #tpu.memory_space<smem>>
    %sub3A_3012 = arith.subf %get3A_3007, %get3A_2999 : f32
    %sub3A_3013 = arith.subf %get3A_3011, %get3A_3003 : f32
    %mul3A_3014 = arith.mulf %sub3A_3012, %sub3A_3013 : f32
    %min3A_3015 = vector.broadcast %get3A_3007 : f32 to vector<8x640xf32>
    %min3A_3016 = arith.minimumf %min3A_3015, %get3A_16 : vector<8x640xf32>
    %max3A_3017 = vector.broadcast %get3A_2999 : f32 to vector<8x640xf32>
    %max3A_3018 = arith.maximumf %max3A_3017, %get3A_4 : vector<8x640xf32>
    %sub3A_3019 = arith.subf %min3A_3016, %max3A_3018 : vector<8x640xf32>
    %max3A_3020 = arith.constant 0.000000e+00 : f32
    %max3A_3021 = vector.broadcast %max3A_3020 : f32 to vector<8x640xf32>
    %max3A_3022 = arith.maximumf %sub3A_3019, %max3A_3021 : vector<8x640xf32>
    %min3A_3023 = vector.broadcast %get3A_3011 : f32 to vector<8x640xf32>
    %min3A_3024 = arith.minimumf %min3A_3023, %get3A_22 : vector<8x640xf32>
    %max3A_3025 = vector.broadcast %get3A_3003 : f32 to vector<8x640xf32>
    %max3A_3026 = arith.maximumf %max3A_3025, %get3A_10 : vector<8x640xf32>
    %sub3A_3027 = arith.subf %min3A_3024, %max3A_3026 : vector<8x640xf32>
    %max3A_3028 = arith.constant 0.000000e+00 : f32
    %max3A_3029 = vector.broadcast %max3A_3028 : f32 to vector<8x640xf32>
    %max3A_3030 = arith.maximumf %sub3A_3027, %max3A_3029 : vector<8x640xf32>
    %mul3A_3031 = arith.mulf %max3A_3022, %max3A_3030 : vector<8x640xf32>
    %add3A_3032 = vector.broadcast %mul3A_3014 : f32 to vector<8x640xf32>
    %add3A_3033 = arith.addf %add3A_3032, %mul3A : vector<8x640xf32>
    %sub3A_3034 = arith.subf %add3A_3033, %mul3A_3031 : vector<8x640xf32>
    %add3A_3035 = arith.constant 9.99999971E-10 : f32
    %add3A_3036 = vector.broadcast %add3A_3035 : f32 to vector<8x640xf32>
    %add3A_3037 = arith.addf %sub3A_3034, %add3A_3036 : vector<8x640xf32>
    %div3A_3038 = arith.divf %mul3A_3031, %add3A_3037 : vector<8x640xf32>
    %gt3A_3039 = arith.cmpf ogt, %div3A_3038, %select_n3A_2992 : vector<8x640xf32>
    %select_n3A_3040 = arith.select %gt3A_3039, %div3A_3038, %select_n3A_2992 : vector<8x640xi1>, vector<8x640xf32>
    %jit3A_3041 = arith.constant 62 : i32
    %broadcast_in_dim3A_3042 = vector.broadcast %jit3A_3041 : i32 to vector<8x640xi32>
    %select_n3A_3043 = arith.select %gt3A_3039, %broadcast_in_dim3A_3042, %select_n3A_2995 : vector<8x640xi1>, vector<8x640xi32>
    %get3A_3044 = arith.constant 0 : index
    %get3A_3045 = arith.constant 0 : index
    %get3A_3046 = arith.constant 63 : index
    %get3A_3047 = memref.load %arg2[%get3A_3044, %get3A_3045, %get3A_3046] : memref<1x4x64xf32, #tpu.memory_space<smem>>
    %get3A_3048 = arith.constant 0 : index
    %get3A_3049 = arith.constant 1 : index
    %get3A_3050 = arith.constant 63 : index
    %get3A_3051 = memref.load %arg2[%get3A_3048, %get3A_3049, %get3A_3050] : memref<1x4x64xf32, #tpu.memory_space<smem>>
    %get3A_3052 = arith.constant 0 : index
    %get3A_3053 = arith.constant 2 : index
    %get3A_3054 = arith.constant 63 : index
    %get3A_3055 = memref.load %arg2[%get3A_3052, %get3A_3053, %get3A_3054] : memref<1x4x64xf32, #tpu.memory_space<smem>>
    %get3A_3056 = arith.constant 0 : index
    %get3A_3057 = arith.constant 3 : index
    %get3A_3058 = arith.constant 63 : index
    %get3A_3059 = memref.load %arg2[%get3A_3056, %get3A_3057, %get3A_3058] : memref<1x4x64xf32, #tpu.memory_space<smem>>
    %sub3A_3060 = arith.subf %get3A_3055, %get3A_3047 : f32
    %sub3A_3061 = arith.subf %get3A_3059, %get3A_3051 : f32
    %mul3A_3062 = arith.mulf %sub3A_3060, %sub3A_3061 : f32
    %min3A_3063 = vector.broadcast %get3A_3055 : f32 to vector<8x640xf32>
    %min3A_3064 = arith.minimumf %min3A_3063, %get3A_16 : vector<8x640xf32>
    %max3A_3065 = vector.broadcast %get3A_3047 : f32 to vector<8x640xf32>
    %max3A_3066 = arith.maximumf %max3A_3065, %get3A_4 : vector<8x640xf32>
    %sub3A_3067 = arith.subf %min3A_3064, %max3A_3066 : vector<8x640xf32>
    %max3A_3068 = arith.constant 0.000000e+00 : f32
    %max3A_3069 = vector.broadcast %max3A_3068 : f32 to vector<8x640xf32>
    %max3A_3070 = arith.maximumf %sub3A_3067, %max3A_3069 : vector<8x640xf32>
    %min3A_3071 = vector.broadcast %get3A_3059 : f32 to vector<8x640xf32>
    %min3A_3072 = arith.minimumf %min3A_3071, %get3A_22 : vector<8x640xf32>
    %max3A_3073 = vector.broadcast %get3A_3051 : f32 to vector<8x640xf32>
    %max3A_3074 = arith.maximumf %max3A_3073, %get3A_10 : vector<8x640xf32>
    %sub3A_3075 = arith.subf %min3A_3072, %max3A_3074 : vector<8x640xf32>
    %max3A_3076 = arith.constant 0.000000e+00 : f32
    %max3A_3077 = vector.broadcast %max3A_3076 : f32 to vector<8x640xf32>
    %max3A_3078 = arith.maximumf %sub3A_3075, %max3A_3077 : vector<8x640xf32>
    %mul3A_3079 = arith.mulf %max3A_3070, %max3A_3078 : vector<8x640xf32>
    %add3A_3080 = vector.broadcast %mul3A_3062 : f32 to vector<8x640xf32>
    %add3A_3081 = arith.addf %add3A_3080, %mul3A : vector<8x640xf32>
    %sub3A_3082 = arith.subf %add3A_3081, %mul3A_3079 : vector<8x640xf32>
    %add3A_3083 = arith.constant 9.99999971E-10 : f32
    %add3A_3084 = vector.broadcast %add3A_3083 : f32 to vector<8x640xf32>
    %add3A_3085 = arith.addf %sub3A_3082, %add3A_3084 : vector<8x640xf32>
    %div3A_3086 = arith.divf %mul3A_3079, %add3A_3085 : vector<8x640xf32>
    %gt3A_3087 = arith.cmpf ogt, %div3A_3086, %select_n3A_3040 : vector<8x640xf32>
    %select_n3A_3088 = arith.select %gt3A_3087, %div3A_3086, %select_n3A_3040 : vector<8x640xi1>, vector<8x640xf32>
    %jit3A_3089 = arith.constant 63 : i32
    %broadcast_in_dim3A_3090 = vector.broadcast %jit3A_3089 : i32 to vector<8x640xi32>
    %select_n3A_3091 = arith.select %gt3A_3087, %broadcast_in_dim3A_3090, %select_n3A_3043 : vector<8x640xi1>, vector<8x640xi32>
    %bitcast_convert_type3A = tpu.bitcast %select_n3A_3088 : vector<8x640xf32> -> vector<8x640xi32>
    %swap3A = arith.constant 0 : index
    %swap3A_3092 = arith.constant 0 : index
    %swap3A_3093 = arith.constant 0 : index
    %swap3A_3094 = arith.constant 0 : index
    %swap3A_3095 = vector.load %arg3[%swap3A, %swap3A_3092, %swap3A_3093, %swap3A_3094] : memref<1x2x8x640xi32, #tpu.memory_space<vmem>>, vector<1x1x8x640xi32>
    %swap3A_3096 = vector.shape_cast %swap3A_3095 : vector<1x1x8x640xi32> to vector<8x640xi32>
    %swap3A_3097 = vector.shape_cast %bitcast_convert_type3A : vector<8x640xi32> to vector<1x1x8x640xi32>
    tpu.vector_store %arg3[%swap3A, %swap3A_3092, %swap3A_3093, %swap3A_3094], %swap3A_3097 {strides = array<i32>} : memref<1x2x8x640xi32, #tpu.memory_space<vmem>>, vector<1x1x8x640xi32>,
    %swap3A_3098 = arith.constant 0 : index
    %swap3A_3099 = arith.constant 1 : index
    %swap3A_3100 = arith.constant 0 : index
    %swap3A_3101 = arith.constant 0 : index
    %swap3A_3102 = vector.load %arg3[%swap3A_3098, %swap3A_3099, %swap3A_3100, %swap3A_3101] : memref<1x2x8x640xi32, #tpu.memory_space<vmem>>, vector<1x1x8x640xi32>
    %swap3A_3103 = vector.shape_cast %swap3A_3102 : vector<1x1x8x640xi32> to vector<8x640xi32>
    %swap3A_3104 = vector.shape_cast %select_n3A_3091 : vector<8x640xi32> to vector<1x1x8x640xi32>
    tpu.vector_store %arg3[%swap3A_3098, %swap3A_3099, %swap3A_3100, %swap3A_3101], %swap3A_3104 {strides = array<i32>} : memref<1x2x8x640xi32, #tpu.memory_space<vmem>>, vector<1x1x8x640xi32>,
    return
  }
  func.func @transform_0(%arg0: i32) -> (i32, i32, i32, i32) {
    %c0_i32 = arith.constant 0 : i32
    %c0_i32_0 = arith.constant 0 : i32
    %c0_i32_1 = arith.constant 0 : i32
    %c0_i32_2 = arith.constant 0 : i32
    return %arg0, %c0_i32, %c0_i32_0, %c0_i32_1 : i32, i32, i32, i32
  }
  func.func @transform_1(%arg0: i32) -> (i32, i32, i32) {
    %c0_i32 = arith.constant 0 : i32
    %c0_i32_0 = arith.constant 0 : i32
    %c0_i32_1 = arith.constant 0 : i32
    return %arg0, %c0_i32, %c0_i32_0 : i32, i32, i32
  }
  func.func @transform_2(%arg0: i32) -> (i32, i32, i32, i32) {
    %c0_i32 = arith.constant 0 : i32
    %c0_i32_0 = arith.constant 0 : i32
    %c0_i32_1 = arith.constant 0 : i32
    %c0_i32_2 = arith.constant 0 : i32
    return %arg0, %c0_i32, %c0_i32_0, %c0_i32_1 : i32, i32, i32, i32
  }
}

</mosaic_0001>

<sc_bundles>
// kernel: kernel.4.cloned.1.call-start
scs
__scs_entry_jumppad:
0x0: {  	(pc) =	sbr.rel $0x88, $3  }
0x1: {  	(tag) =	ssettag $0x0;
	lr =	simm.s32 $0x1  }
0x2: {  	[smem:$0x3F9E] =	sst lr;
	_ =	strace $0xD0000000  }
0x3: {  	_ = 	snop  }
0x4: {  	_ = 	snop  }
0x5: {  	_ = 	snop  }
0x6: {  	_ = 	snop  }
0x7: {  	_ = 	snop  }
__scs_overlays_trampoline_lowered:
0x8: {  	[smem:$0x3FAD] =	sst s0  }
0x9: {  	[smem:$0x3FAE] =	sst s1  }
0xa: {  	[smem:$0x3FAF] =	sst s2  }
0xb: {  	[smem:$0x3FB0] =	sst s3  }
0xc: {  	[smem:$0x3FB1] =	sst s4  }
0xd: {  	[smem:$0x3FB2] =	sst s5  }
0xe: {  	[smem:$0x3FB3] =	sst s6  }
0xf: {  	[smem:$0x3FB4] =	sst s7  }
0x10: {  	[smem:$0x3FB5] =	sst s8  }
0x11: {  	[smem:$0x3FB6] =	sst s9;
	s0 =	simm.s32 @!p0 $0x0  }
0x12: {  	s1 =	sld [smem:$0x3F9C];
	s0 =	simm.s32 @p0 $0x1  }
0x13: {  	[smem:$0x3FB7] =	sst s0;
	s0 =	simm.s32 @!p1 $0x0  }
0x14: {  	s2 =	sld [smem:$0x3F9B];
	s0 =	simm.s32 @p1 $0x1  }
0x15: {  	[smem:$0x3FB8] =	sst s0;
	s0 =	simm.s32 @!p2 $0x0  }
0x16: {  	s3 =	sld [smem:$0x3FDB];
	s0 =	simm.s32 @p2 $0x1  }
0x17: {  	s4 =	simm.s32 $0x1BF5;
	[smem:$0x3FBA] =	sst s0  }
0x18: {  	s0 =	sld [smem:$0x3F9D];
	_ =	swait.ge [sflag:s4], $0x0  }
0x19: {  	s7 =	sld [smem:$0x3F9E]  }
0x1a: {  	s8 =	sadd.s32 $0xFFFFE003, lr  }
0x1b: {  	s9 =	sadd.s32 $0xFFFFFEF7, lr;
	s5 =	simm.s32 $0xFFFFFFFF;
	p2 =	slt.u32 s8, $0xFFFFF086  }
0x1c: {  	p1 =	slt.u32 s9, $0xF7A;
	s5 =	simm.s32 @!p2 $0x0  }
0x1d: {  	s5 =	simm.s32 @p1 $0x1;
	p0 =	seq.s32 s7, s2  }
0x1e: {  	s7 =	smul.u32 @!p0 $0xF7A, s2;
	p2 =	seq.s32 @!p0 s5, $0x0  }
0x1f: {  	s9 =	smul.u32 $0xF7A, s1;
	s8 =	simm.s32 @!p0 $0x1BF5;
	p2 =	por !p2, p0  }
0x20: {  	[sflag:s8] =	ssyncset.s32 @!p0 $0xFFFFF086;
	s6 =	sadd.s32 @!p0 s3, s7;
	s7 =	simm.s32 @!p0 $0x108  }
0x21: {  	s3 =	sadd.s32 s3, s9;
	s6 =	sadd.s32 @!p0 $0x88, s6;
	s7 =	simm.s32 @p2 $0x1082  }
0x22: {  	[simem:s7], [sflag:s8] =	dma.local @!p0 [hbm:s6], $0xF7A  }
0x23: {  	s9 =	sor.u32 $0xD0000000, s2;
	s6 =	simm.s32 $0x108;
	_ =	swait.ge @!p0 [sflag:s8], $0x0  }
0x24: {  	s3 =	sadd.s32 $0x88, s3;
	s6 =	simm.s32 @!p1 $0x1082;
	[sflag:s4] =	ssyncset.s32 $0xFFFFF086  }
0x25: {  	[simem:s6], [sflag:s4] =	dma.local [hbm:s3], $0xF7A  }
0x26: {  	[smem:$0x3F9E] =	sst s1;
	(tag) =	ssettag s2;
	_ =	strace s9  }
0x27: {  	s1 =	sld [smem:$0x3FAE]  }
0x28: {  	s2 =	sld [smem:$0x3FAF]  }
0x29: {  	s4 =	sld [smem:$0x3FB1]  }
0x2a: {  	p0 =	seq.s32 s5, $0x0;
	s5 =	sld [smem:$0x3FB2]  }
0x2b: {  	s6 =	sld [smem:$0x3FB3]  }
0x2c: {  	s7 =	sld [smem:$0x3FB4]  }
0x2d: {  	s3 =	simm.s32 $0x108;
	s8 =	sld [smem:$0x3FB5]  }
0x2e: {  	s3 =	simm.s32 @!p0 $0x1082;
	s9 =	sld [smem:$0x3FB6]  }
0x2f: {  	lr =	sadd.s32 s0, s3;
	s0 =	sld [smem:$0x3FAD]  }
0x30: {  	s3 =	sld [smem:$0x3FB0]  }
0x31: {  	[smem:$0x3FB9] =	sst s10  }
0x32: {  	s10 =	sld [smem:$0x3FB7];
	_ =	sdelay $0x3  }
0x33: {  	p0 =	seq.s32 s10, $0x1;
	s10 =	sld [smem:$0x3FB9];
	_ =	sdelay $0x3  }
0x34: {  	[smem:$0x3FB9] =	sst s10  }
0x35: {  	s10 =	sld [smem:$0x3FB8];
	_ =	sdelay $0x3  }
0x36: {  	p1 =	seq.s32 s10, $0x1;
	s10 =	sld [smem:$0x3FB9];
	_ =	sdelay $0x3  }
0x37: {  	[smem:$0x3FB9] =	sst s10  }
0x38: {  	s10 =	sld [smem:$0x3FBA]  }
0x39: {  	_ = 	snop;
	(pc) =	sbr.ind lr, $3  }
0x3a: {  	_ = 	snop  }
0x3b: {  	_ = 	snop  }
0x3c: {  	p2 =	seq.s32 s10, $0x1;
	s10 =	sld [smem:$0x3FB9]  }
0x3d: {  	_ =	shalt  }
0x3e: {  	_ =	shalt  }
0x3f: {  	_ =	shalt  }
0x40: {  	_ =	shalt  }
0x41: {  	_ =	shalt  }
0x42: {  	_ =	shalt  }
0x43: {  	_ =	shalt  }
0x44: {  	_ =	shalt  }
0x45: {  	_ =	shalt  }
0x46: {  	_ =	shalt  }
0x47: {  	_ =	shalt  }
0x48: {  	_ =	shalt  }
0x49: {  	_ =	shalt  }
0x4a: {  	_ =	shalt  }
0x4b: {  	_ =	shalt  }
0x4c: {  	_ =	shalt  }
0x4d: {  	_ =	shalt  }
0x4e: {  	_ =	shalt  }
0x4f: {  	_ =	shalt  }
0x50: {  	_ =	shalt  }
0x51: {  	_ =	shalt  }
0x52: {  	_ =	shalt  }
0x53: {  	_ =	shalt  }
0x54: {  	_ =	shalt  }
0x55: {  	_ =	shalt  }
0x56: {  	_ =	shalt  }
0x57: {  	_ =	shalt  }
0x58: {  	_ =	shalt  }
0x59: {  	_ =	shalt  }
0x5a: {  	_ =	shalt  }
0x5b: {  	_ =	shalt  }
0x5c: {  	_ =	shalt  }
0x5d: {  	_ =	shalt  }
0x5e: {  	_ =	shalt  }
0x5f: {  	_ =	shalt  }
0x60: {  	_ =	shalt  }
0x61: {  	_ =	shalt  }
0x62: {  	_ =	shalt  }
0x63: {  	_ =	shalt  }
0x64: {  	_ =	shalt  }
0x65: {  	_ =	shalt  }
0x66: {  	_ =	shalt  }
0x67: {  	_ =	shalt  }
0x68: {  	_ =	shalt  }
0x69: {  	_ =	shalt  }
0x6a: {  	_ =	shalt  }
0x6b: {  	_ =	shalt  }
0x6c: {  	_ =	shalt  }
0x6d: {  	_ =	shalt  }
0x6e: {  	_ =	shalt  }
0x6f: {  	_ =	shalt  }
0x70: {  	_ =	shalt  }
0x71: {  	_ =	shalt  }
0x72: {  	_ =	shalt  }
0x73: {  	_ =	shalt  }
0x74: {  	_ =	shalt  }
0x75: {  	_ =	shalt  }
0x76: {  	_ =	shalt  }
0x77: {  	_ =	shalt  }
0x78: {  	_ =	shalt  }
0x79: {  	_ =	shalt  }
0x7a: {  	_ =	shalt  }
0x7b: {  	_ =	shalt  }
0x7c: {  	_ =	shalt  }
0x7d: {  	_ =	shalt  }
0x7e: {  	_ =	shalt  }
0x7f: {  	_ =	shalt  }
0x80: {  	_ =	shalt  }
0x81: {  	_ =	shalt  }
0x82: {  	_ =	shalt  }
0x83: {  	_ =	shalt  }
0x84: {  	_ =	shalt  }
0x85: {  	_ =	shalt  }
0x86: {  	_ =	shalt  }
0x87: {  	_ =	shalt  }
.Lfunc_end0:
.L_simem_size_0:
called_computation_lowered:
.L_overlay_start_0:
0x88: {  	s2 =	sld [smem:$0x3FD9]  }
0x89: {  	s3 =	sld [smem:$0x3FFE];
	_ =	sdelay $0x1  }
0x8a: {  	s1 =	srdreg.scid  }
0x8b: {  	s0 =	sand.u32 $0x1, s1  }
0x8c: {  	s14 =	sshll.u32 s0, $0xA;
	s2 =	sadd.s32 s3, s2  }
0x8d: {  	s2 =	sadd.s32 s2, s14  }
0x8e: {  	[smem:$0x3FC5] =	sst s2  }
0x8f: {  	_ = 	snop  }
0x90: {  	s2 =	sld [smem:$0x3FD0];
	_ =	sdelay $0x2  }
0x91: {  	s15 =	simm.s32 $0xA;
	s4 =	simm.s32 $0x10  }
0x92: {  	[smem:s4], [sflag:s15] =	dma.local [hbm:s2], $0x1  }
0x93: {  	_ =	swait.eq [sflag:s15], $0x1  }
0x94: {  	s16 =	sld [smem:$0x10];
	[sflag:s15] =	ssyncset.done $0x0  }
0x95: {  	s17 =	sld [smem:$0x11];
	[sflag:s15] =	ssyncadd.s32 $0xFFFFFFFF  }
0x96: {  	s18 =	sld [smem:$0x12];
	(tm) =	ssettm $0x1  }
0x97: {  	s5 =	sld [smem:$0x3FFB];
	_ =	sdelay $0x3  }
0x98: {  	_ =	strace s5  }
0x99: {  	s5 =	sld [smem:$0x3FFC];
	_ =	sdelay $0x3  }
0x9a: {  	_ =	strace s5  }
0x9b: {  	s5 =	sld [smem:$0x3FFD];
	_ =	sdelay $0x3  }
0x9c: {  	_ =	strace s5  }
0x9d: {  	_ =	strace $0x8FFFFFFF  }
0x9e: {  	s19 =	sld [smem:$0x3FDB];
	_ =	sdelay $0x1  }
0x9f: {  	s6 =	simm.s32 $_scs_section_size  }
0xa0: {  	s7 =	simm.s32 $_size__tile_overlayer_lowered;
	s8 =	simm.s32 $_tile_overlayer_lowered  }
0xa1: {  	s22 =	simm.s32 $0x1BFF;
	s21 =	sshll.u32 s8, $0x1;
	s5 =	sadd.s32 s6, s19  }
0xa2: {  	s9 =	simm.s32 $0x0;
	s20 =	sshll.u32 s7, $0x1;
	s7 =	sadd.s32 s21, s5  }
0xa3: {  	[timem:s9], [sflag:s22] =	dma.local [hbm:s7], s20  }
0xa4: {  	_ =	swait.ge [sflag:s22], s20  }
0xa5: {  	s6 =	ssub.s32 $0x0, s20;
	[sflag:s22] =	ssyncset.done $0x0  }
0xa6: {  	[sflag:s22] =	ssyncadd.s32 s6;
	_ =	sdelay $0x1  }
0xa7: {  	s23 =	simm.s32 $0x1B8B  }
0xa8: {  	_ =	swait.ge [sflag:s23], $0x1  }
0xa9: {  	[sflag:s23] =	ssyncset.done $0x0  }
0xaa: {  	s25 =	simm.s32 $0x1B8E;
	s24 =	sld [smem:$0x3FFE];
	[sflag:s23] =	ssyncadd.s32 $0xFFFFFFFF  }
0xab: {  	s26 =	simm.s32 $execute0_lowered;
	[smem:$0x3FD2] =	sst s25  }
0xac: {  	s7 =	sshll.u32 s26, $0x1;
	_ =	strace $0x80000046;
	[dreg:$0x1] =	wrdreg $0xFFFFFFFF  }
0xad: {  	s28 =	simm.s32 $_size_execute0_lowered;
	s5 =	sadd.s32 s5, s7;
	[dreg:$0x0] =	wrdreg $0x0  }
0xae: {  	s7 =	sshll.u32 s28, $0x1;
	[dreg:$0x2] =	wrdreg s5  }
0xaf: {  	[dreg:$0x3] =	wrdreg s7  }
0xb0: {  	[dreg:$0x4] =	wrdreg $0xC0  }
0xb1: {  	_ =	task [dreg:s9], $0x5FFFF  }
0xb2: {  	[dreg:$0x1] =	wrdreg $0xFFFFFFFF  }
0xb3: {  	[dreg:$0x0] =	wrdreg $0x60  }
0xb4: {  	[dreg:$0x2] =	wrdreg s24  }
0xb5: {  	[dreg:$0x3] =	wrdreg s16  }
0xb6: {  	[dreg:$0x4] =	wrdreg s18  }
0xb7: {  	[dreg:$0x5] =	wrdreg s17  }
0xb8: {  	[dreg:$0x6] =	wrdreg $0x9  }
0xb9: {  	_ =	task.clear_ibuf [dreg:s9], $0x7FFFF;
	_ =	strace $0x90000046  }
0xba: {  	s29 =	simm.s32 $0x9;
	_ =	strace $0x80000048  }
0xbb: {  	_ =	swait.ge [sflag:s29], $0x1  }
0xbc: {  	[sflag:s29] =	ssyncadd.s32 $0xFFFFFFFF  }
0xbd: {  	_ =	strace $0x90000048  }
0xbe: {  	_ =	sfence  }
0xbf: {  	s30 =	sld [smem:$0x0];
	_ =	sdelay $0x2  }
0xc0: {  	s31 =	sshll.u32 s1, $0xD;
	s1 =	sshrl.u32 s1, $0x2  }
0xc1: {  	s3 =	sand.u32 $0x4000, s31;
	s1 =	sadd.s32 s1, s30  }
0xc2: {  	s0 =	sor.u32 s3, s0;
	s1 =	sshll.u32 s1, $0x11  }
0xc3: {  	s0 =	sor.u32 s1, s0  }
0xc4: {  	s0 =	sadd.s32 $0x8F2B, s0  }
0xc5: {  	[sflag:s0] =	ssyncadd.remote.s32 $0x1  }
0xc6: {  	_ =	sfence.sel $0xFFFF  }
0xc7: {  	[dreg:$0x0] =	wrdreg $0xFFFFFFFF;
	(pc) =	sbr.abs _section_cstart, $3  }
0xc8: {  	[dreg:$0x1] =	wrdreg $0xFFFFFFFF  }
0xc9: {  	_ =	task.clear_ibuf [dreg:s9], $0x2FFFF;
	_ =	strace $0x9FFFFFFF  }
0xca: {  	(tm) =	ssettm $0x7FFFFFFF  }
0xcb: {  	_ =	shalt  }
tec
execute0_lowered:
.L_overlay_start_1:
0x0: {  	(tag) =	ssettag $0x1  }
0x1: {  	s4 =	stileid.u32  }
0x2: {  	s6 =	rddreg [dreg:$0x0];
	p0 =	sne.s32 s4, $0x0  }
.Ltmp0:
0x3: {  	s5 =	rddreg [dreg:$0x1];
	(pc) =	sbr.rel @p0 .LBB2_11-.Ltmp0, $4  }
0x4: {  	s2 =	rddreg [dreg:$0x2]  }
0x5: {  	s3 =	rddreg [dreg:$0x3];
	s1 =	simm.s32 $0x0  }
0x6: {  	[smem:$0x7FF] =	sst s1  }
0x7: {  	s0 =	rddreg [dreg:$0x4];
	_ =	strace $0x80000047  }
0x8: {  	s4 =	srdreg.scid;
	s8 =	sadd.s32 $0x1400, s6;
	s7 =	sadd.s32 $0x1E00, s6  }
0x9: {  	s12 =	simm.s32 $0x3C00;
	s13 =	simm.s32 $0x8C00;
	s14 =	simm.s32 $0x1  }
0xa: {  	s15 =	simm.s32 $0x8D80;
	s16 =	simm.s32 $0x8F80;
	s4 =	sand.u32 $0x1, s4  }
0xb: {  	s17 =	simm.s32 $0x9780;
	s18 =	simm.s32 $0x9F80;
	s9 =	sshll.u32 s4, $0x4  }
0xc: {  	s19 =	simm.s32 $0x0;
	s10 =	ssub.s32 $0x2, s4;
	s31 =	sadd.s32 s9, s6  }
0xd: {  	v0 =	vlaneseq.u32;
	s2 =	sadd.s32 s2, s9;
	s11 =	sshrl.u32 s10, $0x1;
	s3 =	sadd.s32 s3, s9  }
0xe: {  	v1 =	vmul.u32 $0xFFFFFFFF, v0;
	s5 =	sadd.s32 s5, s9;
	s6 =	sadd.s32 s6, s9;
	s7 =	sadd.s32 s7, s9  }
0xf: {  	s8 =	sadd.s32 s8, s9;
	s4 =	sadd.s32 $0x2400, s31;
	s10 =	ssub.s32 s10, s11  }
0x10: {  	v2 =	vimm.s32 $0x0;
	v3 =	vmul.u32 $0x4, v0;
	v1 =	vadd.s32 $0x13C8, v1;
	s11 =	simm.s32 $0x100;
	s9 =	smax.u32 s10, $0x1;
	s10 =	simm.s32 $0x80  }
.LBB2_2:
0x11: {  	s21 =	simm.s32 $0x0  }
0x12: {  	[tilespmem:s21], [sflag:$0x1] =	stream.strided.gather [hbm4b:s8+s10], $0x2800, s11, s10, $0x38;
	[tilespmem:$0xA180] =	vst v63  }
0x13: {  	s23 =	simm.s32 $0x2800  }
0x14: {  	[tilespmem:s23], [sflag:$0x1] =	stream.strided.gather [hbm4b:s7+s10], $0x1400, s11, s10, $0x38;
	[tilespmem:$0xA180] =	vst v63  }
0x15: {  	_ = 	snop  }
0x16: {  	[tilespmem:s12], [sflag:$0x1] =	stream.strided.gather [hbm4b:s6+s10], $0x5000, s11, s10, $0x38;
	[tilespmem:$0xA180] =	vst v63  }
0x17: {  	_ = 	snop  }
0x18: {  	[tilespmem:s13], [sflag:$0x1] =	stream.strided.gather [hbm4b:s5+s10], $0x180, s11, s10, $0x38;
	[tilespmem:$0xA180] =	vst v63  }
0x19: {  	_ =	swait.ge [sflag:s14], $0x2800  }
0x1a: {  	[sflag:s14] =	ssyncset.done $0x0  }
0x1b: {  	[sflag:s14] =	ssyncadd.s32 $0xFFFFD800  }
0x1c: {  	_ =	swait.ge [sflag:s14], $0x1400  }
0x1d: {  	[sflag:s14] =	ssyncset.done $0x0  }
0x1e: {  	s22 =	simm.s32 $0x0;
	s20 =	simm.s32 $0x0;
	[sflag:s14] =	ssyncadd.s32 $0xFFFFEC00  }
.LBB2_3:
0x1f: {  	p1 =	slt.s32 s20, $0x80  }
0x20: {  	p2 =	sgt.s32 @!p1 s22, $0x17F  }
0x21: {  	p1 =	por p1, !p2  }
0x22: {  	v4 =	vld @p1 [tilespmem:s23+$0x0];
	_ =	sdelay $0x7  }
0x23: {  	v5 =	vld.idx.msk @p1 [tilespmem:v4+s1+$0x0], $0xffff;
	_ =	sdelay $0x3  }
0x24: {  	v6 =	vmov @p1 s21  }
0x25: {  	vm0 =	vlt.u32 @p1 v6, v1;
	vm1 =	vge.f32 @p1 v5, $5.000000000e-01  }
0x26: {  	vm2 =	vmneg @p1 vm1;
	vm1 =	vmand @p1 vm0, vm1  }
0x27: {  	vm0 =	vmand @p1 vm0, vm2;
	v5 =	vsel @p1 vm1, $0x1, v2  }
0x28: {  	v6 =	vsel @p1 vm0, $0x1, v2;
	(xrf0) =	vadd.scan.msk.s32 @p1 $0xffff, v5  }
0x29: {  	(xrf0) =	vadd.scan.msk.s32 @p1 $0xffff, v6;
	_ =	sdelay $0x4  }
0x2a: {  	v5, _, _ =	vpop @p1 (xrf0)  }
0x2b: {  	v6, _, _ =	vpop @p1 (xrf0);
	(v2sf) =	vpush @p1 v5, $0xF  }
0x2c: {  	(v2sf) =	vpush @p1 v6, $0xF;
	_ =	sdelay $0x4  }
0x2d: {  	v7 =	vsel @p1 vm1, $0xFFFFFFFF, v2  }
0x2e: {  	v8 =	vsel @p1 vm0, $0xFFFFFFFF, v2;
	v7 =	vadd.s32 @p1 s20, v7  }
0x2f: {  	v5 =	vadd.s32 @p1 v5, v7;
	v7 =	vadd.s32 @p1 s22, v8  }
0x30: {  	v6 =	vadd.s32 @p1 v6, v7;
	vm2 =	vlt.s32 @p1 v5, $0x80  }
0x31: {  	vm1 =	vmand @p1 vm1, vm2;
	vm2 =	vlt.s32 @p1 v6, $0x180  }
0x32: {  	vm0 =	vmand @p1 vm0, vm2  }
0x33: {  	v6 =	vadd.s32 @p1 $0x80, v6;
	_ =	sdelay $0x2  }
0x34: {  	s24 =	spop @p1 (v2sf)  }
0x35: {  	s21 =	sadd.s32 $0x10, s21;
	[tilespmem:v5+s15+$0x0] =	vst.idx.msk @p1 vm1, v4;
	s25 =	spop @p1 (v2sf)  }
0x36: {  	[tilespmem:v6+s15+$0x0] =	vst.idx.msk @p1 vm0, v4;
	s20 =	sadd.s32 @p1 s20, s24;
	s22 =	sadd.s32 @p1 s22, s25;
	p1 =	sne.s32 s21, $0x13D0  }
.Ltmp1:
0x37: {  	_ = 	snop;
	(pc) =	sbr.rel @p1 .LBB2_3-.Ltmp1, $2  }
0x38: {  	_ =	sdelay $0x2  }
0x39: {  	s23 =	sadd.s32 $0x10, s23  }
0x3a: {  	p1 =	slt.s32 s20, $0x80  }
0x3b: {  	p2 =	sgt.s32 @!p1 s22, $0x17F  }
0x3c: {  	p1 =	por p1, !p2  }
.Ltmp2:
0x3d: {  	_ = 	snop;
	(pc) =	sbr.rel @!p1 .LBB2_8-.Ltmp2, $1  }
0x3e: {  	_ =	sdelay $0x3  }
0x3f: {  	s21 =	simm.s32 $0x0  }
0x40: {  	v4 =	vld [tilespmem:s21+$0x0];
	_ =	sdelay $0x4  }
0x41: {  	v5 =	vor.u32 s21, v0;
	vm0 =	vge.f32 v4, $5.000000000e-01  }
0x42: {  	vm1 =	vlt.u32 v5, $0x13C8;
	vm2 =	vmneg vm0  }
0x43: {  	vm2 =	vmand vm1, vm2  }
0x44: {  	vm0 =	vmand vm1, vm0;
	v4 =	vsel vm2, $0x1, v2  }
0x45: {  	v6 =	vsel vm0, $0x1, v2;
	(xrf0) =	vadd.scan.msk.s32 $0xffff, v4  }
0x46: {  	(xrf0) =	vadd.scan.msk.s32 $0xffff, v6;
	_ =	sdelay $0x3  }
0x47: {  	s22 =	sadd.s32 $0x80, s22;
	s23 =	sadd.s32 $0x0, s20;
	v4 =	vsel vm2, $0xFFFFFFFF, v2  }
0x48: {  	s24 =	sadd.s32 $0x0, s22;
	v6 =	vsel vm0, $0xFFFFFFFF, v2;
	v4 =	vadd.s32 s23, v4;
	v7, _, _ =	vpop (xrf0)  }
0x49: {  	v6 =	vadd.s32 s24, v6;
	v4 =	vadd.s32 v7, v4;
	v8, _, _ =	vpop (xrf0);
	(v2sf) =	vpush v7, $0xF  }
0x4a: {  	v6 =	vadd.s32 v8, v6;
	vm1 =	vlt.s32 v4, $0x80  }
0x4b: {  	(v2sf) =	vpush v8, $0xF;
	vm1 =	vmand vm2, vm1;
	vm2 =	vlt.s32 v6, $0x200  }
0x4c: {  	vm0 =	vmand vm0, vm2;
	_ =	sdelay $0x4  }
0x4d: {  	[tilespmem:v4+s15+$0x0] =	vst.idx.msk vm1, v5  }
0x4e: {  	s24 =	simm.s32 $0x10;
	[tilespmem:v6+s15+$0x0] =	vst.idx.msk vm0, v5  }
0x4f: {  	v5 =	vld [tilespmem:s24+$0x0];
	_ =	sdelay $0x4  }
0x50: {  	s26 =	simm.s32 $0x20;
	s23 =	simm.s32 $0x0;
	v4 =	vor.u32 s24, v0;
	vm0 =	vge.f32 v5, $5.000000000e-01;
	s25 =	spop (v2sf)  }
.LBB2_6:
0x51: {  	s21 =	sadd.s32 s21, s25  }
0x52: {  	vm1 =	vlt.u32 v4, $0x13C8;
	vm2 =	vmneg vm0;
	s25 =	spop (v2sf);
	s28 =	smov.u32 s26;
	s29 =	sadd.s32 $0x10, s26  }
0x53: {  	p1 =	sne.s32 s26, $0x13C0;
	vm2 =	vmand vm1, vm2;
	vm0 =	vmand vm1, vm0;
	s23 =	sadd.s32 s23, s25  }
0x54: {  	v5 =	vsel vm2, $0xFFFFFFFF, v2;
	v6 =	vsel vm2, $0x1, v2;
	v7 =	vsel vm0, $0x1, v2;
	s25 =	sadd.s32 s23, s22  }
0x55: {  	v8 =	vsel vm0, $0xFFFFFFFF, v2;
	(xrf0) =	vadd.scan.msk.s32 $0xffff, v6  }
0x56: {  	v6 =	vadd.s32 s25, v8;
	(xrf0) =	vadd.scan.msk.s32 $0xffff, v7;
	_ =	sdelay $0x3  }
0x57: {  	s25 =	sadd.s32 s20, s21  }
0x58: {  	v5 =	vadd.s32 s25, v5;
	v7, _, _ =	vpop (xrf0)  }
0x59: {  	v5 =	vadd.s32 v7, v5;
	v8, _, _ =	vpop (xrf0);
	(v2sf) =	vpush v7, $0xF  }
0x5a: {  	v6 =	vadd.s32 v8, v6;
	vm1 =	vlt.s32 v5, $0x80;
	(v2sf) =	vpush v8, $0xF  }
0x5b: {  	vm1 =	vmand vm2, vm1;
	vm2 =	vlt.s32 v6, $0x200  }
0x5c: {  	vm0 =	vmand vm0, vm2;
	_ =	sdelay $0x4  }
0x5d: {  	[tilespmem:v5+s15+$0x0] =	vst.idx.msk vm1, v4  }
0x5e: {  	s24 =	sadd.s32 $0x10, s24;
	[tilespmem:v6+s15+$0x0] =	vst.idx.msk vm0, v4  }
0x5f: {  	v5 =	vld [tilespmem:s24+$0x0]  }
.Ltmp3:
0x60: {  	(pc) =	sbr.rel @p1 .LBB2_6-.Ltmp3, $2  }
0x61: {  	_ =	sdelay $0x2  }
0x62: {  	s26 =	smov.u32 s29;
	v4 =	vor.u32 s28, v0;
	vm0 =	vge.f32 v5, $5.000000000e-01;
	s25 =	spop (v2sf)  }
0x63: {  	vm1 =	vlt.u32 v4, $0x13C8;
	vm2 =	vmneg vm0  }
0x64: {  	vm2 =	vmand vm1, vm2  }
0x65: {  	vm13 =	vmand vm1, vm0;
	v5 =	vsel vm2, $0x1, v2  }
0x66: {  	v6 =	vsel vm13, $0x1, v2;
	(xrf0) =	vadd.scan.msk.s32 $0xffff, v5  }
0x67: {  	(xrf0) =	vadd.scan.msk.s32 $0xffff, v6;
	_ =	sdelay $0x4  }
0x68: {  	v5, _, _ =	vpop (xrf0)  }
0x69: {  	v6, _, _ =	vpop (xrf0);
	(v2sf) =	vpush v5, $0xF  }
0x6a: {  	(v2sf) =	vpush v6, $0xF;
	_ =	sdelay $0x2  }
0x6b: {  	s21 =	sadd.s32 s21, s25;
	s24 =	spop (v2sf)  }
0x6c: {  	s23 =	sadd.s32 s23, s24;
	s20 =	sadd.s32 s20, s21;
	v7 =	vsel vm2, $0xFFFFFFFF, v2  }
0x6d: {  	s29 =	sadd.s32 s23, s22;
	v8 =	vsel vm13, $0xFFFFFFFF, v2;
	v7 =	vadd.s32 s20, v7  }
0x6e: {  	v8 =	vadd.s32 s29, v8;
	v5 =	vadd.s32 v5, v7  }
0x6f: {  	v6 =	vadd.s32 v6, v8;
	vm14 =	vlt.s32 v5, $0x80  }
0x70: {  	vm1 =	vmand vm2, vm14;
	vm15 =	vlt.s32 v6, $0x200  }
0x71: {  	vm0 =	vmand vm13, vm15;
	_ =	sdelay $0x4  }
0x72: {  	[tilespmem:v5+s15+$0x0] =	vst.idx.msk vm1, v4;
	s30 =	spop (v2sf)  }
0x73: {  	[tilespmem:v6+s15+$0x0] =	vst.idx.msk vm0, v4;
	s31 =	spop (v2sf)  }
.LBB2_8:
0x74: {  	_ =	swait.ge [sflag:s14], $0x5000  }
0x75: {  	[sflag:s14] =	ssyncset.done $0x0  }
0x76: {  	[sflag:s14] =	ssyncadd.s32 $0xFFFFB000  }
0x77: {  	_ =	swait.ge [sflag:s14], $0x180  }
0x78: {  	s20 =	simm.s32 $0x0;
	[sflag:s14] =	ssyncset.done $0x0  }
0x79: {  	s21 =	simm.s32 $0x8D80;
	s22 =	simm.s32 $0x9F80;
	[sflag:s14] =	ssyncadd.s32 $0xFFFFFE80  }
.LBB2_9:
0x7a: {  	v4 =	vld [tilespmem:s21+$0x0];
	_ =	sdelay $0x4  }
0x7b: {  	v5 =	vadd.s32 $0x1400, v4;
	_ =	sdelay $0x4  }
0x7c: {  	v6 =	vld.idx.msk [tilespmem:v5+s1+$0x0], $0xffff;
	_ =	sdelay $0x4  }
0x7d: {  	v7 =	vadd.s32 $0x100, v6;
	_ =	sdelay $0x3  }
0x7e: {  	v8 =	vld.idx.msk [tilespmem:v4+s1+$0x0], $0xffff  }
0x7f: {  	v7 =	vld.idx.msk [tilespmem:v7+s13+$0x0], $0xffff;
	_ =	sdelay $0x3  }
0x80: {  	vm0 =	vge.f32 v8, $5.000000000e-01  }
0x81: {  	v46 =	vmov s20;
	v7 =	vnsel vm0, $0x0, v7  }
0x82: {  	v8 =	vshll.u32 v46, $0x2;
	[tilespmem:s22+$0x0] =	vst v7  }
0x83: {  	v47 =	vor.u32 v3, v8;
	v48 =	vld.idx.msk [tilespmem:v4+s12+$0x0], $0xffff;
	_ =	sdelay $0x4  }
0x84: {  	v9 =	vld.idx.msk [tilespmem:v6+s13+$0x0], $0xffff;
	[tilespmem:v47+s16+$0x0] =	vst.idx.msk $0xffff, v48  }
0x85: {  	v10 =	vadd.s32 $0x40, v6;
	v11 =	vor.u32 $0x1, v47;
	v5 =	vld.idx.msk [tilespmem:v5+s12+$0x0], $0xffff  }
0x86: {  	v12 =	vadd.s32 $0x2800, v4;
	_ =	sdelay $0x3  }
0x87: {  	v10 =	vld.idx.msk [tilespmem:v10+s13+$0x0], $0xffff;
	[tilespmem:v11+s16+$0x0] =	vst.idx.msk $0xffff, v5  }
0x88: {  	v13 =	vadd.s32 $0x80, v6;
	v14 =	vor.u32 $0x2, v47;
	v12 =	vld.idx.msk [tilespmem:v12+s12+$0x0], $0xffff  }
0x89: {  	v4 =	vadd.s32 $0x3C00, v4;
	_ =	sdelay $0x3  }
0x8a: {  	v13 =	vld.idx.msk [tilespmem:v13+s13+$0x0], $0xffff;
	[tilespmem:v14+s16+$0x0] =	vst.idx.msk $0xffff, v12  }
0x8b: {  	v4 =	vld.idx.msk [tilespmem:v4+s12+$0x0], $0xffff;
	_ =	sdelay $0x3  }
0x8c: {  	v12 =	vsub.f32 v12, v48  }
0x8d: {  	v6 =	vadd.s32 $0xC0, v6;
	v15 =	vsub.f32 v4, v5  }
0x8e: {  	(erf) = vrcp.f32 v12  }
0x8f: {  	(erf) = vrcp.f32 v15;
	_ =	sdelay $0x2  }
0x90: {  	v6 =	vld.idx.msk [tilespmem:v6+s13+$0x0], $0xffff;
	_ =	sdelay $0x3  }
0x91: {  	v13 =	vsub.f32 v13, v9  }
0x92: {  	v6 =	vsub.f32 v6, v10;
	v16 =	vpop (erf)  }
0x93: {  	v17 =	vmul.f32 v13, v16;
	v18 =	vpop (erf)  }
0x94: {  	v20 =	vmul.f32 v6, v18  }
0x95: {  	v19 =	vand.u32 $0x7FFFFF, v17  }
0x96: {  	v19 =	vor.u32 $0x3F800000, v19;
	v22 =	vand.u32 $0x7FFFFF, v20  }
0x97: {  	v21 =	vadd.f32 $1.000000000e+00, v19;
	v22 =	vor.u32 $0x3F800000, v22  }
0x98: {  	v49 =	vadd.f32 $1.000000000e+00, v22  }
0x99: {  	(erf) = vrcp.f32 v21  }
0x9a: {  	(erf) = vrcp.f32 v49;
	_ =	sdelay $0x6  }
0x9b: {  	v19 =	vadd.f32 $-1.000000000e+00, v19  }
0x9c: {  	v51 =	vadd.f32 $-1.000000000e+00, v22;
	v50 =	vpop (erf)  }
0x9d: {  	v19 =	vmul.f32 v50, v19;
	v52 =	vpop (erf)  }
0x9e: {  	v21 =	vmul.f32 v52, v51  }
0x9f: {  	v23 =	vmul.f32 v19, v19  }
0xa0: {  	v24 =	vmul.f32 v21, v21  }
0xa1: {  	v53 =	vmul.f32 $1.111111120e-01, v23  }
0xa2: {  	v25 =	vmul.f32 $1.111111120e-01, v24  }
0xa3: {  	v22 =	vadd.f32 $1.428571490e-01, v53  }
0xa4: {  	v25 =	vadd.f32 $1.428571490e-01, v25  }
0xa5: {  	v22 =	vmul.f32 v22, v23  }
0xa6: {  	v25 =	vmul.f32 v25, v24  }
0xa7: {  	v22 =	vadd.f32 $2.000000030e-01, v22  }
0xa8: {  	v25 =	vadd.f32 $2.000000030e-01, v25  }
0xa9: {  	v22 =	vmul.f32 v22, v23  }
0xaa: {  	v12 =	vmul.f32 $5.000000000e-01, v12;
	v25 =	vmul.f32 v25, v24  }
0xab: {  	v15 =	vmul.f32 $5.000000000e-01, v15;
	v13 =	vmul.f32 $5.000000000e-01, v13;
	v22 =	vadd.f32 $3.333333430e-01, v22  }
0xac: {  	v61 =	vor.u32 $0x3, v47;
	v8 =	vadd.f32 v12, v48;
	v55 =	vadd.f32 $3.333333430e-01, v25  }
0xad: {  	v5 =	vadd.f32 v15, v5;
	v9 =	vadd.f32 v9, v13;
	v54 =	vmul.f32 v22, v23  }
0xae: {  	v57 =	vshra.s32 v17, $0x17;
	v6 =	vmul.f32 $5.000000000e-01, v6;
	v56 =	vmul.f32 v55, v24  }
0xaf: {  	v58 =	vadd.s32 $0xFFFFFF81, v57;
	v8 =	vsub.f32 v9, v8;
	v12 =	vadd.f32 $1.000000000e+00, v54  }
0xb0: {  	v6 =	vadd.f32 v10, v6;
	v60 =	vshra.s32 v20, $0x17;
	v13 =	vadd.f32 $1.000000000e+00, v56  }
0xb1: {  	v9 =	vcvt.s32.f32 v58;
	v59 =	vmul.f32 v12, v19;
	v12 =	vadd.s32 $0xFFFFFF81, v60  }
0xb2: {  	v5 =	vsub.f32 v6, v5;
	v12 =	vcvt.s32.f32 v12;
	v62 =	vmul.f32 v13, v21  }
0xb3: {  	v8 =	vmul.f32 $1.000000000e+01, v8;
	v9 =	vmul.f32 $6.931471820e-01, v9;
	v10 =	vadd.f32 v59, v59  }
0xb4: {  	v5 =	vmul.f32 $1.000000000e+01, v5;
	v12 =	vmul.f32 $6.931471820e-01, v12;
	v6 =	vadd.f32 v62, v62  }
0xb5: {  	p1 =	sne.s32 s20, $0x1F0;
	v8 =	vmul.f32 v8, v16;
	v9 =	vadd.f32 v10, v9  }
.Ltmp4:
0xb6: {  	[tilespmem:v61+s16+$0x0] =	vst.idx.msk $0xffff, v4;
	v4 =	vmul.f32 v5, v18;
	v5 =	vadd.f32 v6, v12;
	(pc) =	sbr.rel @p1 .LBB2_9-.Ltmp4, $4  }
0xb7: {  	[tilespmem:v47+s17+$0x0] =	vst.idx.msk $0xffff, v8;
	v63 =	vmul.f32 $5.000000000e+00, v9  }
0xb8: {  	[tilespmem:v11+s17+$0x0] =	vst.idx.msk $0xffff, v4;
	v5 =	vmul.f32 $5.000000000e+00, v5  }
0xb9: {  	[tilespmem:v14+s17+$0x0] =	vst.idx.msk $0xffff, v63  }
0xba: {  	s21 =	sadd.s32 $0x10, s21;
	s20 =	sadd.s32 $0x10, s20;
	s22 =	sadd.s32 $0x10, s22;
	[tilespmem:v61+s17+$0x0] =	vst.idx.msk $0xffff, v5  }
0xbb: {  	[hbm4b:s2+s10] =	stream.strided.scatter [tilespmem:s16], [sflag:$0x1], $0x800, s11, s10, $0x38;
	[tilespmem:$0xA180] =	vst v63  }
0xbc: {  	_ = 	snop  }
0xbd: {  	[hbm4b:s3+s10] =	stream.strided.scatter [tilespmem:s18], [sflag:$0x1], $0x200, s11, s10, $0x38;
	[tilespmem:$0xA180] =	vst v63  }
0xbe: {  	_ = 	snop  }
0xbf: {  	[hbm4b:s4+s10] =	stream.strided.scatter [tilespmem:s17], [sflag:$0x1], $0x800, s11, s10, $0x38;
	[tilespmem:$0xA180] =	vst v63  }
0xc0: {  	_ =	swait.ge [sflag:s14], $0x800  }
0xc1: {  	[sflag:s14] =	ssyncset.done $0x0  }
0xc2: {  	s19 =	sadd.s32 $0x1, s19;
	[sflag:s14] =	ssyncadd.s32 $0xFFFFF800  }
0xc3: {  	p1 =	sne.s32 s19, s9;
	_ =	swait.ge [sflag:s14], $0x200  }
.Ltmp5:
0xc4: {  	[sflag:s14] =	ssyncset.done $0x0;
	(pc) =	sbr.rel @p1 .LBB2_2-.Ltmp5, $4  }
0xc5: {  	[sflag:s14] =	ssyncadd.s32 $0xFFFFFE00  }
0xc6: {  	_ =	swait.ge [sflag:s14], $0x800  }
0xc7: {  	[sflag:s14] =	ssyncset.done $0x0  }
0xc8: {  	[sflag:s14] =	ssyncadd.s32 $0xFFFFF800  }
.LBB2_11:
0xc9: {  	_ =	sfence.sel $0x180000  }
0xca: {  	[bflag:$0x0] =	sbarrier.arrive $0xFFFF  }
0xcb: {  	_ =	strace $0x90000047  }
0xcc: {  	s0 =	sadd.s32 @!p0 $0x100000, s0;
	[bflag:$0x2] =	sbarrier.arrive $0xFFFF  }
0xcd: {  	[sflag:s0] =	ssyncadd.tile.s32 @!p0 $0x1;
	_ =	shalt  }
.Lfunc_end2:
_tile_overlayer_lowered:
.L_overlay_start_2:
0xce: {  	(tag) =	ssettag $0x2  }
0xcf: {  	s0 =	rddreg [dreg:$0x0];
	s2 =	stileid.u32  }
0xd0: {  	s1 =	rddreg [dreg:$0x1];
	p0 =	sne.s32 s2, $0x0  }
0xd1: {  	s3 =	rddreg [dreg:$0x2];
	[bflag:$0x3] =	sbarrier.arrive $0xFFFF;
	s2 =	simm.s32 @!p0 $0x1C02  }
0xd2: {  	[timem:s3], [sflag:s2] =	dma.local @!p0 [hbm:s0], s1  }
0xd3: {  	s0 =	simm.s32 @!p0 $0x2  }
0xd4: {  	_ =	swait.ge @!p0 [sflag:s0], s1  }
0xd5: {  	s1 =	ssub.s32 @!p0 $0x0, s1;
	[sflag:s0] =	ssyncset.done @!p0 $0x0  }
0xd6: {  	[sflag:s0] =	ssyncadd.s32 @!p0 s1  }
0xd7: {  	[bflag:$0x3] =	sbarrier.arrive $0xFFFF  }
0xd8: {  	_ =	shalt  }

</sc_bundles>
